<compile_context>
chip_gen: v7x
topology: tpu7x:2x2x1
jax: 0.10.2.dev20260603
libtpu: 0.0.44.dev20260713+nightly
codegen_flags: <defaults>
</compile_context>

<pallas_src>
import functools

import jax
import jax.numpy as jnp
from jax import lax
from jax.experimental import pallas as pl
from jax.experimental.pallas import tpu as pltpu
from jax.experimental.pallas import tpu_sc as plsc

EMBED = 64
NC = 2
NS = 16
NW = NC * NS
BLK = 128


@functools.lru_cache(maxsize=None)
def _build(B, T):
    mesh = plsc.VectorSubcoreMesh(core_axis_name="c", subcore_axis_name="s")

    @functools.partial(
        pl.kernel,
        out_type=jax.ShapeDtypeStruct((T, 8, B // BLK, 8, BLK), jnp.float32),
        mesh=mesh,
        compiler_params=pltpu.CompilerParams(
            use_tc_tiling_on_sc=False, needs_layout_passes=False
        ),
        scratch_types=[
            pltpu.VMEM((T, BLK), jnp.int32),
            pltpu.VMEM((BLK, EMBED), jnp.float32),
            pltpu.VMEM((BLK, EMBED), jnp.float32),
            pltpu.VMEM((64, 129), jnp.float32),
            pltpu.VMEM((64, 129), jnp.float32),
            pltpu.SemaphoreType.DMA,
            pltpu.SemaphoreType.DMA,
            pltpu.SemaphoreType.DMA,
            pltpu.SemaphoreType.DMA,
        ],
    )
    def emb(xt_hbm, table_hbm, out_hbm, idx_v, rows0, rows1, t0, t1,
            gsem0, gsem1, osem0, osem1):
        wid = lax.axis_index("s") * NC + lax.axis_index("c")
        pltpu.sync_copy(xt_hbm.at[:, wid], idx_v)

        bufs = (rows0, rows1)
        tbufs = (t0, t1)
        gsems = (gsem0, gsem1)
        osems = (osem0, osem1)

        row_ids = [lax.iota(jnp.int32, 16) + 16 * k for k in range(4)]
        zero16 = jnp.zeros((16,), jnp.int32)

        def fire_gather(t, b):
            pltpu.async_copy(
                table_hbm.at[idx_v.at[t]], bufs[b], gsems[b]
            )

        def drain_gather(b):
            pltpu.make_async_copy(
                table_hbm.at[pl.ds(0, BLK)], bufs[b], gsems[b]
            ).wait()

        def fire_out(t, b):
            for e8 in range(8):
                pltpu.async_copy(
                    tbufs[b].at[pl.ds(8 * e8, 8), pl.ds(0, BLK)],
                    out_hbm.at[t, e8, wid],
                    osems[b],
                )

        def drain_out(b):
            for e8 in range(8):
                pltpu.make_async_copy(
                    out_hbm.at[0, e8, 0],
                    tbufs[b].at[pl.ds(8 * e8, 8), pl.ds(0, BLK)],
                    osems[b],
                ).wait()

        def transpose(b):
            @plsc.parallel_loop(0, BLK, unroll=16)
            def _(br):
                col = zero16 + br
                for k in range(4):
                    v = bufs[b][br, pl.ds(k * 16, 16)]
                    plsc.store_scatter(tbufs[b], [row_ids[k], col], v)

        fire_gather(0, 0)
        fire_gather(1, 1)

        @pl.loop(0, T // 2)
        def _(p):
            for b in range(2):
                t = p * 2 + b
                drain_gather(b)

                @pl.when(t >= 2)
                def _():
                    drain_out(b)

                transpose(b)
                fire_out(t, b)

                @pl.when(t + 2 < T)
                def _():
                    fire_gather(t + 2, b)

        drain_out(0)
        drain_out(1)

    return emb


def kernel(x, table):
    B, T = x.shape
    xt = x.astype(jnp.int32).T.reshape(T, NW, BLK)
    out6 = _build(B, T)(xt, table)
    return out6.transpose(2, 4, 0, 1, 3).reshape(B, T, EMBED)

# --- scband reference (transcript-rebuilt; emitter-appended) ---
"""Pipeline reference for scband-word-embedding-7026566497031 (READ-ONLY COPY).

The authoritative reference and input builder live on the scoring server;
editing this copy changes nothing except your own understanding.
"""

import jax, jax.numpy as jnp
import numpy as np

VOCAB = 1000000
EMBED = 64
B = 4096
T = 200

def setup_inputs(seed: int = 0) -> dict:
    key = jax.random.key(seed)
    k1, k2 = jax.random.split(key)
    x = jax.random.randint(k1, (B, T), 0, VOCAB, dtype=jnp.int64 if jax.config.jax_enable_x64 else jnp.int32)
    table = jax.random.normal(k2, (VOCAB, EMBED), dtype=jnp.float32)
    return {"x": x, "table": table}

def reference(x, table):
    # WordEmbedding with method='vanilla' is a plain nn.Embedding lookup:
    # out[b, t, :] = table[x[b, t], :]
    return jnp.take(table, x, axis=0)

if __name__ == "__main__":
    import jax
    _d = setup_inputs()
    print(jax.jit(kernel)(*tuple(_d.values())))

</pallas_src>

<mosaic_0001>
#map = affine_map<(d0, d1) -> (0, 0, 0)>
#map1 = affine_map<(d0, d1) -> (0, 0)>
#map2 = affine_map<(d0, d1) -> (0, 0, 0, 0, 0)>
module attributes {stable_mosaic.version = 14 : i64} {
  func.func @emb(%arg0: i32, %arg1: i32, %arg2: memref<200x32x128xi32, #tpu.memory_space<hbm>>, %arg3: memref<1000000x64xf32, #tpu.memory_space<hbm>>, %arg4: memref<200x8x32x8x128xf32, #tpu.memory_space<hbm>>, %arg5: memref<200x128xi32, #tpu.memory_space<vmem>>, %arg6: memref<128x64xf32, #tpu.memory_space<vmem>>, %arg7: memref<128x64xf32, #tpu.memory_space<vmem>>, %arg8: memref<64x129xf32, #tpu.memory_space<vmem>>, %arg9: memref<64x129xf32, #tpu.memory_space<vmem>>, %arg10: memref<!tpu.dma_semaphore, #tpu.memory_space<semaphore_mem>>, %arg11: memref<!tpu.dma_semaphore, #tpu.memory_space<semaphore_mem>>, %arg12: memref<!tpu.dma_semaphore, #tpu.memory_space<semaphore_mem>>, %arg13: memref<!tpu.dma_semaphore, #tpu.memory_space<semaphore_mem>>) attributes {dimension_semantics = [#tpu.dimension_semantics<core_parallel>, #tpu.dimension_semantics<subcore_parallel>], iteration_bounds = array<i64: 2, 16>, scalar_prefetch = 0 : i64, scratch_operands = 9 : i64, tpu.core_type = #tpu.core_type<sc_vector_subcore>, window_params = [{transform_indices = #map}, {transform_indices = #map1}, {transform_indices = #map2}]} {
    %mul3A = arith.constant 2 : i32
    %mul3A_0 = arith.muli %arg1, %mul3A : i32
    %add3A = arith.addi %mul3A_0, %arg0 : i32
    "tpu.region"() ({
      %run_scoped3A = tpu.sem_alloc : memref<!tpu.dma_semaphore, #tpu.memory_space<semaphore_mem>>
      %dma_start3A_305 = arith.constant 0 : i32
      %dma_start3A_306 = arith.constant 0 : i32
      %dma_start3A_307 = tpu.memref_slice %arg2[%dma_start3A_305, %add3A, %dma_start3A_306] : memref<200x32x128xi32, #tpu.memory_space<hbm>> -> memref<200x1x128xi32, #tpu.memory_space<hbm>>
      %dma_start3A_308 = tpu.memref_squeeze %dma_start3A_307 : memref<200x1x128xi32, #tpu.memory_space<hbm>> -> memref<200x128xi32, #tpu.memory_space<hbm>>
      %dma_start3A_309 = arith.constant 0 : i32
      %dma_start3A_310 = arith.constant 0 : i32
      %dma_start3A_311 = tpu.memref_slice %arg2[%dma_start3A_309, %add3A, %dma_start3A_310] : memref<200x32x128xi32, #tpu.memory_space<hbm>> -> memref<200x1x128xi32, #tpu.memory_space<hbm>>
      %dma_start3A_312 = tpu.memref_squeeze %dma_start3A_311 : memref<200x1x128xi32, #tpu.memory_space<hbm>> -> memref<200x128xi32, #tpu.memory_space<hbm>>
      tpu.enqueue_dma source(%dma_start3A_312 : memref<200x128xi32, #tpu.memory_space<hbm>>) target(%arg5 : memref<200x128xi32, #tpu.memory_space<vmem>>) target_semaphore(%run_scoped3A : memref<!tpu.dma_semaphore, #tpu.memory_space<semaphore_mem>>)
      %dma_wait3A_313 = arith.constant 0 : i32
      %dma_wait3A_314 = arith.constant 0 : i32
      %dma_wait3A_315 = tpu.memref_slice %arg2[%dma_wait3A_313, %add3A, %dma_wait3A_314] : memref<200x32x128xi32, #tpu.memory_space<hbm>> -> memref<200x1x128xi32, #tpu.memory_space<hbm>>
      %dma_wait3A_316 = tpu.memref_squeeze %dma_wait3A_315 : memref<200x1x128xi32, #tpu.memory_space<hbm>> -> memref<200x128xi32, #tpu.memory_space<hbm>>
      %dma_wait3A_317 = arith.constant 0 : i32
      %dma_wait3A_318 = arith.constant 0 : i32
      %dma_wait3A_319 = tpu.memref_slice %arg2[%dma_wait3A_317, %add3A, %dma_wait3A_318] : memref<200x32x128xi32, #tpu.memory_space<hbm>> -> memref<200x1x128xi32, #tpu.memory_space<hbm>>
      %dma_wait3A_320 = tpu.memref_squeeze %dma_wait3A_319 : memref<200x1x128xi32, #tpu.memory_space<hbm>> -> memref<200x128xi32, #tpu.memory_space<hbm>>
      tpu.wait_dma2 semaphore(%run_scoped3A : memref<!tpu.dma_semaphore, #tpu.memory_space<semaphore_mem>>) src(%dma_wait3A_320 : memref<200x128xi32, #tpu.memory_space<hbm>>) dst(%arg5 : memref<200x128xi32, #tpu.memory_space<vmem>>)
      tpu.yield
    }) : () -> ()
    %iota3A = tpu.iota {dimensions = array<i32: 0>} : vector<16xi32>
    %add3A_1 = arith.constant 0 : i32
    %add3A_2 = vector.broadcast %add3A_1 : i32 to vector<16xi32>
    %add3A_3 = arith.addi %iota3A, %add3A_2 : vector<16xi32>
    %iota3A_4 = tpu.iota {dimensions = array<i32: 0>} : vector<16xi32>
    %add3A_5 = arith.constant 16 : i32
    %add3A_6 = vector.broadcast %add3A_5 : i32 to vector<16xi32>
    %add3A_7 = arith.addi %iota3A_4, %add3A_6 : vector<16xi32>
    %iota3A_8 = tpu.iota {dimensions = array<i32: 0>} : vector<16xi32>
    %add3A_9 = arith.constant 32 : i32
    %add3A_10 = vector.broadcast %add3A_9 : i32 to vector<16xi32>
    %add3A_11 = arith.addi %iota3A_8, %add3A_10 : vector<16xi32>
    %iota3A_12 = tpu.iota {dimensions = array<i32: 0>} : vector<16xi32>
    %add3A_13 = arith.constant 48 : i32
    %add3A_14 = vector.broadcast %add3A_13 : i32 to vector<16xi32>
    %add3A_15 = arith.addi %iota3A_12, %add3A_14 : vector<16xi32>
    %broadcast_in_dim3A = arith.constant 0 : i32
    %broadcast_in_dim3A_16 = vector.broadcast %broadcast_in_dim3A : i32 to vector<16xi32>
    %dma_start3A = arith.constant 0 : i32
    %dma_start3A_17 = arith.constant 0 : i32
    %dma_start3A_18 = tpu.memref_slice %arg5[%dma_start3A, %dma_start3A_17] : memref<200x128xi32, #tpu.memory_space<vmem>> -> memref<1x128xi32, #tpu.memory_space<vmem>>
    %dma_start3A_19 = tpu.memref_squeeze %dma_start3A_18 : memref<1x128xi32, #tpu.memory_space<vmem>> -> memref<128xi32, #tpu.memory_space<vmem>>
    %dma_start3A_20 = arith.constant 0 : i32
    %dma_start3A_21 = arith.constant 0 : i32
    %dma_start3A_22 = tpu.memref_slice %arg3[%dma_start3A_20, %dma_start3A_21] : memref<1000000x64xf32, #tpu.memory_space<hbm>> -> memref<1000000x64xf32, #tpu.memory_space<hbm>>
    tpu.enqueue_indirect_dma source(%dma_start3A_22 : memref<1000000x64xf32, #tpu.memory_space<hbm>>) target(%arg6 : memref<128x64xf32, #tpu.memory_space<vmem>>) offsets(%dma_start3A_19 : memref<128xi32, #tpu.memory_space<vmem>>) semaphore(%arg10 : memref<!tpu.dma_semaphore, #tpu.memory_space<semaphore_mem>>)
    %dma_start3A_23 = arith.constant 1 : i32
    %dma_start3A_24 = arith.constant 0 : i32
    %dma_start3A_25 = tpu.memref_slice %arg5[%dma_start3A_23, %dma_start3A_24] : memref<200x128xi32, #tpu.memory_space<vmem>> -> memref<1x128xi32, #tpu.memory_space<vmem>>
    %dma_start3A_26 = tpu.memref_squeeze %dma_start3A_25 : memref<1x128xi32, #tpu.memory_space<vmem>> -> memref<128xi32, #tpu.memory_space<vmem>>
    %dma_start3A_27 = arith.constant 0 : i32
    %dma_start3A_28 = arith.constant 0 : i32
    %dma_start3A_29 = tpu.memref_slice %arg3[%dma_start3A_27, %dma_start3A_28] : memref<1000000x64xf32, #tpu.memory_space<hbm>> -> memref<1000000x64xf32, #tpu.memory_space<hbm>>
    tpu.enqueue_indirect_dma source(%dma_start3A_29 : memref<1000000x64xf32, #tpu.memory_space<hbm>>) target(%arg7 : memref<128x64xf32, #tpu.memory_space<vmem>>) offsets(%dma_start3A_26 : memref<128xi32, #tpu.memory_space<vmem>>) semaphore(%arg11 : memref<!tpu.dma_semaphore, #tpu.memory_space<semaphore_mem>>)
    %scan3A = arith.constant 0 : i32
    %scan3A_30 = arith.constant 100 : i32
    %scan3A_31 = arith.addi %scan3A, %scan3A_30 : i32
    %scan3A_32 = arith.constant 1 : i32
    scf.for %scan3A_305 = %scan3A to %scan3A_31 step %scan3A_32  : i32 {
      %mul3A_306 = arith.constant 1 : i32
      %mul3A_307 = arith.muli %scan3A_305, %mul3A_306 : i32
      %add3A_308 = arith.constant 0 : i32
      %add3A_309 = arith.addi %add3A_308, %mul3A_307 : i32
      %mul3A_310 = arith.constant 2 : i32
      %mul3A_311 = arith.muli %add3A_309, %mul3A_310 : i32
      %add3A_312 = arith.constant 0 : i32
      %add3A_313 = arith.addi %mul3A_311, %add3A_312 : i32
      %dma_wait3A_314 = arith.constant 0 : i32
      %dma_wait3A_315 = arith.constant 0 : i32
      %dma_wait3A_316 = tpu.memref_slice %arg3[%dma_wait3A_314, %dma_wait3A_315] : memref<1000000x64xf32, #tpu.memory_space<hbm>> -> memref<128x64xf32, #tpu.memory_space<hbm>>
      %dma_wait3A_317 = arith.constant 0 : i32
      %dma_wait3A_318 = arith.constant 0 : i32
      %dma_wait3A_319 = tpu.memref_slice %arg3[%dma_wait3A_317, %dma_wait3A_318] : memref<1000000x64xf32, #tpu.memory_space<hbm>> -> memref<128x64xf32, #tpu.memory_space<hbm>>
      tpu.wait_dma2 semaphore(%arg10 : memref<!tpu.dma_semaphore, #tpu.memory_space<semaphore_mem>>) src(%dma_wait3A_319 : memref<128x64xf32, #tpu.memory_space<hbm>>) dst(%arg6 : memref<128x64xf32, #tpu.memory_space<vmem>>)
      %ge3A = arith.constant 2 : i32
      %ge3A_320 = arith.cmpi sge, %add3A_313, %ge3A : i32
      %convert_element_type3A = arith.extui %ge3A_320 : i1 to i32
      %cond3A = arith.constant 0 : i32
      %cond3A_321 = arith.cmpi ne, %convert_element_type3A, %cond3A : i32
      scf.if %cond3A_321 {
        %dma_wait3A_595 = arith.constant 0 : i32
        %dma_wait3A_596 = arith.constant 0 : i32
        %dma_wait3A_597 = arith.constant 0 : i32
        %dma_wait3A_598 = arith.constant 0 : i32
        %dma_wait3A_599 = arith.constant 0 : i32
        %dma_wait3A_600 = tpu.memref_slice %arg8[%dma_wait3A_598, %dma_wait3A_599] : memref<64x129xf32, #tpu.memory_space<vmem>> -> memref<8x128xf32, #tpu.memory_space<vmem>>
        %dma_wait3A_601 = arith.constant 0 : i32
        %dma_wait3A_602 = arith.constant 0 : i32
        %dma_wait3A_603 = tpu.memref_slice %arg4[%dma_wait3A_595, %dma_wait3A_596, %dma_wait3A_597, %dma_wait3A_601, %dma_wait3A_602] : memref<200x8x32x8x128xf32, #tpu.memory_space<hbm>> -> memref<1x1x1x8x128xf32, #tpu.memory_space<hbm>>
        %dma_wait3A_604 = tpu.memref_squeeze %dma_wait3A_603 : memref<1x1x1x8x128xf32, #tpu.memory_space<hbm>> -> memref<8x128xf32, #tpu.memory_space<hbm>>
        %dma_wait3A_605 = arith.constant 0 : i32
        %dma_wait3A_606 = arith.constant 0 : i32
        %dma_wait3A_607 = tpu.memref_slice %arg8[%dma_wait3A_605, %dma_wait3A_606] : memref<64x129xf32, #tpu.memory_space<vmem>> -> memref<8x128xf32, #tpu.memory_space<vmem>>
        %dma_wait3A_608 = arith.constant 0 : i32
        %dma_wait3A_609 = arith.constant 0 : i32
        %dma_wait3A_610 = tpu.memref_slice %arg4[%dma_wait3A_595, %dma_wait3A_596, %dma_wait3A_597, %dma_wait3A_608, %dma_wait3A_609] : memref<200x8x32x8x128xf32, #tpu.memory_space<hbm>> -> memref<1x1x1x8x128xf32, #tpu.memory_space<hbm>>
        %dma_wait3A_611 = tpu.memref_squeeze %dma_wait3A_610 : memref<1x1x1x8x128xf32, #tpu.memory_space<hbm>> -> memref<8x128xf32, #tpu.memory_space<hbm>>
        tpu.wait_dma2 semaphore(%arg12 : memref<!tpu.dma_semaphore, #tpu.memory_space<semaphore_mem>>) src(%dma_wait3A_611 : memref<8x128xf32, #tpu.memory_space<hbm>>) dst(%dma_wait3A_607 : memref<8x128xf32, #tpu.memory_space<vmem>>)
        %dma_wait3A_612 = arith.constant 0 : i32
        %dma_wait3A_613 = arith.constant 1 : i32
        %dma_wait3A_614 = arith.constant 0 : i32
        %dma_wait3A_615 = arith.constant 8 : i32
        %dma_wait3A_616 = arith.constant 0 : i32
        %dma_wait3A_617 = tpu.memref_slice %arg8[%dma_wait3A_615, %dma_wait3A_616] : memref<64x129xf32, #tpu.memory_space<vmem>> -> memref<8x128xf32, #tpu.memory_space<vmem>>
        %dma_wait3A_618 = arith.constant 0 : i32
        %dma_wait3A_619 = arith.constant 0 : i32
        %dma_wait3A_620 = tpu.memref_slice %arg4[%dma_wait3A_612, %dma_wait3A_613, %dma_wait3A_614, %dma_wait3A_618, %dma_wait3A_619] : memref<200x8x32x8x128xf32, #tpu.memory_space<hbm>> -> memref<1x1x1x8x128xf32, #tpu.memory_space<hbm>>
        %dma_wait3A_621 = tpu.memref_squeeze %dma_wait3A_620 : memref<1x1x1x8x128xf32, #tpu.memory_space<hbm>> -> memref<8x128xf32, #tpu.memory_space<hbm>>
        %dma_wait3A_622 = arith.constant 8 : i32
        %dma_wait3A_623 = arith.constant 0 : i32
        %dma_wait3A_624 = tpu.memref_slice %arg8[%dma_wait3A_622, %dma_wait3A_623] : memref<64x129xf32, #tpu.memory_space<vmem>> -> memref<8x128xf32, #tpu.memory_space<vmem>>
        %dma_wait3A_625 = arith.constant 0 : i32
        %dma_wait3A_626 = arith.constant 0 : i32
        %dma_wait3A_627 = tpu.memref_slice %arg4[%dma_wait3A_612, %dma_wait3A_613, %dma_wait3A_614, %dma_wait3A_625, %dma_wait3A_626] : memref<200x8x32x8x128xf32, #tpu.memory_space<hbm>> -> memref<1x1x1x8x128xf32, #tpu.memory_space<hbm>>
        %dma_wait3A_628 = tpu.memref_squeeze %dma_wait3A_627 : memref<1x1x1x8x128xf32, #tpu.memory_space<hbm>> -> memref<8x128xf32, #tpu.memory_space<hbm>>
        tpu.wait_dma2 semaphore(%arg12 : memref<!tpu.dma_semaphore, #tpu.memory_space<semaphore_mem>>) src(%dma_wait3A_628 : memref<8x128xf32, #tpu.memory_space<hbm>>) dst(%dma_wait3A_624 : memref<8x128xf32, #tpu.memory_space<vmem>>)
        %dma_wait3A_629 = arith.constant 0 : i32
        %dma_wait3A_630 = arith.constant 2 : i32
        %dma_wait3A_631 = arith.constant 0 : i32
        %dma_wait3A_632 = arith.constant 16 : i32
        %dma_wait3A_633 = arith.constant 0 : i32
        %dma_wait3A_634 = tpu.memref_slice %arg8[%dma_wait3A_632, %dma_wait3A_633] : memref<64x129xf32, #tpu.memory_space<vmem>> -> memref<8x128xf32, #tpu.memory_space<vmem>>
        %dma_wait3A_635 = arith.constant 0 : i32
        %dma_wait3A_636 = arith.constant 0 : i32
        %dma_wait3A_637 = tpu.memref_slice %arg4[%dma_wait3A_629, %dma_wait3A_630, %dma_wait3A_631, %dma_wait3A_635, %dma_wait3A_636] : memref<200x8x32x8x128xf32, #tpu.memory_space<hbm>> -> memref<1x1x1x8x128xf32, #tpu.memory_space<hbm>>
        %dma_wait3A_638 = tpu.memref_squeeze %dma_wait3A_637 : memref<1x1x1x8x128xf32, #tpu.memory_space<hbm>> -> memref<8x128xf32, #tpu.memory_space<hbm>>
        %dma_wait3A_639 = arith.constant 16 : i32
        %dma_wait3A_640 = arith.constant 0 : i32
        %dma_wait3A_641 = tpu.memref_slice %arg8[%dma_wait3A_639, %dma_wait3A_640] : memref<64x129xf32, #tpu.memory_space<vmem>> -> memref<8x128xf32, #tpu.memory_space<vmem>>
        %dma_wait3A_642 = arith.constant 0 : i32
        %dma_wait3A_643 = arith.constant 0 : i32
        %dma_wait3A_644 = tpu.memref_slice %arg4[%dma_wait3A_629, %dma_wait3A_630, %dma_wait3A_631, %dma_wait3A_642, %dma_wait3A_643] : memref<200x8x32x8x128xf32, #tpu.memory_space<hbm>> -> memref<1x1x1x8x128xf32, #tpu.memory_space<hbm>>
        %dma_wait3A_645 = tpu.memref_squeeze %dma_wait3A_644 : memref<1x1x1x8x128xf32, #tpu.memory_space<hbm>> -> memref<8x128xf32, #tpu.memory_space<hbm>>
        tpu.wait_dma2 semaphore(%arg12 : memref<!tpu.dma_semaphore, #tpu.memory_space<semaphore_mem>>) src(%dma_wait3A_645 : memref<8x128xf32, #tpu.memory_space<hbm>>) dst(%dma_wait3A_641 : memref<8x128xf32, #tpu.memory_space<vmem>>)
        %dma_wait3A_646 = arith.constant 0 : i32
        %dma_wait3A_647 = arith.constant 3 : i32
        %dma_wait3A_648 = arith.constant 0 : i32
        %dma_wait3A_649 = arith.constant 24 : i32
        %dma_wait3A_650 = arith.constant 0 : i32
        %dma_wait3A_651 = tpu.memref_slice %arg8[%dma_wait3A_649, %dma_wait3A_650] : memref<64x129xf32, #tpu.memory_space<vmem>> -> memref<8x128xf32, #tpu.memory_space<vmem>>
        %dma_wait3A_652 = arith.constant 0 : i32
        %dma_wait3A_653 = arith.constant 0 : i32
        %dma_wait3A_654 = tpu.memref_slice %arg4[%dma_wait3A_646, %dma_wait3A_647, %dma_wait3A_648, %dma_wait3A_652, %dma_wait3A_653] : memref<200x8x32x8x128xf32, #tpu.memory_space<hbm>> -> memref<1x1x1x8x128xf32, #tpu.memory_space<hbm>>
        %dma_wait3A_655 = tpu.memref_squeeze %dma_wait3A_654 : memref<1x1x1x8x128xf32, #tpu.memory_space<hbm>> -> memref<8x128xf32, #tpu.memory_space<hbm>>
        %dma_wait3A_656 = arith.constant 24 : i32
        %dma_wait3A_657 = arith.constant 0 : i32
        %dma_wait3A_658 = tpu.memref_slice %arg8[%dma_wait3A_656, %dma_wait3A_657] : memref<64x129xf32, #tpu.memory_space<vmem>> -> memref<8x128xf32, #tpu.memory_space<vmem>>
        %dma_wait3A_659 = arith.constant 0 : i32
        %dma_wait3A_660 = arith.constant 0 : i32
        %dma_wait3A_661 = tpu.memref_slice %arg4[%dma_wait3A_646, %dma_wait3A_647, %dma_wait3A_648, %dma_wait3A_659, %dma_wait3A_660] : memref<200x8x32x8x128xf32, #tpu.memory_space<hbm>> -> memref<1x1x1x8x128xf32, #tpu.memory_space<hbm>>
        %dma_wait3A_662 = tpu.memref_squeeze %dma_wait3A_661 : memref<1x1x1x8x128xf32, #tpu.memory_space<hbm>> -> memref<8x128xf32, #tpu.memory_space<hbm>>
        tpu.wait_dma2 semaphore(%arg12 : memref<!tpu.dma_semaphore, #tpu.memory_space<semaphore_mem>>) src(%dma_wait3A_662 : memref<8x128xf32, #tpu.memory_space<hbm>>) dst(%dma_wait3A_658 : memref<8x128xf32, #tpu.memory_space<vmem>>)
        %dma_wait3A_663 = arith.constant 0 : i32
        %dma_wait3A_664 = arith.constant 4 : i32
        %dma_wait3A_665 = arith.constant 0 : i32
        %dma_wait3A_666 = arith.constant 32 : i32
        %dma_wait3A_667 = arith.constant 0 : i32
        %dma_wait3A_668 = tpu.memref_slice %arg8[%dma_wait3A_666, %dma_wait3A_667] : memref<64x129xf32, #tpu.memory_space<vmem>> -> memref<8x128xf32, #tpu.memory_space<vmem>>
        %dma_wait3A_669 = arith.constant 0 : i32
        %dma_wait3A_670 = arith.constant 0 : i32
        %dma_wait3A_671 = tpu.memref_slice %arg4[%dma_wait3A_663, %dma_wait3A_664, %dma_wait3A_665, %dma_wait3A_669, %dma_wait3A_670] : memref<200x8x32x8x128xf32, #tpu.memory_space<hbm>> -> memref<1x1x1x8x128xf32, #tpu.memory_space<hbm>>
        %dma_wait3A_672 = tpu.memref_squeeze %dma_wait3A_671 : memref<1x1x1x8x128xf32, #tpu.memory_space<hbm>> -> memref<8x128xf32, #tpu.memory_space<hbm>>
        %dma_wait3A_673 = arith.constant 32 : i32
        %dma_wait3A_674 = arith.constant 0 : i32
        %dma_wait3A_675 = tpu.memref_slice %arg8[%dma_wait3A_673, %dma_wait3A_674] : memref<64x129xf32, #tpu.memory_space<vmem>> -> memref<8x128xf32, #tpu.memory_space<vmem>>
        %dma_wait3A_676 = arith.constant 0 : i32
        %dma_wait3A_677 = arith.constant 0 : i32
        %dma_wait3A_678 = tpu.memref_slice %arg4[%dma_wait3A_663, %dma_wait3A_664, %dma_wait3A_665, %dma_wait3A_676, %dma_wait3A_677] : memref<200x8x32x8x128xf32, #tpu.memory_space<hbm>> -> memref<1x1x1x8x128xf32, #tpu.memory_space<hbm>>
        %dma_wait3A_679 = tpu.memref_squeeze %dma_wait3A_678 : memref<1x1x1x8x128xf32, #tpu.memory_space<hbm>> -> memref<8x128xf32, #tpu.memory_space<hbm>>
        tpu.wait_dma2 semaphore(%arg12 : memref<!tpu.dma_semaphore, #tpu.memory_space<semaphore_mem>>) src(%dma_wait3A_679 : memref<8x128xf32, #tpu.memory_space<hbm>>) dst(%dma_wait3A_675 : memref<8x128xf32, #tpu.memory_space<vmem>>)
        %dma_wait3A_680 = arith.constant 0 : i32
        %dma_wait3A_681 = arith.constant 5 : i32
        %dma_wait3A_682 = arith.constant 0 : i32
        %dma_wait3A_683 = arith.constant 40 : i32
        %dma_wait3A_684 = arith.constant 0 : i32
        %dma_wait3A_685 = tpu.memref_slice %arg8[%dma_wait3A_683, %dma_wait3A_684] : memref<64x129xf32, #tpu.memory_space<vmem>> -> memref<8x128xf32, #tpu.memory_space<vmem>>
        %dma_wait3A_686 = arith.constant 0 : i32
        %dma_wait3A_687 = arith.constant 0 : i32
        %dma_wait3A_688 = tpu.memref_slice %arg4[%dma_wait3A_680, %dma_wait3A_681, %dma_wait3A_682, %dma_wait3A_686, %dma_wait3A_687] : memref<200x8x32x8x128xf32, #tpu.memory_space<hbm>> -> memref<1x1x1x8x128xf32, #tpu.memory_space<hbm>>
        %dma_wait3A_689 = tpu.memref_squeeze %dma_wait3A_688 : memref<1x1x1x8x128xf32, #tpu.memory_space<hbm>> -> memref<8x128xf32, #tpu.memory_space<hbm>>
        %dma_wait3A_690 = arith.constant 40 : i32
        %dma_wait3A_691 = arith.constant 0 : i32
        %dma_wait3A_692 = tpu.memref_slice %arg8[%dma_wait3A_690, %dma_wait3A_691] : memref<64x129xf32, #tpu.memory_space<vmem>> -> memref<8x128xf32, #tpu.memory_space<vmem>>
        %dma_wait3A_693 = arith.constant 0 : i32
        %dma_wait3A_694 = arith.constant 0 : i32
        %dma_wait3A_695 = tpu.memref_slice %arg4[%dma_wait3A_680, %dma_wait3A_681, %dma_wait3A_682, %dma_wait3A_693, %dma_wait3A_694] : memref<200x8x32x8x128xf32, #tpu.memory_space<hbm>> -> memref<1x1x1x8x128xf32, #tpu.memory_space<hbm>>
        %dma_wait3A_696 = tpu.memref_squeeze %dma_wait3A_695 : memref<1x1x1x8x128xf32, #tpu.memory_space<hbm>> -> memref<8x128xf32, #tpu.memory_space<hbm>>
        tpu.wait_dma2 semaphore(%arg12 : memref<!tpu.dma_semaphore, #tpu.memory_space<semaphore_mem>>) src(%dma_wait3A_696 : memref<8x128xf32, #tpu.memory_space<hbm>>) dst(%dma_wait3A_692 : memref<8x128xf32, #tpu.memory_space<vmem>>)
        %dma_wait3A_697 = arith.constant 0 : i32
        %dma_wait3A_698 = arith.constant 6 : i32
        %dma_wait3A_699 = arith.constant 0 : i32
        %dma_wait3A_700 = arith.constant 48 : i32
        %dma_wait3A_701 = arith.constant 0 : i32
        %dma_wait3A_702 = tpu.memref_slice %arg8[%dma_wait3A_700, %dma_wait3A_701] : memref<64x129xf32, #tpu.memory_space<vmem>> -> memref<8x128xf32, #tpu.memory_space<vmem>>
        %dma_wait3A_703 = arith.constant 0 : i32
        %dma_wait3A_704 = arith.constant 0 : i32
        %dma_wait3A_705 = tpu.memref_slice %arg4[%dma_wait3A_697, %dma_wait3A_698, %dma_wait3A_699, %dma_wait3A_703, %dma_wait3A_704] : memref<200x8x32x8x128xf32, #tpu.memory_space<hbm>> -> memref<1x1x1x8x128xf32, #tpu.memory_space<hbm>>
        %dma_wait3A_706 = tpu.memref_squeeze %dma_wait3A_705 : memref<1x1x1x8x128xf32, #tpu.memory_space<hbm>> -> memref<8x128xf32, #tpu.memory_space<hbm>>
        %dma_wait3A_707 = arith.constant 48 : i32
        %dma_wait3A_708 = arith.constant 0 : i32
        %dma_wait3A_709 = tpu.memref_slice %arg8[%dma_wait3A_707, %dma_wait3A_708] : memref<64x129xf32, #tpu.memory_space<vmem>> -> memref<8x128xf32, #tpu.memory_space<vmem>>
        %dma_wait3A_710 = arith.constant 0 : i32
        %dma_wait3A_711 = arith.constant 0 : i32
        %dma_wait3A_712 = tpu.memref_slice %arg4[%dma_wait3A_697, %dma_wait3A_698, %dma_wait3A_699, %dma_wait3A_710, %dma_wait3A_711] : memref<200x8x32x8x128xf32, #tpu.memory_space<hbm>> -> memref<1x1x1x8x128xf32, #tpu.memory_space<hbm>>
        %dma_wait3A_713 = tpu.memref_squeeze %dma_wait3A_712 : memref<1x1x1x8x128xf32, #tpu.memory_space<hbm>> -> memref<8x128xf32, #tpu.memory_space<hbm>>
        tpu.wait_dma2 semaphore(%arg12 : memref<!tpu.dma_semaphore, #tpu.memory_space<semaphore_mem>>) src(%dma_wait3A_713 : memref<8x128xf32, #tpu.memory_space<hbm>>) dst(%dma_wait3A_709 : memref<8x128xf32, #tpu.memory_space<vmem>>)
        %dma_wait3A_714 = arith.constant 0 : i32
        %dma_wait3A_715 = arith.constant 7 : i32
        %dma_wait3A_716 = arith.constant 0 : i32
        %dma_wait3A_717 = arith.constant 56 : i32
        %dma_wait3A_718 = arith.constant 0 : i32
        %dma_wait3A_719 = tpu.memref_slice %arg8[%dma_wait3A_717, %dma_wait3A_718] : memref<64x129xf32, #tpu.memory_space<vmem>> -> memref<8x128xf32, #tpu.memory_space<vmem>>
        %dma_wait3A_720 = arith.constant 0 : i32
        %dma_wait3A_721 = arith.constant 0 : i32
        %dma_wait3A_722 = tpu.memref_slice %arg4[%dma_wait3A_714, %dma_wait3A_715, %dma_wait3A_716, %dma_wait3A_720, %dma_wait3A_721] : memref<200x8x32x8x128xf32, #tpu.memory_space<hbm>> -> memref<1x1x1x8x128xf32, #tpu.memory_space<hbm>>
        %dma_wait3A_723 = tpu.memref_squeeze %dma_wait3A_722 : memref<1x1x1x8x128xf32, #tpu.memory_space<hbm>> -> memref<8x128xf32, #tpu.memory_space<hbm>>
        %dma_wait3A_724 = arith.constant 56 : i32
        %dma_wait3A_725 = arith.constant 0 : i32
        %dma_wait3A_726 = tpu.memref_slice %arg8[%dma_wait3A_724, %dma_wait3A_725] : memref<64x129xf32, #tpu.memory_space<vmem>> -> memref<8x128xf32, #tpu.memory_space<vmem>>
        %dma_wait3A_727 = arith.constant 0 : i32
        %dma_wait3A_728 = arith.constant 0 : i32
        %dma_wait3A_729 = tpu.memref_slice %arg4[%dma_wait3A_714, %dma_wait3A_715, %dma_wait3A_716, %dma_wait3A_727, %dma_wait3A_728] : memref<200x8x32x8x128xf32, #tpu.memory_space<hbm>> -> memref<1x1x1x8x128xf32, #tpu.memory_space<hbm>>
        %dma_wait3A_730 = tpu.memref_squeeze %dma_wait3A_729 : memref<1x1x1x8x128xf32, #tpu.memory_space<hbm>> -> memref<8x128xf32, #tpu.memory_space<hbm>>
        tpu.wait_dma2 semaphore(%arg12 : memref<!tpu.dma_semaphore, #tpu.memory_space<semaphore_mem>>) src(%dma_wait3A_730 : memref<8x128xf32, #tpu.memory_space<hbm>>) dst(%dma_wait3A_726 : memref<8x128xf32, #tpu.memory_space<vmem>>)
      } else {
      }
      %parallel_loop3A = arith.constant 0 : i32
      %parallel_loop3A_322 = arith.constant 128 : i32
      %parallel_loop3A_323 = arith.constant 1 : i32
      scf.for %parallel_loop3A_595 = %parallel_loop3A to %parallel_loop3A_322 step %parallel_loop3A_323  : i32 {
        %parallel_loop3A_596 = vector.broadcast %parallel_loop3A_595 : i32 to vector<16xi32>
        %parallel_loop3A_597 = arith.addi %broadcast_in_dim3A_16, %parallel_loop3A_596 : vector<16xi32>
        %parallel_loop3A_598 = arith.index_cast %parallel_loop3A_595 : i32 to index
        %parallel_loop3A_599 = arith.constant 0 : index
        %parallel_loop3A_600 = tpu.vector_load %arg6[%parallel_loop3A_598, %parallel_loop3A_599] {strides = array<i32>} : memref<128x64xf32, #tpu.memory_space<vmem>>, vector<16xf32>,
        tpu.vector_store_idx %arg8[%add3A_3, %parallel_loop3A_597], %parallel_loop3A_600 : memref<64x129xf32, #tpu.memory_space<vmem>>[vector<16xi32>, vector<16xi32>], vector<16xf32>,
        %parallel_loop3A_601 = arith.index_cast %parallel_loop3A_595 : i32 to index
        %parallel_loop3A_602 = arith.constant 16 : index
        %parallel_loop3A_603 = tpu.vector_load %arg6[%parallel_loop3A_601, %parallel_loop3A_602] {strides = array<i32>} : memref<128x64xf32, #tpu.memory_space<vmem>>, vector<16xf32>,
        tpu.vector_store_idx %arg8[%add3A_7, %parallel_loop3A_597], %parallel_loop3A_603 : memref<64x129xf32, #tpu.memory_space<vmem>>[vector<16xi32>, vector<16xi32>], vector<16xf32>,
        %parallel_loop3A_604 = arith.index_cast %parallel_loop3A_595 : i32 to index
        %parallel_loop3A_605 = arith.constant 32 : index
        %parallel_loop3A_606 = tpu.vector_load %arg6[%parallel_loop3A_604, %parallel_loop3A_605] {strides = array<i32>} : memref<128x64xf32, #tpu.memory_space<vmem>>, vector<16xf32>,
        tpu.vector_store_idx %arg8[%add3A_11, %parallel_loop3A_597], %parallel_loop3A_606 : memref<64x129xf32, #tpu.memory_space<vmem>>[vector<16xi32>, vector<16xi32>], vector<16xf32>,
        %parallel_loop3A_607 = arith.index_cast %parallel_loop3A_595 : i32 to index
        %parallel_loop3A_608 = arith.constant 48 : index
        %parallel_loop3A_609 = tpu.vector_load %arg6[%parallel_loop3A_607, %parallel_loop3A_608] {strides = array<i32>} : memref<128x64xf32, #tpu.memory_space<vmem>>, vector<16xf32>,
        tpu.vector_store_idx %arg8[%add3A_15, %parallel_loop3A_597], %parallel_loop3A_609 : memref<64x129xf32, #tpu.memory_space<vmem>>[vector<16xi32>, vector<16xi32>], vector<16xf32>,
      } {sc.loop_unroll_factor = 16 : i64, sc.parallel_access}
      %dma_start3A_324 = arith.constant 0 : i32
      %dma_start3A_325 = arith.constant 0 : i32
      %dma_start3A_326 = arith.constant 0 : i32
      %dma_start3A_327 = tpu.memref_slice %arg8[%dma_start3A_325, %dma_start3A_326] : memref<64x129xf32, #tpu.memory_space<vmem>> -> memref<8x128xf32, #tpu.memory_space<vmem>>
      %dma_start3A_328 = arith.constant 0 : i32
      %dma_start3A_329 = arith.constant 0 : i32
      %dma_start3A_330 = tpu.memref_slice %arg4[%add3A_313, %dma_start3A_324, %add3A, %dma_start3A_328, %dma_start3A_329] : memref<200x8x32x8x128xf32, #tpu.memory_space<hbm>> -> memref<1x1x1x8x128xf32, #tpu.memory_space<hbm>>
      %dma_start3A_331 = tpu.memref_squeeze %dma_start3A_330 : memref<1x1x1x8x128xf32, #tpu.memory_space<hbm>> -> memref<8x128xf32, #tpu.memory_space<hbm>>
      %dma_start3A_332 = arith.constant 0 : i32
      %dma_start3A_333 = arith.constant 0 : i32
      %dma_start3A_334 = tpu.memref_slice %arg4[%add3A_313, %dma_start3A_324, %add3A, %dma_start3A_332, %dma_start3A_333] : memref<200x8x32x8x128xf32, #tpu.memory_space<hbm>> -> memref<1x1x1x8x128xf32, #tpu.memory_space<hbm>>
      %dma_start3A_335 = tpu.memref_squeeze %dma_start3A_334 : memref<1x1x1x8x128xf32, #tpu.memory_space<hbm>> -> memref<8x128xf32, #tpu.memory_space<hbm>>
      %dma_start3A_336 = arith.constant 0 : i32
      %dma_start3A_337 = arith.constant 0 : i32
      %dma_start3A_338 = tpu.memref_slice %arg8[%dma_start3A_336, %dma_start3A_337] : memref<64x129xf32, #tpu.memory_space<vmem>> -> memref<8x128xf32, #tpu.memory_space<vmem>>
      tpu.enqueue_dma source(%dma_start3A_338 : memref<8x128xf32, #tpu.memory_space<vmem>>) target(%dma_start3A_335 : memref<8x128xf32, #tpu.memory_space<hbm>>) target_semaphore(%arg12 : memref<!tpu.dma_semaphore, #tpu.memory_space<semaphore_mem>>)
      %dma_start3A_339 = arith.constant 1 : i32
      %dma_start3A_340 = arith.constant 8 : i32
      %dma_start3A_341 = arith.constant 0 : i32
      %dma_start3A_342 = tpu.memref_slice %arg8[%dma_start3A_340, %dma_start3A_341] : memref<64x129xf32, #tpu.memory_space<vmem>> -> memref<8x128xf32, #tpu.memory_space<vmem>>
      %dma_start3A_343 = arith.constant 0 : i32
      %dma_start3A_344 = arith.constant 0 : i32
      %dma_start3A_345 = tpu.memref_slice %arg4[%add3A_313, %dma_start3A_339, %add3A, %dma_start3A_343, %dma_start3A_344] : memref<200x8x32x8x128xf32, #tpu.memory_space<hbm>> -> memref<1x1x1x8x128xf32, #tpu.memory_space<hbm>>
      %dma_start3A_346 = tpu.memref_squeeze %dma_start3A_345 : memref<1x1x1x8x128xf32, #tpu.memory_space<hbm>> -> memref<8x128xf32, #tpu.memory_space<hbm>>
      %dma_start3A_347 = arith.constant 0 : i32
      %dma_start3A_348 = arith.constant 0 : i32
      %dma_start3A_349 = tpu.memref_slice %arg4[%add3A_313, %dma_start3A_339, %add3A, %dma_start3A_347, %dma_start3A_348] : memref<200x8x32x8x128xf32, #tpu.memory_space<hbm>> -> memref<1x1x1x8x128xf32, #tpu.memory_space<hbm>>
      %dma_start3A_350 = tpu.memref_squeeze %dma_start3A_349 : memref<1x1x1x8x128xf32, #tpu.memory_space<hbm>> -> memref<8x128xf32, #tpu.memory_space<hbm>>
      %dma_start3A_351 = arith.constant 8 : i32
      %dma_start3A_352 = arith.constant 0 : i32
      %dma_start3A_353 = tpu.memref_slice %arg8[%dma_start3A_351, %dma_start3A_352] : memref<64x129xf32, #tpu.memory_space<vmem>> -> memref<8x128xf32, #tpu.memory_space<vmem>>
      tpu.enqueue_dma source(%dma_start3A_353 : memref<8x128xf32, #tpu.memory_space<vmem>>) target(%dma_start3A_350 : memref<8x128xf32, #tpu.memory_space<hbm>>) target_semaphore(%arg12 : memref<!tpu.dma_semaphore, #tpu.memory_space<semaphore_mem>>)
      %dma_start3A_354 = arith.constant 2 : i32
      %dma_start3A_355 = arith.constant 16 : i32
      %dma_start3A_356 = arith.constant 0 : i32
      %dma_start3A_357 = tpu.memref_slice %arg8[%dma_start3A_355, %dma_start3A_356] : memref<64x129xf32, #tpu.memory_space<vmem>> -> memref<8x128xf32, #tpu.memory_space<vmem>>
      %dma_start3A_358 = arith.constant 0 : i32
      %dma_start3A_359 = arith.constant 0 : i32
      %dma_start3A_360 = tpu.memref_slice %arg4[%add3A_313, %dma_start3A_354, %add3A, %dma_start3A_358, %dma_start3A_359] : memref<200x8x32x8x128xf32, #tpu.memory_space<hbm>> -> memref<1x1x1x8x128xf32, #tpu.memory_space<hbm>>
      %dma_start3A_361 = tpu.memref_squeeze %dma_start3A_360 : memref<1x1x1x8x128xf32, #tpu.memory_space<hbm>> -> memref<8x128xf32, #tpu.memory_space<hbm>>
      %dma_start3A_362 = arith.constant 0 : i32
      %dma_start3A_363 = arith.constant 0 : i32
      %dma_start3A_364 = tpu.memref_slice %arg4[%add3A_313, %dma_start3A_354, %add3A, %dma_start3A_362, %dma_start3A_363] : memref<200x8x32x8x128xf32, #tpu.memory_space<hbm>> -> memref<1x1x1x8x128xf32, #tpu.memory_space<hbm>>
      %dma_start3A_365 = tpu.memref_squeeze %dma_start3A_364 : memref<1x1x1x8x128xf32, #tpu.memory_space<hbm>> -> memref<8x128xf32, #tpu.memory_space<hbm>>
      %dma_start3A_366 = arith.constant 16 : i32
      %dma_start3A_367 = arith.constant 0 : i32
      %dma_start3A_368 = tpu.memref_slice %arg8[%dma_start3A_366, %dma_start3A_367] : memref<64x129xf32, #tpu.memory_space<vmem>> -> memref<8x128xf32, #tpu.memory_space<vmem>>
      tpu.enqueue_dma source(%dma_start3A_368 : memref<8x128xf32, #tpu.memory_space<vmem>>) target(%dma_start3A_365 : memref<8x128xf32, #tpu.memory_space<hbm>>) target_semaphore(%arg12 : memref<!tpu.dma_semaphore, #tpu.memory_space<semaphore_mem>>)
      %dma_start3A_369 = arith.constant 3 : i32
      %dma_start3A_370 = arith.constant 24 : i32
      %dma_start3A_371 = arith.constant 0 : i32
      %dma_start3A_372 = tpu.memref_slice %arg8[%dma_start3A_370, %dma_start3A_371] : memref<64x129xf32, #tpu.memory_space<vmem>> -> memref<8x128xf32, #tpu.memory_space<vmem>>
      %dma_start3A_373 = arith.constant 0 : i32
      %dma_start3A_374 = arith.constant 0 : i32
      %dma_start3A_375 = tpu.memref_slice %arg4[%add3A_313, %dma_start3A_369, %add3A, %dma_start3A_373, %dma_start3A_374] : memref<200x8x32x8x128xf32, #tpu.memory_space<hbm>> -> memref<1x1x1x8x128xf32, #tpu.memory_space<hbm>>
      %dma_start3A_376 = tpu.memref_squeeze %dma_start3A_375 : memref<1x1x1x8x128xf32, #tpu.memory_space<hbm>> -> memref<8x128xf32, #tpu.memory_space<hbm>>
      %dma_start3A_377 = arith.constant 0 : i32
      %dma_start3A_378 = arith.constant 0 : i32
      %dma_start3A_379 = tpu.memref_slice %arg4[%add3A_313, %dma_start3A_369, %add3A, %dma_start3A_377, %dma_start3A_378] : memref<200x8x32x8x128xf32, #tpu.memory_space<hbm>> -> memref<1x1x1x8x128xf32, #tpu.memory_space<hbm>>
      %dma_start3A_380 = tpu.memref_squeeze %dma_start3A_379 : memref<1x1x1x8x128xf32, #tpu.memory_space<hbm>> -> memref<8x128xf32, #tpu.memory_space<hbm>>
      %dma_start3A_381 = arith.constant 24 : i32
      %dma_start3A_382 = arith.constant 0 : i32
      %dma_start3A_383 = tpu.memref_slice %arg8[%dma_start3A_381, %dma_start3A_382] : memref<64x129xf32, #tpu.memory_space<vmem>> -> memref<8x128xf32, #tpu.memory_space<vmem>>
      tpu.enqueue_dma source(%dma_start3A_383 : memref<8x128xf32, #tpu.memory_space<vmem>>) target(%dma_start3A_380 : memref<8x128xf32, #tpu.memory_space<hbm>>) target_semaphore(%arg12 : memref<!tpu.dma_semaphore, #tpu.memory_space<semaphore_mem>>)
      %dma_start3A_384 = arith.constant 4 : i32
      %dma_start3A_385 = arith.constant 32 : i32
      %dma_start3A_386 = arith.constant 0 : i32
      %dma_start3A_387 = tpu.memref_slice %arg8[%dma_start3A_385, %dma_start3A_386] : memref<64x129xf32, #tpu.memory_space<vmem>> -> memref<8x128xf32, #tpu.memory_space<vmem>>
      %dma_start3A_388 = arith.constant 0 : i32
      %dma_start3A_389 = arith.constant 0 : i32
      %dma_start3A_390 = tpu.memref_slice %arg4[%add3A_313, %dma_start3A_384, %add3A, %dma_start3A_388, %dma_start3A_389] : memref<200x8x32x8x128xf32, #tpu.memory_space<hbm>> -> memref<1x1x1x8x128xf32, #tpu.memory_space<hbm>>
      %dma_start3A_391 = tpu.memref_squeeze %dma_start3A_390 : memref<1x1x1x8x128xf32, #tpu.memory_space<hbm>> -> memref<8x128xf32, #tpu.memory_space<hbm>>
      %dma_start3A_392 = arith.constant 0 : i32
      %dma_start3A_393 = arith.constant 0 : i32
      %dma_start3A_394 = tpu.memref_slice %arg4[%add3A_313, %dma_start3A_384, %add3A, %dma_start3A_392, %dma_start3A_393] : memref<200x8x32x8x128xf32, #tpu.memory_space<hbm>> -> memref<1x1x1x8x128xf32, #tpu.memory_space<hbm>>
      %dma_start3A_395 = tpu.memref_squeeze %dma_start3A_394 : memref<1x1x1x8x128xf32, #tpu.memory_space<hbm>> -> memref<8x128xf32, #tpu.memory_space<hbm>>
      %dma_start3A_396 = arith.constant 32 : i32
      %dma_start3A_397 = arith.constant 0 : i32
      %dma_start3A_398 = tpu.memref_slice %arg8[%dma_start3A_396, %dma_start3A_397] : memref<64x129xf32, #tpu.memory_space<vmem>> -> memref<8x128xf32, #tpu.memory_space<vmem>>
      tpu.enqueue_dma source(%dma_start3A_398 : memref<8x128xf32, #tpu.memory_space<vmem>>) target(%dma_start3A_395 : memref<8x128xf32, #tpu.memory_space<hbm>>) target_semaphore(%arg12 : memref<!tpu.dma_semaphore, #tpu.memory_space<semaphore_mem>>)
      %dma_start3A_399 = arith.constant 5 : i32
      %dma_start3A_400 = arith.constant 40 : i32
      %dma_start3A_401 = arith.constant 0 : i32
      %dma_start3A_402 = tpu.memref_slice %arg8[%dma_start3A_400, %dma_start3A_401] : memref<64x129xf32, #tpu.memory_space<vmem>> -> memref<8x128xf32, #tpu.memory_space<vmem>>
      %dma_start3A_403 = arith.constant 0 : i32
      %dma_start3A_404 = arith.constant 0 : i32
      %dma_start3A_405 = tpu.memref_slice %arg4[%add3A_313, %dma_start3A_399, %add3A, %dma_start3A_403, %dma_start3A_404] : memref<200x8x32x8x128xf32, #tpu.memory_space<hbm>> -> memref<1x1x1x8x128xf32, #tpu.memory_space<hbm>>
      %dma_start3A_406 = tpu.memref_squeeze %dma_start3A_405 : memref<1x1x1x8x128xf32, #tpu.memory_space<hbm>> -> memref<8x128xf32, #tpu.memory_space<hbm>>
      %dma_start3A_407 = arith.constant 0 : i32
      %dma_start3A_408 = arith.constant 0 : i32
      %dma_start3A_409 = tpu.memref_slice %arg4[%add3A_313, %dma_start3A_399, %add3A, %dma_start3A_407, %dma_start3A_408] : memref<200x8x32x8x128xf32, #tpu.memory_space<hbm>> -> memref<1x1x1x8x128xf32, #tpu.memory_space<hbm>>
      %dma_start3A_410 = tpu.memref_squeeze %dma_start3A_409 : memref<1x1x1x8x128xf32, #tpu.memory_space<hbm>> -> memref<8x128xf32, #tpu.memory_space<hbm>>
      %dma_start3A_411 = arith.constant 40 : i32
      %dma_start3A_412 = arith.constant 0 : i32
      %dma_start3A_413 = tpu.memref_slice %arg8[%dma_start3A_411, %dma_start3A_412] : memref<64x129xf32, #tpu.memory_space<vmem>> -> memref<8x128xf32, #tpu.memory_space<vmem>>
      tpu.enqueue_dma source(%dma_start3A_413 : memref<8x128xf32, #tpu.memory_space<vmem>>) target(%dma_start3A_410 : memref<8x128xf32, #tpu.memory_space<hbm>>) target_semaphore(%arg12 : memref<!tpu.dma_semaphore, #tpu.memory_space<semaphore_mem>>)
      %dma_start3A_414 = arith.constant 6 : i32
      %dma_start3A_415 = arith.constant 48 : i32
      %dma_start3A_416 = arith.constant 0 : i32
      %dma_start3A_417 = tpu.memref_slice %arg8[%dma_start3A_415, %dma_start3A_416] : memref<64x129xf32, #tpu.memory_space<vmem>> -> memref<8x128xf32, #tpu.memory_space<vmem>>
      %dma_start3A_418 = arith.constant 0 : i32
      %dma_start3A_419 = arith.constant 0 : i32
      %dma_start3A_420 = tpu.memref_slice %arg4[%add3A_313, %dma_start3A_414, %add3A, %dma_start3A_418, %dma_start3A_419] : memref<200x8x32x8x128xf32, #tpu.memory_space<hbm>> -> memref<1x1x1x8x128xf32, #tpu.memory_space<hbm>>
      %dma_start3A_421 = tpu.memref_squeeze %dma_start3A_420 : memref<1x1x1x8x128xf32, #tpu.memory_space<hbm>> -> memref<8x128xf32, #tpu.memory_space<hbm>>
      %dma_start3A_422 = arith.constant 0 : i32
      %dma_start3A_423 = arith.constant 0 : i32
      %dma_start3A_424 = tpu.memref_slice %arg4[%add3A_313, %dma_start3A_414, %add3A, %dma_start3A_422, %dma_start3A_423] : memref<200x8x32x8x128xf32, #tpu.memory_space<hbm>> -> memref<1x1x1x8x128xf32, #tpu.memory_space<hbm>>
      %dma_start3A_425 = tpu.memref_squeeze %dma_start3A_424 : memref<1x1x1x8x128xf32, #tpu.memory_space<hbm>> -> memref<8x128xf32, #tpu.memory_space<hbm>>
      %dma_start3A_426 = arith.constant 48 : i32
      %dma_start3A_427 = arith.constant 0 : i32
      %dma_start3A_428 = tpu.memref_slice %arg8[%dma_start3A_426, %dma_start3A_427] : memref<64x129xf32, #tpu.memory_space<vmem>> -> memref<8x128xf32, #tpu.memory_space<vmem>>
      tpu.enqueue_dma source(%dma_start3A_428 : memref<8x128xf32, #tpu.memory_space<vmem>>) target(%dma_start3A_425 : memref<8x128xf32, #tpu.memory_space<hbm>>) target_semaphore(%arg12 : memref<!tpu.dma_semaphore, #tpu.memory_space<semaphore_mem>>)
      %dma_start3A_429 = arith.constant 7 : i32
      %dma_start3A_430 = arith.constant 56 : i32
      %dma_start3A_431 = arith.constant 0 : i32
      %dma_start3A_432 = tpu.memref_slice %arg8[%dma_start3A_430, %dma_start3A_431] : memref<64x129xf32, #tpu.memory_space<vmem>> -> memref<8x128xf32, #tpu.memory_space<vmem>>
      %dma_start3A_433 = arith.constant 0 : i32
      %dma_start3A_434 = arith.constant 0 : i32
      %dma_start3A_435 = tpu.memref_slice %arg4[%add3A_313, %dma_start3A_429, %add3A, %dma_start3A_433, %dma_start3A_434] : memref<200x8x32x8x128xf32, #tpu.memory_space<hbm>> -> memref<1x1x1x8x128xf32, #tpu.memory_space<hbm>>
      %dma_start3A_436 = tpu.memref_squeeze %dma_start3A_435 : memref<1x1x1x8x128xf32, #tpu.memory_space<hbm>> -> memref<8x128xf32, #tpu.memory_space<hbm>>
      %dma_start3A_437 = arith.constant 0 : i32
      %dma_start3A_438 = arith.constant 0 : i32
      %dma_start3A_439 = tpu.memref_slice %arg4[%add3A_313, %dma_start3A_429, %add3A, %dma_start3A_437, %dma_start3A_438] : memref<200x8x32x8x128xf32, #tpu.memory_space<hbm>> -> memref<1x1x1x8x128xf32, #tpu.memory_space<hbm>>
      %dma_start3A_440 = tpu.memref_squeeze %dma_start3A_439 : memref<1x1x1x8x128xf32, #tpu.memory_space<hbm>> -> memref<8x128xf32, #tpu.memory_space<hbm>>
      %dma_start3A_441 = arith.constant 56 : i32
      %dma_start3A_442 = arith.constant 0 : i32
      %dma_start3A_443 = tpu.memref_slice %arg8[%dma_start3A_441, %dma_start3A_442] : memref<64x129xf32, #tpu.memory_space<vmem>> -> memref<8x128xf32, #tpu.memory_space<vmem>>
      tpu.enqueue_dma source(%dma_start3A_443 : memref<8x128xf32, #tpu.memory_space<vmem>>) target(%dma_start3A_440 : memref<8x128xf32, #tpu.memory_space<hbm>>) target_semaphore(%arg12 : memref<!tpu.dma_semaphore, #tpu.memory_space<semaphore_mem>>)
      %add3A_444 = arith.constant 2 : i32
      %add3A_445 = arith.addi %add3A_313, %add3A_444 : i32
      %lt3A = arith.constant 200 : i32
      %lt3A_446 = arith.cmpi slt, %add3A_445, %lt3A : i32
      %convert_element_type3A_447 = arith.extui %lt3A_446 : i1 to i32
      %cond3A_448 = arith.constant 0 : i32
      %cond3A_449 = arith.cmpi ne, %convert_element_type3A_447, %cond3A_448 : i32
      scf.if %cond3A_449 {
        %add3A_595 = arith.constant 2 : i32
        %add3A_596 = arith.addi %add3A_313, %add3A_595 : i32
        %dma_start3A_597 = arith.constant 0 : i32
        %dma_start3A_598 = tpu.memref_slice %arg5[%add3A_596, %dma_start3A_597] : memref<200x128xi32, #tpu.memory_space<vmem>> -> memref<1x128xi32, #tpu.memory_space<vmem>>
        %dma_start3A_599 = tpu.memref_squeeze %dma_start3A_598 : memref<1x128xi32, #tpu.memory_space<vmem>> -> memref<128xi32, #tpu.memory_space<vmem>>
        %dma_start3A_600 = arith.constant 0 : i32
        %dma_start3A_601 = arith.constant 0 : i32
        %dma_start3A_602 = tpu.memref_slice %arg3[%dma_start3A_600, %dma_start3A_601] : memref<1000000x64xf32, #tpu.memory_space<hbm>> -> memref<1000000x64xf32, #tpu.memory_space<hbm>>
        tpu.enqueue_indirect_dma source(%dma_start3A_602 : memref<1000000x64xf32, #tpu.memory_space<hbm>>) target(%arg6 : memref<128x64xf32, #tpu.memory_space<vmem>>) offsets(%dma_start3A_599 : memref<128xi32, #tpu.memory_space<vmem>>) semaphore(%arg10 : memref<!tpu.dma_semaphore, #tpu.memory_space<semaphore_mem>>)
      } else {
      }
      %mul3A_450 = arith.constant 2 : i32
      %mul3A_451 = arith.muli %add3A_309, %mul3A_450 : i32
      %add3A_452 = arith.constant 1 : i32
      %add3A_453 = arith.addi %mul3A_451, %add3A_452 : i32
      %dma_wait3A_454 = arith.constant 0 : i32
      %dma_wait3A_455 = arith.constant 0 : i32
      %dma_wait3A_456 = tpu.memref_slice %arg3[%dma_wait3A_454, %dma_wait3A_455] : memref<1000000x64xf32, #tpu.memory_space<hbm>> -> memref<128x64xf32, #tpu.memory_space<hbm>>
      %dma_wait3A_457 = arith.constant 0 : i32
      %dma_wait3A_458 = arith.constant 0 : i32
      %dma_wait3A_459 = tpu.memref_slice %arg3[%dma_wait3A_457, %dma_wait3A_458] : memref<1000000x64xf32, #tpu.memory_space<hbm>> -> memref<128x64xf32, #tpu.memory_space<hbm>>
      tpu.wait_dma2 semaphore(%arg11 : memref<!tpu.dma_semaphore, #tpu.memory_space<semaphore_mem>>) src(%dma_wait3A_459 : memref<128x64xf32, #tpu.memory_space<hbm>>) dst(%arg7 : memref<128x64xf32, #tpu.memory_space<vmem>>)
      %ge3A_460 = arith.constant 2 : i32
      %ge3A_461 = arith.cmpi sge, %add3A_453, %ge3A_460 : i32
      %convert_element_type3A_462 = arith.extui %ge3A_461 : i1 to i32
      %cond3A_463 = arith.constant 0 : i32
      %cond3A_464 = arith.cmpi ne, %convert_element_type3A_462, %cond3A_463 : i32
      scf.if %cond3A_464 {
        %dma_wait3A_595 = arith.constant 0 : i32
        %dma_wait3A_596 = arith.constant 0 : i32
        %dma_wait3A_597 = arith.constant 0 : i32
        %dma_wait3A_598 = arith.constant 0 : i32
        %dma_wait3A_599 = arith.constant 0 : i32
        %dma_wait3A_600 = tpu.memref_slice %arg9[%dma_wait3A_598, %dma_wait3A_599] : memref<64x129xf32, #tpu.memory_space<vmem>> -> memref<8x128xf32, #tpu.memory_space<vmem>>
        %dma_wait3A_601 = arith.constant 0 : i32
        %dma_wait3A_602 = arith.constant 0 : i32
        %dma_wait3A_603 = tpu.memref_slice %arg4[%dma_wait3A_595, %dma_wait3A_596, %dma_wait3A_597, %dma_wait3A_601, %dma_wait3A_602] : memref<200x8x32x8x128xf32, #tpu.memory_space<hbm>> -> memref<1x1x1x8x128xf32, #tpu.memory_space<hbm>>
        %dma_wait3A_604 = tpu.memref_squeeze %dma_wait3A_603 : memref<1x1x1x8x128xf32, #tpu.memory_space<hbm>> -> memref<8x128xf32, #tpu.memory_space<hbm>>
        %dma_wait3A_605 = arith.constant 0 : i32
        %dma_wait3A_606 = arith.constant 0 : i32
        %dma_wait3A_607 = tpu.memref_slice %arg9[%dma_wait3A_605, %dma_wait3A_606] : memref<64x129xf32, #tpu.memory_space<vmem>> -> memref<8x128xf32, #tpu.memory_space<vmem>>
        %dma_wait3A_608 = arith.constant 0 : i32
        %dma_wait3A_609 = arith.constant 0 : i32
        %dma_wait3A_610 = tpu.memref_slice %arg4[%dma_wait3A_595, %dma_wait3A_596, %dma_wait3A_597, %dma_wait3A_608, %dma_wait3A_609] : memref<200x8x32x8x128xf32, #tpu.memory_space<hbm>> -> memref<1x1x1x8x128xf32, #tpu.memory_space<hbm>>
        %dma_wait3A_611 = tpu.memref_squeeze %dma_wait3A_610 : memref<1x1x1x8x128xf32, #tpu.memory_space<hbm>> -> memref<8x128xf32, #tpu.memory_space<hbm>>
        tpu.wait_dma2 semaphore(%arg13 : memref<!tpu.dma_semaphore, #tpu.memory_space<semaphore_mem>>) src(%dma_wait3A_611 : memref<8x128xf32, #tpu.memory_space<hbm>>) dst(%dma_wait3A_607 : memref<8x128xf32, #tpu.memory_space<vmem>>)
        %dma_wait3A_612 = arith.constant 0 : i32
        %dma_wait3A_613 = arith.constant 1 : i32
        %dma_wait3A_614 = arith.constant 0 : i32
        %dma_wait3A_615 = arith.constant 8 : i32
        %dma_wait3A_616 = arith.constant 0 : i32
        %dma_wait3A_617 = tpu.memref_slice %arg9[%dma_wait3A_615, %dma_wait3A_616] : memref<64x129xf32, #tpu.memory_space<vmem>> -> memref<8x128xf32, #tpu.memory_space<vmem>>
        %dma_wait3A_618 = arith.constant 0 : i32
        %dma_wait3A_619 = arith.constant 0 : i32
        %dma_wait3A_620 = tpu.memref_slice %arg4[%dma_wait3A_612, %dma_wait3A_613, %dma_wait3A_614, %dma_wait3A_618, %dma_wait3A_619] : memref<200x8x32x8x128xf32, #tpu.memory_space<hbm>> -> memref<1x1x1x8x128xf32, #tpu.memory_space<hbm>>
        %dma_wait3A_621 = tpu.memref_squeeze %dma_wait3A_620 : memref<1x1x1x8x128xf32, #tpu.memory_space<hbm>> -> memref<8x128xf32, #tpu.memory_space<hbm>>
        %dma_wait3A_622 = arith.constant 8 : i32
        %dma_wait3A_623 = arith.constant 0 : i32
        %dma_wait3A_624 = tpu.memref_slice %arg9[%dma_wait3A_622, %dma_wait3A_623] : memref<64x129xf32, #tpu.memory_space<vmem>> -> memref<8x128xf32, #tpu.memory_space<vmem>>
        %dma_wait3A_625 = arith.constant 0 : i32
        %dma_wait3A_626 = arith.constant 0 : i32
        %dma_wait3A_627 = tpu.memref_slice %arg4[%dma_wait3A_612, %dma_wait3A_613, %dma_wait3A_614, %dma_wait3A_625, %dma_wait3A_626] : memref<200x8x32x8x128xf32, #tpu.memory_space<hbm>> -> memref<1x1x1x8x128xf32, #tpu.memory_space<hbm>>
        %dma_wait3A_628 = tpu.memref_squeeze %dma_wait3A_627 : memref<1x1x1x8x128xf32, #tpu.memory_space<hbm>> -> memref<8x128xf32, #tpu.memory_space<hbm>>
        tpu.wait_dma2 semaphore(%arg13 : memref<!tpu.dma_semaphore, #tpu.memory_space<semaphore_mem>>) src(%dma_wait3A_628 : memref<8x128xf32, #tpu.memory_space<hbm>>) dst(%dma_wait3A_624 : memref<8x128xf32, #tpu.memory_space<vmem>>)
        %dma_wait3A_629 = arith.constant 0 : i32
        %dma_wait3A_630 = arith.constant 2 : i32
        %dma_wait3A_631 = arith.constant 0 : i32
        %dma_wait3A_632 = arith.constant 16 : i32
        %dma_wait3A_633 = arith.constant 0 : i32
        %dma_wait3A_634 = tpu.memref_slice %arg9[%dma_wait3A_632, %dma_wait3A_633] : memref<64x129xf32, #tpu.memory_space<vmem>> -> memref<8x128xf32, #tpu.memory_space<vmem>>
        %dma_wait3A_635 = arith.constant 0 : i32
        %dma_wait3A_636 = arith.constant 0 : i32
        %dma_wait3A_637 = tpu.memref_slice %arg4[%dma_wait3A_629, %dma_wait3A_630, %dma_wait3A_631, %dma_wait3A_635, %dma_wait3A_636] : memref<200x8x32x8x128xf32, #tpu.memory_space<hbm>> -> memref<1x1x1x8x128xf32, #tpu.memory_space<hbm>>
        %dma_wait3A_638 = tpu.memref_squeeze %dma_wait3A_637 : memref<1x1x1x8x128xf32, #tpu.memory_space<hbm>> -> memref<8x128xf32, #tpu.memory_space<hbm>>
        %dma_wait3A_639 = arith.constant 16 : i32
        %dma_wait3A_640 = arith.constant 0 : i32
        %dma_wait3A_641 = tpu.memref_slice %arg9[%dma_wait3A_639, %dma_wait3A_640] : memref<64x129xf32, #tpu.memory_space<vmem>> -> memref<8x128xf32, #tpu.memory_space<vmem>>
        %dma_wait3A_642 = arith.constant 0 : i32
        %dma_wait3A_643 = arith.constant 0 : i32
        %dma_wait3A_644 = tpu.memref_slice %arg4[%dma_wait3A_629, %dma_wait3A_630, %dma_wait3A_631, %dma_wait3A_642, %dma_wait3A_643] : memref<200x8x32x8x128xf32, #tpu.memory_space<hbm>> -> memref<1x1x1x8x128xf32, #tpu.memory_space<hbm>>
        %dma_wait3A_645 = tpu.memref_squeeze %dma_wait3A_644 : memref<1x1x1x8x128xf32, #tpu.memory_space<hbm>> -> memref<8x128xf32, #tpu.memory_space<hbm>>
        tpu.wait_dma2 semaphore(%arg13 : memref<!tpu.dma_semaphore, #tpu.memory_space<semaphore_mem>>) src(%dma_wait3A_645 : memref<8x128xf32, #tpu.memory_space<hbm>>) dst(%dma_wait3A_641 : memref<8x128xf32, #tpu.memory_space<vmem>>)
        %dma_wait3A_646 = arith.constant 0 : i32
        %dma_wait3A_647 = arith.constant 3 : i32
        %dma_wait3A_648 = arith.constant 0 : i32
        %dma_wait3A_649 = arith.constant 24 : i32
        %dma_wait3A_650 = arith.constant 0 : i32
        %dma_wait3A_651 = tpu.memref_slice %arg9[%dma_wait3A_649, %dma_wait3A_650] : memref<64x129xf32, #tpu.memory_space<vmem>> -> memref<8x128xf32, #tpu.memory_space<vmem>>
        %dma_wait3A_652 = arith.constant 0 : i32
        %dma_wait3A_653 = arith.constant 0 : i32
        %dma_wait3A_654 = tpu.memref_slice %arg4[%dma_wait3A_646, %dma_wait3A_647, %dma_wait3A_648, %dma_wait3A_652, %dma_wait3A_653] : memref<200x8x32x8x128xf32, #tpu.memory_space<hbm>> -> memref<1x1x1x8x128xf32, #tpu.memory_space<hbm>>
        %dma_wait3A_655 = tpu.memref_squeeze %dma_wait3A_654 : memref<1x1x1x8x128xf32, #tpu.memory_space<hbm>> -> memref<8x128xf32, #tpu.memory_space<hbm>>
        %dma_wait3A_656 = arith.constant 24 : i32
        %dma_wait3A_657 = arith.constant 0 : i32
        %dma_wait3A_658 = tpu.memref_slice %arg9[%dma_wait3A_656, %dma_wait3A_657] : memref<64x129xf32, #tpu.memory_space<vmem>> -> memref<8x128xf32, #tpu.memory_space<vmem>>
        %dma_wait3A_659 = arith.constant 0 : i32
        %dma_wait3A_660 = arith.constant 0 : i32
        %dma_wait3A_661 = tpu.memref_slice %arg4[%dma_wait3A_646, %dma_wait3A_647, %dma_wait3A_648, %dma_wait3A_659, %dma_wait3A_660] : memref<200x8x32x8x128xf32, #tpu.memory_space<hbm>> -> memref<1x1x1x8x128xf32, #tpu.memory_space<hbm>>
        %dma_wait3A_662 = tpu.memref_squeeze %dma_wait3A_661 : memref<1x1x1x8x128xf32, #tpu.memory_space<hbm>> -> memref<8x128xf32, #tpu.memory_space<hbm>>
        tpu.wait_dma2 semaphore(%arg13 : memref<!tpu.dma_semaphore, #tpu.memory_space<semaphore_mem>>) src(%dma_wait3A_662 : memref<8x128xf32, #tpu.memory_space<hbm>>) dst(%dma_wait3A_658 : memref<8x128xf32, #tpu.memory_space<vmem>>)
        %dma_wait3A_663 = arith.constant 0 : i32
        %dma_wait3A_664 = arith.constant 4 : i32
        %dma_wait3A_665 = arith.constant 0 : i32
        %dma_wait3A_666 = arith.constant 32 : i32
        %dma_wait3A_667 = arith.constant 0 : i32
        %dma_wait3A_668 = tpu.memref_slice %arg9[%dma_wait3A_666, %dma_wait3A_667] : memref<64x129xf32, #tpu.memory_space<vmem>> -> memref<8x128xf32, #tpu.memory_space<vmem>>
        %dma_wait3A_669 = arith.constant 0 : i32
        %dma_wait3A_670 = arith.constant 0 : i32
        %dma_wait3A_671 = tpu.memref_slice %arg4[%dma_wait3A_663, %dma_wait3A_664, %dma_wait3A_665, %dma_wait3A_669, %dma_wait3A_670] : memref<200x8x32x8x128xf32, #tpu.memory_space<hbm>> -> memref<1x1x1x8x128xf32, #tpu.memory_space<hbm>>
        %dma_wait3A_672 = tpu.memref_squeeze %dma_wait3A_671 : memref<1x1x1x8x128xf32, #tpu.memory_space<hbm>> -> memref<8x128xf32, #tpu.memory_space<hbm>>
        %dma_wait3A_673 = arith.constant 32 : i32
        %dma_wait3A_674 = arith.constant 0 : i32
        %dma_wait3A_675 = tpu.memref_slice %arg9[%dma_wait3A_673, %dma_wait3A_674] : memref<64x129xf32, #tpu.memory_space<vmem>> -> memref<8x128xf32, #tpu.memory_space<vmem>>
        %dma_wait3A_676 = arith.constant 0 : i32
        %dma_wait3A_677 = arith.constant 0 : i32
        %dma_wait3A_678 = tpu.memref_slice %arg4[%dma_wait3A_663, %dma_wait3A_664, %dma_wait3A_665, %dma_wait3A_676, %dma_wait3A_677] : memref<200x8x32x8x128xf32, #tpu.memory_space<hbm>> -> memref<1x1x1x8x128xf32, #tpu.memory_space<hbm>>
        %dma_wait3A_679 = tpu.memref_squeeze %dma_wait3A_678 : memref<1x1x1x8x128xf32, #tpu.memory_space<hbm>> -> memref<8x128xf32, #tpu.memory_space<hbm>>
        tpu.wait_dma2 semaphore(%arg13 : memref<!tpu.dma_semaphore, #tpu.memory_space<semaphore_mem>>) src(%dma_wait3A_679 : memref<8x128xf32, #tpu.memory_space<hbm>>) dst(%dma_wait3A_675 : memref<8x128xf32, #tpu.memory_space<vmem>>)
        %dma_wait3A_680 = arith.constant 0 : i32
        %dma_wait3A_681 = arith.constant 5 : i32
        %dma_wait3A_682 = arith.constant 0 : i32
        %dma_wait3A_683 = arith.constant 40 : i32
        %dma_wait3A_684 = arith.constant 0 : i32
        %dma_wait3A_685 = tpu.memref_slice %arg9[%dma_wait3A_683, %dma_wait3A_684] : memref<64x129xf32, #tpu.memory_space<vmem>> -> memref<8x128xf32, #tpu.memory_space<vmem>>
        %dma_wait3A_686 = arith.constant 0 : i32
        %dma_wait3A_687 = arith.constant 0 : i32
        %dma_wait3A_688 = tpu.memref_slice %arg4[%dma_wait3A_680, %dma_wait3A_681, %dma_wait3A_682, %dma_wait3A_686, %dma_wait3A_687] : memref<200x8x32x8x128xf32, #tpu.memory_space<hbm>> -> memref<1x1x1x8x128xf32, #tpu.memory_space<hbm>>
        %dma_wait3A_689 = tpu.memref_squeeze %dma_wait3A_688 : memref<1x1x1x8x128xf32, #tpu.memory_space<hbm>> -> memref<8x128xf32, #tpu.memory_space<hbm>>
        %dma_wait3A_690 = arith.constant 40 : i32
        %dma_wait3A_691 = arith.constant 0 : i32
        %dma_wait3A_692 = tpu.memref_slice %arg9[%dma_wait3A_690, %dma_wait3A_691] : memref<64x129xf32, #tpu.memory_space<vmem>> -> memref<8x128xf32, #tpu.memory_space<vmem>>
        %dma_wait3A_693 = arith.constant 0 : i32
        %dma_wait3A_694 = arith.constant 0 : i32
        %dma_wait3A_695 = tpu.memref_slice %arg4[%dma_wait3A_680, %dma_wait3A_681, %dma_wait3A_682, %dma_wait3A_693, %dma_wait3A_694] : memref<200x8x32x8x128xf32, #tpu.memory_space<hbm>> -> memref<1x1x1x8x128xf32, #tpu.memory_space<hbm>>
        %dma_wait3A_696 = tpu.memref_squeeze %dma_wait3A_695 : memref<1x1x1x8x128xf32, #tpu.memory_space<hbm>> -> memref<8x128xf32, #tpu.memory_space<hbm>>
        tpu.wait_dma2 semaphore(%arg13 : memref<!tpu.dma_semaphore, #tpu.memory_space<semaphore_mem>>) src(%dma_wait3A_696 : memref<8x128xf32, #tpu.memory_space<hbm>>) dst(%dma_wait3A_692 : memref<8x128xf32, #tpu.memory_space<vmem>>)
        %dma_wait3A_697 = arith.constant 0 : i32
        %dma_wait3A_698 = arith.constant 6 : i32
        %dma_wait3A_699 = arith.constant 0 : i32
        %dma_wait3A_700 = arith.constant 48 : i32
        %dma_wait3A_701 = arith.constant 0 : i32
        %dma_wait3A_702 = tpu.memref_slice %arg9[%dma_wait3A_700, %dma_wait3A_701] : memref<64x129xf32, #tpu.memory_space<vmem>> -> memref<8x128xf32, #tpu.memory_space<vmem>>
        %dma_wait3A_703 = arith.constant 0 : i32
        %dma_wait3A_704 = arith.constant 0 : i32
        %dma_wait3A_705 = tpu.memref_slice %arg4[%dma_wait3A_697, %dma_wait3A_698, %dma_wait3A_699, %dma_wait3A_703, %dma_wait3A_704] : memref<200x8x32x8x128xf32, #tpu.memory_space<hbm>> -> memref<1x1x1x8x128xf32, #tpu.memory_space<hbm>>
        %dma_wait3A_706 = tpu.memref_squeeze %dma_wait3A_705 : memref<1x1x1x8x128xf32, #tpu.memory_space<hbm>> -> memref<8x128xf32, #tpu.memory_space<hbm>>
        %dma_wait3A_707 = arith.constant 48 : i32
        %dma_wait3A_708 = arith.constant 0 : i32
        %dma_wait3A_709 = tpu.memref_slice %arg9[%dma_wait3A_707, %dma_wait3A_708] : memref<64x129xf32, #tpu.memory_space<vmem>> -> memref<8x128xf32, #tpu.memory_space<vmem>>
        %dma_wait3A_710 = arith.constant 0 : i32
        %dma_wait3A_711 = arith.constant 0 : i32
        %dma_wait3A_712 = tpu.memref_slice %arg4[%dma_wait3A_697, %dma_wait3A_698, %dma_wait3A_699, %dma_wait3A_710, %dma_wait3A_711] : memref<200x8x32x8x128xf32, #tpu.memory_space<hbm>> -> memref<1x1x1x8x128xf32, #tpu.memory_space<hbm>>
        %dma_wait3A_713 = tpu.memref_squeeze %dma_wait3A_712 : memref<1x1x1x8x128xf32, #tpu.memory_space<hbm>> -> memref<8x128xf32, #tpu.memory_space<hbm>>
        tpu.wait_dma2 semaphore(%arg13 : memref<!tpu.dma_semaphore, #tpu.memory_space<semaphore_mem>>) src(%dma_wait3A_713 : memref<8x128xf32, #tpu.memory_space<hbm>>) dst(%dma_wait3A_709 : memref<8x128xf32, #tpu.memory_space<vmem>>)
        %dma_wait3A_714 = arith.constant 0 : i32
        %dma_wait3A_715 = arith.constant 7 : i32
        %dma_wait3A_716 = arith.constant 0 : i32
        %dma_wait3A_717 = arith.constant 56 : i32
        %dma_wait3A_718 = arith.constant 0 : i32
        %dma_wait3A_719 = tpu.memref_slice %arg9[%dma_wait3A_717, %dma_wait3A_718] : memref<64x129xf32, #tpu.memory_space<vmem>> -> memref<8x128xf32, #tpu.memory_space<vmem>>
        %dma_wait3A_720 = arith.constant 0 : i32
        %dma_wait3A_721 = arith.constant 0 : i32
        %dma_wait3A_722 = tpu.memref_slice %arg4[%dma_wait3A_714, %dma_wait3A_715, %dma_wait3A_716, %dma_wait3A_720, %dma_wait3A_721] : memref<200x8x32x8x128xf32, #tpu.memory_space<hbm>> -> memref<1x1x1x8x128xf32, #tpu.memory_space<hbm>>
        %dma_wait3A_723 = tpu.memref_squeeze %dma_wait3A_722 : memref<1x1x1x8x128xf32, #tpu.memory_space<hbm>> -> memref<8x128xf32, #tpu.memory_space<hbm>>
        %dma_wait3A_724 = arith.constant 56 : i32
        %dma_wait3A_725 = arith.constant 0 : i32
        %dma_wait3A_726 = tpu.memref_slice %arg9[%dma_wait3A_724, %dma_wait3A_725] : memref<64x129xf32, #tpu.memory_space<vmem>> -> memref<8x128xf32, #tpu.memory_space<vmem>>
        %dma_wait3A_727 = arith.constant 0 : i32
        %dma_wait3A_728 = arith.constant 0 : i32
        %dma_wait3A_729 = tpu.memref_slice %arg4[%dma_wait3A_714, %dma_wait3A_715, %dma_wait3A_716, %dma_wait3A_727, %dma_wait3A_728] : memref<200x8x32x8x128xf32, #tpu.memory_space<hbm>> -> memref<1x1x1x8x128xf32, #tpu.memory_space<hbm>>
        %dma_wait3A_730 = tpu.memref_squeeze %dma_wait3A_729 : memref<1x1x1x8x128xf32, #tpu.memory_space<hbm>> -> memref<8x128xf32, #tpu.memory_space<hbm>>
        tpu.wait_dma2 semaphore(%arg13 : memref<!tpu.dma_semaphore, #tpu.memory_space<semaphore_mem>>) src(%dma_wait3A_730 : memref<8x128xf32, #tpu.memory_space<hbm>>) dst(%dma_wait3A_726 : memref<8x128xf32, #tpu.memory_space<vmem>>)
      } else {
      }
      %parallel_loop3A_465 = arith.constant 0 : i32
      %parallel_loop3A_466 = arith.constant 128 : i32
      %parallel_loop3A_467 = arith.constant 1 : i32
      scf.for %parallel_loop3A_595 = %parallel_loop3A_465 to %parallel_loop3A_466 step %parallel_loop3A_467  : i32 {
        %parallel_loop3A_596 = vector.broadcast %parallel_loop3A_595 : i32 to vector<16xi32>
        %parallel_loop3A_597 = arith.addi %broadcast_in_dim3A_16, %parallel_loop3A_596 : vector<16xi32>
        %parallel_loop3A_598 = arith.index_cast %parallel_loop3A_595 : i32 to index
        %parallel_loop3A_599 = arith.constant 0 : index
        %parallel_loop3A_600 = tpu.vector_load %arg7[%parallel_loop3A_598, %parallel_loop3A_599] {strides = array<i32>} : memref<128x64xf32, #tpu.memory_space<vmem>>, vector<16xf32>,
        tpu.vector_store_idx %arg9[%add3A_3, %parallel_loop3A_597], %parallel_loop3A_600 : memref<64x129xf32, #tpu.memory_space<vmem>>[vector<16xi32>, vector<16xi32>], vector<16xf32>,
        %parallel_loop3A_601 = arith.index_cast %parallel_loop3A_595 : i32 to index
        %parallel_loop3A_602 = arith.constant 16 : index
        %parallel_loop3A_603 = tpu.vector_load %arg7[%parallel_loop3A_601, %parallel_loop3A_602] {strides = array<i32>} : memref<128x64xf32, #tpu.memory_space<vmem>>, vector<16xf32>,
        tpu.vector_store_idx %arg9[%add3A_7, %parallel_loop3A_597], %parallel_loop3A_603 : memref<64x129xf32, #tpu.memory_space<vmem>>[vector<16xi32>, vector<16xi32>], vector<16xf32>,
        %parallel_loop3A_604 = arith.index_cast %parallel_loop3A_595 : i32 to index
        %parallel_loop3A_605 = arith.constant 32 : index
        %parallel_loop3A_606 = tpu.vector_load %arg7[%parallel_loop3A_604, %parallel_loop3A_605] {strides = array<i32>} : memref<128x64xf32, #tpu.memory_space<vmem>>, vector<16xf32>,
        tpu.vector_store_idx %arg9[%add3A_11, %parallel_loop3A_597], %parallel_loop3A_606 : memref<64x129xf32, #tpu.memory_space<vmem>>[vector<16xi32>, vector<16xi32>], vector<16xf32>,
        %parallel_loop3A_607 = arith.index_cast %parallel_loop3A_595 : i32 to index
        %parallel_loop3A_608 = arith.constant 48 : index
        %parallel_loop3A_609 = tpu.vector_load %arg7[%parallel_loop3A_607, %parallel_loop3A_608] {strides = array<i32>} : memref<128x64xf32, #tpu.memory_space<vmem>>, vector<16xf32>,
        tpu.vector_store_idx %arg9[%add3A_15, %parallel_loop3A_597], %parallel_loop3A_609 : memref<64x129xf32, #tpu.memory_space<vmem>>[vector<16xi32>, vector<16xi32>], vector<16xf32>,
      } {sc.loop_unroll_factor = 16 : i64, sc.parallel_access}
      %dma_start3A_468 = arith.constant 0 : i32
      %dma_start3A_469 = arith.constant 0 : i32
      %dma_start3A_470 = arith.constant 0 : i32
      %dma_start3A_471 = tpu.memref_slice %arg9[%dma_start3A_469, %dma_start3A_470] : memref<64x129xf32, #tpu.memory_space<vmem>> -> memref<8x128xf32, #tpu.memory_space<vmem>>
      %dma_start3A_472 = arith.constant 0 : i32
      %dma_start3A_473 = arith.constant 0 : i32
      %dma_start3A_474 = tpu.memref_slice %arg4[%add3A_453, %dma_start3A_468, %add3A, %dma_start3A_472, %dma_start3A_473] : memref<200x8x32x8x128xf32, #tpu.memory_space<hbm>> -> memref<1x1x1x8x128xf32, #tpu.memory_space<hbm>>
      %dma_start3A_475 = tpu.memref_squeeze %dma_start3A_474 : memref<1x1x1x8x128xf32, #tpu.memory_space<hbm>> -> memref<8x128xf32, #tpu.memory_space<hbm>>
      %dma_start3A_476 = arith.constant 0 : i32
      %dma_start3A_477 = arith.constant 0 : i32
      %dma_start3A_478 = tpu.memref_slice %arg4[%add3A_453, %dma_start3A_468, %add3A, %dma_start3A_476, %dma_start3A_477] : memref<200x8x32x8x128xf32, #tpu.memory_space<hbm>> -> memref<1x1x1x8x128xf32, #tpu.memory_space<hbm>>
      %dma_start3A_479 = tpu.memref_squeeze %dma_start3A_478 : memref<1x1x1x8x128xf32, #tpu.memory_space<hbm>> -> memref<8x128xf32, #tpu.memory_space<hbm>>
      %dma_start3A_480 = arith.constant 0 : i32
      %dma_start3A_481 = arith.constant 0 : i32
      %dma_start3A_482 = tpu.memref_slice %arg9[%dma_start3A_480, %dma_start3A_481] : memref<64x129xf32, #tpu.memory_space<vmem>> -> memref<8x128xf32, #tpu.memory_space<vmem>>
      tpu.enqueue_dma source(%dma_start3A_482 : memref<8x128xf32, #tpu.memory_space<vmem>>) target(%dma_start3A_479 : memref<8x128xf32, #tpu.memory_space<hbm>>) target_semaphore(%arg13 : memref<!tpu.dma_semaphore, #tpu.memory_space<semaphore_mem>>)
      %dma_start3A_483 = arith.constant 1 : i32
      %dma_start3A_484 = arith.constant 8 : i32
      %dma_start3A_485 = arith.constant 0 : i32
      %dma_start3A_486 = tpu.memref_slice %arg9[%dma_start3A_484, %dma_start3A_485] : memref<64x129xf32, #tpu.memory_space<vmem>> -> memref<8x128xf32, #tpu.memory_space<vmem>>
      %dma_start3A_487 = arith.constant 0 : i32
      %dma_start3A_488 = arith.constant 0 : i32
      %dma_start3A_489 = tpu.memref_slice %arg4[%add3A_453, %dma_start3A_483, %add3A, %dma_start3A_487, %dma_start3A_488] : memref<200x8x32x8x128xf32, #tpu.memory_space<hbm>> -> memref<1x1x1x8x128xf32, #tpu.memory_space<hbm>>
      %dma_start3A_490 = tpu.memref_squeeze %dma_start3A_489 : memref<1x1x1x8x128xf32, #tpu.memory_space<hbm>> -> memref<8x128xf32, #tpu.memory_space<hbm>>
      %dma_start3A_491 = arith.constant 0 : i32
      %dma_start3A_492 = arith.constant 0 : i32
      %dma_start3A_493 = tpu.memref_slice %arg4[%add3A_453, %dma_start3A_483, %add3A, %dma_start3A_491, %dma_start3A_492] : memref<200x8x32x8x128xf32, #tpu.memory_space<hbm>> -> memref<1x1x1x8x128xf32, #tpu.memory_space<hbm>>
      %dma_start3A_494 = tpu.memref_squeeze %dma_start3A_493 : memref<1x1x1x8x128xf32, #tpu.memory_space<hbm>> -> memref<8x128xf32, #tpu.memory_space<hbm>>
      %dma_start3A_495 = arith.constant 8 : i32
      %dma_start3A_496 = arith.constant 0 : i32
      %dma_start3A_497 = tpu.memref_slice %arg9[%dma_start3A_495, %dma_start3A_496] : memref<64x129xf32, #tpu.memory_space<vmem>> -> memref<8x128xf32, #tpu.memory_space<vmem>>
      tpu.enqueue_dma source(%dma_start3A_497 : memref<8x128xf32, #tpu.memory_space<vmem>>) target(%dma_start3A_494 : memref<8x128xf32, #tpu.memory_space<hbm>>) target_semaphore(%arg13 : memref<!tpu.dma_semaphore, #tpu.memory_space<semaphore_mem>>)
      %dma_start3A_498 = arith.constant 2 : i32
      %dma_start3A_499 = arith.constant 16 : i32
      %dma_start3A_500 = arith.constant 0 : i32
      %dma_start3A_501 = tpu.memref_slice %arg9[%dma_start3A_499, %dma_start3A_500] : memref<64x129xf32, #tpu.memory_space<vmem>> -> memref<8x128xf32, #tpu.memory_space<vmem>>
      %dma_start3A_502 = arith.constant 0 : i32
      %dma_start3A_503 = arith.constant 0 : i32
      %dma_start3A_504 = tpu.memref_slice %arg4[%add3A_453, %dma_start3A_498, %add3A, %dma_start3A_502, %dma_start3A_503] : memref<200x8x32x8x128xf32, #tpu.memory_space<hbm>> -> memref<1x1x1x8x128xf32, #tpu.memory_space<hbm>>
      %dma_start3A_505 = tpu.memref_squeeze %dma_start3A_504 : memref<1x1x1x8x128xf32, #tpu.memory_space<hbm>> -> memref<8x128xf32, #tpu.memory_space<hbm>>
      %dma_start3A_506 = arith.constant 0 : i32
      %dma_start3A_507 = arith.constant 0 : i32
      %dma_start3A_508 = tpu.memref_slice %arg4[%add3A_453, %dma_start3A_498, %add3A, %dma_start3A_506, %dma_start3A_507] : memref<200x8x32x8x128xf32, #tpu.memory_space<hbm>> -> memref<1x1x1x8x128xf32, #tpu.memory_space<hbm>>
      %dma_start3A_509 = tpu.memref_squeeze %dma_start3A_508 : memref<1x1x1x8x128xf32, #tpu.memory_space<hbm>> -> memref<8x128xf32, #tpu.memory_space<hbm>>
      %dma_start3A_510 = arith.constant 16 : i32
      %dma_start3A_511 = arith.constant 0 : i32
      %dma_start3A_512 = tpu.memref_slice %arg9[%dma_start3A_510, %dma_start3A_511] : memref<64x129xf32, #tpu.memory_space<vmem>> -> memref<8x128xf32, #tpu.memory_space<vmem>>
      tpu.enqueue_dma source(%dma_start3A_512 : memref<8x128xf32, #tpu.memory_space<vmem>>) target(%dma_start3A_509 : memref<8x128xf32, #tpu.memory_space<hbm>>) target_semaphore(%arg13 : memref<!tpu.dma_semaphore, #tpu.memory_space<semaphore_mem>>)
      %dma_start3A_513 = arith.constant 3 : i32
      %dma_start3A_514 = arith.constant 24 : i32
      %dma_start3A_515 = arith.constant 0 : i32
      %dma_start3A_516 = tpu.memref_slice %arg9[%dma_start3A_514, %dma_start3A_515] : memref<64x129xf32, #tpu.memory_space<vmem>> -> memref<8x128xf32, #tpu.memory_space<vmem>>
      %dma_start3A_517 = arith.constant 0 : i32
      %dma_start3A_518 = arith.constant 0 : i32
      %dma_start3A_519 = tpu.memref_slice %arg4[%add3A_453, %dma_start3A_513, %add3A, %dma_start3A_517, %dma_start3A_518] : memref<200x8x32x8x128xf32, #tpu.memory_space<hbm>> -> memref<1x1x1x8x128xf32, #tpu.memory_space<hbm>>
      %dma_start3A_520 = tpu.memref_squeeze %dma_start3A_519 : memref<1x1x1x8x128xf32, #tpu.memory_space<hbm>> -> memref<8x128xf32, #tpu.memory_space<hbm>>
      %dma_start3A_521 = arith.constant 0 : i32
      %dma_start3A_522 = arith.constant 0 : i32
      %dma_start3A_523 = tpu.memref_slice %arg4[%add3A_453, %dma_start3A_513, %add3A, %dma_start3A_521, %dma_start3A_522] : memref<200x8x32x8x128xf32, #tpu.memory_space<hbm>> -> memref<1x1x1x8x128xf32, #tpu.memory_space<hbm>>
      %dma_start3A_524 = tpu.memref_squeeze %dma_start3A_523 : memref<1x1x1x8x128xf32, #tpu.memory_space<hbm>> -> memref<8x128xf32, #tpu.memory_space<hbm>>
      %dma_start3A_525 = arith.constant 24 : i32
      %dma_start3A_526 = arith.constant 0 : i32
      %dma_start3A_527 = tpu.memref_slice %arg9[%dma_start3A_525, %dma_start3A_526] : memref<64x129xf32, #tpu.memory_space<vmem>> -> memref<8x128xf32, #tpu.memory_space<vmem>>
      tpu.enqueue_dma source(%dma_start3A_527 : memref<8x128xf32, #tpu.memory_space<vmem>>) target(%dma_start3A_524 : memref<8x128xf32, #tpu.memory_space<hbm>>) target_semaphore(%arg13 : memref<!tpu.dma_semaphore, #tpu.memory_space<semaphore_mem>>)
      %dma_start3A_528 = arith.constant 4 : i32
      %dma_start3A_529 = arith.constant 32 : i32
      %dma_start3A_530 = arith.constant 0 : i32
      %dma_start3A_531 = tpu.memref_slice %arg9[%dma_start3A_529, %dma_start3A_530] : memref<64x129xf32, #tpu.memory_space<vmem>> -> memref<8x128xf32, #tpu.memory_space<vmem>>
      %dma_start3A_532 = arith.constant 0 : i32
      %dma_start3A_533 = arith.constant 0 : i32
      %dma_start3A_534 = tpu.memref_slice %arg4[%add3A_453, %dma_start3A_528, %add3A, %dma_start3A_532, %dma_start3A_533] : memref<200x8x32x8x128xf32, #tpu.memory_space<hbm>> -> memref<1x1x1x8x128xf32, #tpu.memory_space<hbm>>
      %dma_start3A_535 = tpu.memref_squeeze %dma_start3A_534 : memref<1x1x1x8x128xf32, #tpu.memory_space<hbm>> -> memref<8x128xf32, #tpu.memory_space<hbm>>
      %dma_start3A_536 = arith.constant 0 : i32
      %dma_start3A_537 = arith.constant 0 : i32
      %dma_start3A_538 = tpu.memref_slice %arg4[%add3A_453, %dma_start3A_528, %add3A, %dma_start3A_536, %dma_start3A_537] : memref<200x8x32x8x128xf32, #tpu.memory_space<hbm>> -> memref<1x1x1x8x128xf32, #tpu.memory_space<hbm>>
      %dma_start3A_539 = tpu.memref_squeeze %dma_start3A_538 : memref<1x1x1x8x128xf32, #tpu.memory_space<hbm>> -> memref<8x128xf32, #tpu.memory_space<hbm>>
      %dma_start3A_540 = arith.constant 32 : i32
      %dma_start3A_541 = arith.constant 0 : i32
      %dma_start3A_542 = tpu.memref_slice %arg9[%dma_start3A_540, %dma_start3A_541] : memref<64x129xf32, #tpu.memory_space<vmem>> -> memref<8x128xf32, #tpu.memory_space<vmem>>
      tpu.enqueue_dma source(%dma_start3A_542 : memref<8x128xf32, #tpu.memory_space<vmem>>) target(%dma_start3A_539 : memref<8x128xf32, #tpu.memory_space<hbm>>) target_semaphore(%arg13 : memref<!tpu.dma_semaphore, #tpu.memory_space<semaphore_mem>>)
      %dma_start3A_543 = arith.constant 5 : i32
      %dma_start3A_544 = arith.constant 40 : i32
      %dma_start3A_545 = arith.constant 0 : i32
      %dma_start3A_546 = tpu.memref_slice %arg9[%dma_start3A_544, %dma_start3A_545] : memref<64x129xf32, #tpu.memory_space<vmem>> -> memref<8x128xf32, #tpu.memory_space<vmem>>
      %dma_start3A_547 = arith.constant 0 : i32
      %dma_start3A_548 = arith.constant 0 : i32
      %dma_start3A_549 = tpu.memref_slice %arg4[%add3A_453, %dma_start3A_543, %add3A, %dma_start3A_547, %dma_start3A_548] : memref<200x8x32x8x128xf32, #tpu.memory_space<hbm>> -> memref<1x1x1x8x128xf32, #tpu.memory_space<hbm>>
      %dma_start3A_550 = tpu.memref_squeeze %dma_start3A_549 : memref<1x1x1x8x128xf32, #tpu.memory_space<hbm>> -> memref<8x128xf32, #tpu.memory_space<hbm>>
      %dma_start3A_551 = arith.constant 0 : i32
      %dma_start3A_552 = arith.constant 0 : i32
      %dma_start3A_553 = tpu.memref_slice %arg4[%add3A_453, %dma_start3A_543, %add3A, %dma_start3A_551, %dma_start3A_552] : memref<200x8x32x8x128xf32, #tpu.memory_space<hbm>> -> memref<1x1x1x8x128xf32, #tpu.memory_space<hbm>>
      %dma_start3A_554 = tpu.memref_squeeze %dma_start3A_553 : memref<1x1x1x8x128xf32, #tpu.memory_space<hbm>> -> memref<8x128xf32, #tpu.memory_space<hbm>>
      %dma_start3A_555 = arith.constant 40 : i32
      %dma_start3A_556 = arith.constant 0 : i32
      %dma_start3A_557 = tpu.memref_slice %arg9[%dma_start3A_555, %dma_start3A_556] : memref<64x129xf32, #tpu.memory_space<vmem>> -> memref<8x128xf32, #tpu.memory_space<vmem>>
      tpu.enqueue_dma source(%dma_start3A_557 : memref<8x128xf32, #tpu.memory_space<vmem>>) target(%dma_start3A_554 : memref<8x128xf32, #tpu.memory_space<hbm>>) target_semaphore(%arg13 : memref<!tpu.dma_semaphore, #tpu.memory_space<semaphore_mem>>)
      %dma_start3A_558 = arith.constant 6 : i32
      %dma_start3A_559 = arith.constant 48 : i32
      %dma_start3A_560 = arith.constant 0 : i32
      %dma_start3A_561 = tpu.memref_slice %arg9[%dma_start3A_559, %dma_start3A_560] : memref<64x129xf32, #tpu.memory_space<vmem>> -> memref<8x128xf32, #tpu.memory_space<vmem>>
      %dma_start3A_562 = arith.constant 0 : i32
      %dma_start3A_563 = arith.constant 0 : i32
      %dma_start3A_564 = tpu.memref_slice %arg4[%add3A_453, %dma_start3A_558, %add3A, %dma_start3A_562, %dma_start3A_563] : memref<200x8x32x8x128xf32, #tpu.memory_space<hbm>> -> memref<1x1x1x8x128xf32, #tpu.memory_space<hbm>>
      %dma_start3A_565 = tpu.memref_squeeze %dma_start3A_564 : memref<1x1x1x8x128xf32, #tpu.memory_space<hbm>> -> memref<8x128xf32, #tpu.memory_space<hbm>>
      %dma_start3A_566 = arith.constant 0 : i32
      %dma_start3A_567 = arith.constant 0 : i32
      %dma_start3A_568 = tpu.memref_slice %arg4[%add3A_453, %dma_start3A_558, %add3A, %dma_start3A_566, %dma_start3A_567] : memref<200x8x32x8x128xf32, #tpu.memory_space<hbm>> -> memref<1x1x1x8x128xf32, #tpu.memory_space<hbm>>
      %dma_start3A_569 = tpu.memref_squeeze %dma_start3A_568 : memref<1x1x1x8x128xf32, #tpu.memory_space<hbm>> -> memref<8x128xf32, #tpu.memory_space<hbm>>
      %dma_start3A_570 = arith.constant 48 : i32
      %dma_start3A_571 = arith.constant 0 : i32
      %dma_start3A_572 = tpu.memref_slice %arg9[%dma_start3A_570, %dma_start3A_571] : memref<64x129xf32, #tpu.memory_space<vmem>> -> memref<8x128xf32, #tpu.memory_space<vmem>>
      tpu.enqueue_dma source(%dma_start3A_572 : memref<8x128xf32, #tpu.memory_space<vmem>>) target(%dma_start3A_569 : memref<8x128xf32, #tpu.memory_space<hbm>>) target_semaphore(%arg13 : memref<!tpu.dma_semaphore, #tpu.memory_space<semaphore_mem>>)
      %dma_start3A_573 = arith.constant 7 : i32
      %dma_start3A_574 = arith.constant 56 : i32
      %dma_start3A_575 = arith.constant 0 : i32
      %dma_start3A_576 = tpu.memref_slice %arg9[%dma_start3A_574, %dma_start3A_575] : memref<64x129xf32, #tpu.memory_space<vmem>> -> memref<8x128xf32, #tpu.memory_space<vmem>>
      %dma_start3A_577 = arith.constant 0 : i32
      %dma_start3A_578 = arith.constant 0 : i32
      %dma_start3A_579 = tpu.memref_slice %arg4[%add3A_453, %dma_start3A_573, %add3A, %dma_start3A_577, %dma_start3A_578] : memref<200x8x32x8x128xf32, #tpu.memory_space<hbm>> -> memref<1x1x1x8x128xf32, #tpu.memory_space<hbm>>
      %dma_start3A_580 = tpu.memref_squeeze %dma_start3A_579 : memref<1x1x1x8x128xf32, #tpu.memory_space<hbm>> -> memref<8x128xf32, #tpu.memory_space<hbm>>
      %dma_start3A_581 = arith.constant 0 : i32
      %dma_start3A_582 = arith.constant 0 : i32
      %dma_start3A_583 = tpu.memref_slice %arg4[%add3A_453, %dma_start3A_573, %add3A, %dma_start3A_581, %dma_start3A_582] : memref<200x8x32x8x128xf32, #tpu.memory_space<hbm>> -> memref<1x1x1x8x128xf32, #tpu.memory_space<hbm>>
      %dma_start3A_584 = tpu.memref_squeeze %dma_start3A_583 : memref<1x1x1x8x128xf32, #tpu.memory_space<hbm>> -> memref<8x128xf32, #tpu.memory_space<hbm>>
      %dma_start3A_585 = arith.constant 56 : i32
      %dma_start3A_586 = arith.constant 0 : i32
      %dma_start3A_587 = tpu.memref_slice %arg9[%dma_start3A_585, %dma_start3A_586] : memref<64x129xf32, #tpu.memory_space<vmem>> -> memref<8x128xf32, #tpu.memory_space<vmem>>
      tpu.enqueue_dma source(%dma_start3A_587 : memref<8x128xf32, #tpu.memory_space<vmem>>) target(%dma_start3A_584 : memref<8x128xf32, #tpu.memory_space<hbm>>) target_semaphore(%arg13 : memref<!tpu.dma_semaphore, #tpu.memory_space<semaphore_mem>>)
      %add3A_588 = arith.constant 2 : i32
      %add3A_589 = arith.addi %add3A_453, %add3A_588 : i32
      %lt3A_590 = arith.constant 200 : i32
      %lt3A_591 = arith.cmpi slt, %add3A_589, %lt3A_590 : i32
      %convert_element_type3A_592 = arith.extui %lt3A_591 : i1 to i32
      %cond3A_593 = arith.constant 0 : i32
      %cond3A_594 = arith.cmpi ne, %convert_element_type3A_592, %cond3A_593 : i32
      scf.if %cond3A_594 {
        %add3A_595 = arith.constant 2 : i32
        %add3A_596 = arith.addi %add3A_453, %add3A_595 : i32
        %dma_start3A_597 = arith.constant 0 : i32
        %dma_start3A_598 = tpu.memref_slice %arg5[%add3A_596, %dma_start3A_597] : memref<200x128xi32, #tpu.memory_space<vmem>> -> memref<1x128xi32, #tpu.memory_space<vmem>>
        %dma_start3A_599 = tpu.memref_squeeze %dma_start3A_598 : memref<1x128xi32, #tpu.memory_space<vmem>> -> memref<128xi32, #tpu.memory_space<vmem>>
        %dma_start3A_600 = arith.constant 0 : i32
        %dma_start3A_601 = arith.constant 0 : i32
        %dma_start3A_602 = tpu.memref_slice %arg3[%dma_start3A_600, %dma_start3A_601] : memref<1000000x64xf32, #tpu.memory_space<hbm>> -> memref<1000000x64xf32, #tpu.memory_space<hbm>>
        tpu.enqueue_indirect_dma source(%dma_start3A_602 : memref<1000000x64xf32, #tpu.memory_space<hbm>>) target(%arg7 : memref<128x64xf32, #tpu.memory_space<vmem>>) offsets(%dma_start3A_599 : memref<128xi32, #tpu.memory_space<vmem>>) semaphore(%arg11 : memref<!tpu.dma_semaphore, #tpu.memory_space<semaphore_mem>>)
      } else {
      }
    }
    %scan3A_33 = arith.constant 100 : i32
    %dma_wait3A = arith.constant 0 : i32
    %dma_wait3A_34 = arith.constant 0 : i32
    %dma_wait3A_35 = arith.constant 0 : i32
    %dma_wait3A_36 = arith.constant 0 : i32
    %dma_wait3A_37 = arith.constant 0 : i32
    %dma_wait3A_38 = tpu.memref_slice %arg8[%dma_wait3A_36, %dma_wait3A_37] : memref<64x129xf32, #tpu.memory_space<vmem>> -> memref<8x128xf32, #tpu.memory_space<vmem>>
    %dma_wait3A_39 = arith.constant 0 : i32
    %dma_wait3A_40 = arith.constant 0 : i32
    %dma_wait3A_41 = tpu.memref_slice %arg4[%dma_wait3A, %dma_wait3A_34, %dma_wait3A_35, %dma_wait3A_39, %dma_wait3A_40] : memref<200x8x32x8x128xf32, #tpu.memory_space<hbm>> -> memref<1x1x1x8x128xf32, #tpu.memory_space<hbm>>
    %dma_wait3A_42 = tpu.memref_squeeze %dma_wait3A_41 : memref<1x1x1x8x128xf32, #tpu.memory_space<hbm>> -> memref<8x128xf32, #tpu.memory_space<hbm>>
    %dma_wait3A_43 = arith.constant 0 : i32
    %dma_wait3A_44 = arith.constant 0 : i32
    %dma_wait3A_45 = tpu.memref_slice %arg8[%dma_wait3A_43, %dma_wait3A_44] : memref<64x129xf32, #tpu.memory_space<vmem>> -> memref<8x128xf32, #tpu.memory_space<vmem>>
    %dma_wait3A_46 = arith.constant 0 : i32
    %dma_wait3A_47 = arith.constant 0 : i32
    %dma_wait3A_48 = tpu.memref_slice %arg4[%dma_wait3A, %dma_wait3A_34, %dma_wait3A_35, %dma_wait3A_46, %dma_wait3A_47] : memref<200x8x32x8x128xf32, #tpu.memory_space<hbm>> -> memref<1x1x1x8x128xf32, #tpu.memory_space<hbm>>
    %dma_wait3A_49 = tpu.memref_squeeze %dma_wait3A_48 : memref<1x1x1x8x128xf32, #tpu.memory_space<hbm>> -> memref<8x128xf32, #tpu.memory_space<hbm>>
    tpu.wait_dma2 semaphore(%arg12 : memref<!tpu.dma_semaphore, #tpu.memory_space<semaphore_mem>>) src(%dma_wait3A_49 : memref<8x128xf32, #tpu.memory_space<hbm>>) dst(%dma_wait3A_45 : memref<8x128xf32, #tpu.memory_space<vmem>>)
    %dma_wait3A_50 = arith.constant 0 : i32
    %dma_wait3A_51 = arith.constant 1 : i32
    %dma_wait3A_52 = arith.constant 0 : i32
    %dma_wait3A_53 = arith.constant 8 : i32
    %dma_wait3A_54 = arith.constant 0 : i32
    %dma_wait3A_55 = tpu.memref_slice %arg8[%dma_wait3A_53, %dma_wait3A_54] : memref<64x129xf32, #tpu.memory_space<vmem>> -> memref<8x128xf32, #tpu.memory_space<vmem>>
    %dma_wait3A_56 = arith.constant 0 : i32
    %dma_wait3A_57 = arith.constant 0 : i32
    %dma_wait3A_58 = tpu.memref_slice %arg4[%dma_wait3A_50, %dma_wait3A_51, %dma_wait3A_52, %dma_wait3A_56, %dma_wait3A_57] : memref<200x8x32x8x128xf32, #tpu.memory_space<hbm>> -> memref<1x1x1x8x128xf32, #tpu.memory_space<hbm>>
    %dma_wait3A_59 = tpu.memref_squeeze %dma_wait3A_58 : memref<1x1x1x8x128xf32, #tpu.memory_space<hbm>> -> memref<8x128xf32, #tpu.memory_space<hbm>>
    %dma_wait3A_60 = arith.constant 8 : i32
    %dma_wait3A_61 = arith.constant 0 : i32
    %dma_wait3A_62 = tpu.memref_slice %arg8[%dma_wait3A_60, %dma_wait3A_61] : memref<64x129xf32, #tpu.memory_space<vmem>> -> memref<8x128xf32, #tpu.memory_space<vmem>>
    %dma_wait3A_63 = arith.constant 0 : i32
    %dma_wait3A_64 = arith.constant 0 : i32
    %dma_wait3A_65 = tpu.memref_slice %arg4[%dma_wait3A_50, %dma_wait3A_51, %dma_wait3A_52, %dma_wait3A_63, %dma_wait3A_64] : memref<200x8x32x8x128xf32, #tpu.memory_space<hbm>> -> memref<1x1x1x8x128xf32, #tpu.memory_space<hbm>>
    %dma_wait3A_66 = tpu.memref_squeeze %dma_wait3A_65 : memref<1x1x1x8x128xf32, #tpu.memory_space<hbm>> -> memref<8x128xf32, #tpu.memory_space<hbm>>
    tpu.wait_dma2 semaphore(%arg12 : memref<!tpu.dma_semaphore, #tpu.memory_space<semaphore_mem>>) src(%dma_wait3A_66 : memref<8x128xf32, #tpu.memory_space<hbm>>) dst(%dma_wait3A_62 : memref<8x128xf32, #tpu.memory_space<vmem>>)
    %dma_wait3A_67 = arith.constant 0 : i32
    %dma_wait3A_68 = arith.constant 2 : i32
    %dma_wait3A_69 = arith.constant 0 : i32
    %dma_wait3A_70 = arith.constant 16 : i32
    %dma_wait3A_71 = arith.constant 0 : i32
    %dma_wait3A_72 = tpu.memref_slice %arg8[%dma_wait3A_70, %dma_wait3A_71] : memref<64x129xf32, #tpu.memory_space<vmem>> -> memref<8x128xf32, #tpu.memory_space<vmem>>
    %dma_wait3A_73 = arith.constant 0 : i32
    %dma_wait3A_74 = arith.constant 0 : i32
    %dma_wait3A_75 = tpu.memref_slice %arg4[%dma_wait3A_67, %dma_wait3A_68, %dma_wait3A_69, %dma_wait3A_73, %dma_wait3A_74] : memref<200x8x32x8x128xf32, #tpu.memory_space<hbm>> -> memref<1x1x1x8x128xf32, #tpu.memory_space<hbm>>
    %dma_wait3A_76 = tpu.memref_squeeze %dma_wait3A_75 : memref<1x1x1x8x128xf32, #tpu.memory_space<hbm>> -> memref<8x128xf32, #tpu.memory_space<hbm>>
    %dma_wait3A_77 = arith.constant 16 : i32
    %dma_wait3A_78 = arith.constant 0 : i32
    %dma_wait3A_79 = tpu.memref_slice %arg8[%dma_wait3A_77, %dma_wait3A_78] : memref<64x129xf32, #tpu.memory_space<vmem>> -> memref<8x128xf32, #tpu.memory_space<vmem>>
    %dma_wait3A_80 = arith.constant 0 : i32
    %dma_wait3A_81 = arith.constant 0 : i32
    %dma_wait3A_82 = tpu.memref_slice %arg4[%dma_wait3A_67, %dma_wait3A_68, %dma_wait3A_69, %dma_wait3A_80, %dma_wait3A_81] : memref<200x8x32x8x128xf32, #tpu.memory_space<hbm>> -> memref<1x1x1x8x128xf32, #tpu.memory_space<hbm>>
    %dma_wait3A_83 = tpu.memref_squeeze %dma_wait3A_82 : memref<1x1x1x8x128xf32, #tpu.memory_space<hbm>> -> memref<8x128xf32, #tpu.memory_space<hbm>>
    tpu.wait_dma2 semaphore(%arg12 : memref<!tpu.dma_semaphore, #tpu.memory_space<semaphore_mem>>) src(%dma_wait3A_83 : memref<8x128xf32, #tpu.memory_space<hbm>>) dst(%dma_wait3A_79 : memref<8x128xf32, #tpu.memory_space<vmem>>)
    %dma_wait3A_84 = arith.constant 0 : i32
    %dma_wait3A_85 = arith.constant 3 : i32
    %dma_wait3A_86 = arith.constant 0 : i32
    %dma_wait3A_87 = arith.constant 24 : i32
    %dma_wait3A_88 = arith.constant 0 : i32
    %dma_wait3A_89 = tpu.memref_slice %arg8[%dma_wait3A_87, %dma_wait3A_88] : memref<64x129xf32, #tpu.memory_space<vmem>> -> memref<8x128xf32, #tpu.memory_space<vmem>>
    %dma_wait3A_90 = arith.constant 0 : i32
    %dma_wait3A_91 = arith.constant 0 : i32
    %dma_wait3A_92 = tpu.memref_slice %arg4[%dma_wait3A_84, %dma_wait3A_85, %dma_wait3A_86, %dma_wait3A_90, %dma_wait3A_91] : memref<200x8x32x8x128xf32, #tpu.memory_space<hbm>> -> memref<1x1x1x8x128xf32, #tpu.memory_space<hbm>>
    %dma_wait3A_93 = tpu.memref_squeeze %dma_wait3A_92 : memref<1x1x1x8x128xf32, #tpu.memory_space<hbm>> -> memref<8x128xf32, #tpu.memory_space<hbm>>
    %dma_wait3A_94 = arith.constant 24 : i32
    %dma_wait3A_95 = arith.constant 0 : i32
    %dma_wait3A_96 = tpu.memref_slice %arg8[%dma_wait3A_94, %dma_wait3A_95] : memref<64x129xf32, #tpu.memory_space<vmem>> -> memref<8x128xf32, #tpu.memory_space<vmem>>
    %dma_wait3A_97 = arith.constant 0 : i32
    %dma_wait3A_98 = arith.constant 0 : i32
    %dma_wait3A_99 = tpu.memref_slice %arg4[%dma_wait3A_84, %dma_wait3A_85, %dma_wait3A_86, %dma_wait3A_97, %dma_wait3A_98] : memref<200x8x32x8x128xf32, #tpu.memory_space<hbm>> -> memref<1x1x1x8x128xf32, #tpu.memory_space<hbm>>
    %dma_wait3A_100 = tpu.memref_squeeze %dma_wait3A_99 : memref<1x1x1x8x128xf32, #tpu.memory_space<hbm>> -> memref<8x128xf32, #tpu.memory_space<hbm>>
    tpu.wait_dma2 semaphore(%arg12 : memref<!tpu.dma_semaphore, #tpu.memory_space<semaphore_mem>>) src(%dma_wait3A_100 : memref<8x128xf32, #tpu.memory_space<hbm>>) dst(%dma_wait3A_96 : memref<8x128xf32, #tpu.memory_space<vmem>>)
    %dma_wait3A_101 = arith.constant 0 : i32
    %dma_wait3A_102 = arith.constant 4 : i32
    %dma_wait3A_103 = arith.constant 0 : i32
    %dma_wait3A_104 = arith.constant 32 : i32
    %dma_wait3A_105 = arith.constant 0 : i32
    %dma_wait3A_106 = tpu.memref_slice %arg8[%dma_wait3A_104, %dma_wait3A_105] : memref<64x129xf32, #tpu.memory_space<vmem>> -> memref<8x128xf32, #tpu.memory_space<vmem>>
    %dma_wait3A_107 = arith.constant 0 : i32
    %dma_wait3A_108 = arith.constant 0 : i32
    %dma_wait3A_109 = tpu.memref_slice %arg4[%dma_wait3A_101, %dma_wait3A_102, %dma_wait3A_103, %dma_wait3A_107, %dma_wait3A_108] : memref<200x8x32x8x128xf32, #tpu.memory_space<hbm>> -> memref<1x1x1x8x128xf32, #tpu.memory_space<hbm>>
    %dma_wait3A_110 = tpu.memref_squeeze %dma_wait3A_109 : memref<1x1x1x8x128xf32, #tpu.memory_space<hbm>> -> memref<8x128xf32, #tpu.memory_space<hbm>>
    %dma_wait3A_111 = arith.constant 32 : i32
    %dma_wait3A_112 = arith.constant 0 : i32
    %dma_wait3A_113 = tpu.memref_slice %arg8[%dma_wait3A_111, %dma_wait3A_112] : memref<64x129xf32, #tpu.memory_space<vmem>> -> memref<8x128xf32, #tpu.memory_space<vmem>>
    %dma_wait3A_114 = arith.constant 0 : i32
    %dma_wait3A_115 = arith.constant 0 : i32
    %dma_wait3A_116 = tpu.memref_slice %arg4[%dma_wait3A_101, %dma_wait3A_102, %dma_wait3A_103, %dma_wait3A_114, %dma_wait3A_115] : memref<200x8x32x8x128xf32, #tpu.memory_space<hbm>> -> memref<1x1x1x8x128xf32, #tpu.memory_space<hbm>>
    %dma_wait3A_117 = tpu.memref_squeeze %dma_wait3A_116 : memref<1x1x1x8x128xf32, #tpu.memory_space<hbm>> -> memref<8x128xf32, #tpu.memory_space<hbm>>
    tpu.wait_dma2 semaphore(%arg12 : memref<!tpu.dma_semaphore, #tpu.memory_space<semaphore_mem>>) src(%dma_wait3A_117 : memref<8x128xf32, #tpu.memory_space<hbm>>) dst(%dma_wait3A_113 : memref<8x128xf32, #tpu.memory_space<vmem>>)
    %dma_wait3A_118 = arith.constant 0 : i32
    %dma_wait3A_119 = arith.constant 5 : i32
    %dma_wait3A_120 = arith.constant 0 : i32
    %dma_wait3A_121 = arith.constant 40 : i32
    %dma_wait3A_122 = arith.constant 0 : i32
    %dma_wait3A_123 = tpu.memref_slice %arg8[%dma_wait3A_121, %dma_wait3A_122] : memref<64x129xf32, #tpu.memory_space<vmem>> -> memref<8x128xf32, #tpu.memory_space<vmem>>
    %dma_wait3A_124 = arith.constant 0 : i32
    %dma_wait3A_125 = arith.constant 0 : i32
    %dma_wait3A_126 = tpu.memref_slice %arg4[%dma_wait3A_118, %dma_wait3A_119, %dma_wait3A_120, %dma_wait3A_124, %dma_wait3A_125] : memref<200x8x32x8x128xf32, #tpu.memory_space<hbm>> -> memref<1x1x1x8x128xf32, #tpu.memory_space<hbm>>
    %dma_wait3A_127 = tpu.memref_squeeze %dma_wait3A_126 : memref<1x1x1x8x128xf32, #tpu.memory_space<hbm>> -> memref<8x128xf32, #tpu.memory_space<hbm>>
    %dma_wait3A_128 = arith.constant 40 : i32
    %dma_wait3A_129 = arith.constant 0 : i32
    %dma_wait3A_130 = tpu.memref_slice %arg8[%dma_wait3A_128, %dma_wait3A_129] : memref<64x129xf32, #tpu.memory_space<vmem>> -> memref<8x128xf32, #tpu.memory_space<vmem>>
    %dma_wait3A_131 = arith.constant 0 : i32
    %dma_wait3A_132 = arith.constant 0 : i32
    %dma_wait3A_133 = tpu.memref_slice %arg4[%dma_wait3A_118, %dma_wait3A_119, %dma_wait3A_120, %dma_wait3A_131, %dma_wait3A_132] : memref<200x8x32x8x128xf32, #tpu.memory_space<hbm>> -> memref<1x1x1x8x128xf32, #tpu.memory_space<hbm>>
    %dma_wait3A_134 = tpu.memref_squeeze %dma_wait3A_133 : memref<1x1x1x8x128xf32, #tpu.memory_space<hbm>> -> memref<8x128xf32, #tpu.memory_space<hbm>>
    tpu.wait_dma2 semaphore(%arg12 : memref<!tpu.dma_semaphore, #tpu.memory_space<semaphore_mem>>) src(%dma_wait3A_134 : memref<8x128xf32, #tpu.memory_space<hbm>>) dst(%dma_wait3A_130 : memref<8x128xf32, #tpu.memory_space<vmem>>)
    %dma_wait3A_135 = arith.constant 0 : i32
    %dma_wait3A_136 = arith.constant 6 : i32
    %dma_wait3A_137 = arith.constant 0 : i32
    %dma_wait3A_138 = arith.constant 48 : i32
    %dma_wait3A_139 = arith.constant 0 : i32
    %dma_wait3A_140 = tpu.memref_slice %arg8[%dma_wait3A_138, %dma_wait3A_139] : memref<64x129xf32, #tpu.memory_space<vmem>> -> memref<8x128xf32, #tpu.memory_space<vmem>>
    %dma_wait3A_141 = arith.constant 0 : i32
    %dma_wait3A_142 = arith.constant 0 : i32
    %dma_wait3A_143 = tpu.memref_slice %arg4[%dma_wait3A_135, %dma_wait3A_136, %dma_wait3A_137, %dma_wait3A_141, %dma_wait3A_142] : memref<200x8x32x8x128xf32, #tpu.memory_space<hbm>> -> memref<1x1x1x8x128xf32, #tpu.memory_space<hbm>>
    %dma_wait3A_144 = tpu.memref_squeeze %dma_wait3A_143 : memref<1x1x1x8x128xf32, #tpu.memory_space<hbm>> -> memref<8x128xf32, #tpu.memory_space<hbm>>
    %dma_wait3A_145 = arith.constant 48 : i32
    %dma_wait3A_146 = arith.constant 0 : i32
    %dma_wait3A_147 = tpu.memref_slice %arg8[%dma_wait3A_145, %dma_wait3A_146] : memref<64x129xf32, #tpu.memory_space<vmem>> -> memref<8x128xf32, #tpu.memory_space<vmem>>
    %dma_wait3A_148 = arith.constant 0 : i32
    %dma_wait3A_149 = arith.constant 0 : i32
    %dma_wait3A_150 = tpu.memref_slice %arg4[%dma_wait3A_135, %dma_wait3A_136, %dma_wait3A_137, %dma_wait3A_148, %dma_wait3A_149] : memref<200x8x32x8x128xf32, #tpu.memory_space<hbm>> -> memref<1x1x1x8x128xf32, #tpu.memory_space<hbm>>
    %dma_wait3A_151 = tpu.memref_squeeze %dma_wait3A_150 : memref<1x1x1x8x128xf32, #tpu.memory_space<hbm>> -> memref<8x128xf32, #tpu.memory_space<hbm>>
    tpu.wait_dma2 semaphore(%arg12 : memref<!tpu.dma_semaphore, #tpu.memory_space<semaphore_mem>>) src(%dma_wait3A_151 : memref<8x128xf32, #tpu.memory_space<hbm>>) dst(%dma_wait3A_147 : memref<8x128xf32, #tpu.memory_space<vmem>>)
    %dma_wait3A_152 = arith.constant 0 : i32
    %dma_wait3A_153 = arith.constant 7 : i32
    %dma_wait3A_154 = arith.constant 0 : i32
    %dma_wait3A_155 = arith.constant 56 : i32
    %dma_wait3A_156 = arith.constant 0 : i32
    %dma_wait3A_157 = tpu.memref_slice %arg8[%dma_wait3A_155, %dma_wait3A_156] : memref<64x129xf32, #tpu.memory_space<vmem>> -> memref<8x128xf32, #tpu.memory_space<vmem>>
    %dma_wait3A_158 = arith.constant 0 : i32
    %dma_wait3A_159 = arith.constant 0 : i32
    %dma_wait3A_160 = tpu.memref_slice %arg4[%dma_wait3A_152, %dma_wait3A_153, %dma_wait3A_154, %dma_wait3A_158, %dma_wait3A_159] : memref<200x8x32x8x128xf32, #tpu.memory_space<hbm>> -> memref<1x1x1x8x128xf32, #tpu.memory_space<hbm>>
    %dma_wait3A_161 = tpu.memref_squeeze %dma_wait3A_160 : memref<1x1x1x8x128xf32, #tpu.memory_space<hbm>> -> memref<8x128xf32, #tpu.memory_space<hbm>>
    %dma_wait3A_162 = arith.constant 56 : i32
    %dma_wait3A_163 = arith.constant 0 : i32
    %dma_wait3A_164 = tpu.memref_slice %arg8[%dma_wait3A_162, %dma_wait3A_163] : memref<64x129xf32, #tpu.memory_space<vmem>> -> memref<8x128xf32, #tpu.memory_space<vmem>>
    %dma_wait3A_165 = arith.constant 0 : i32
    %dma_wait3A_166 = arith.constant 0 : i32
    %dma_wait3A_167 = tpu.memref_slice %arg4[%dma_wait3A_152, %dma_wait3A_153, %dma_wait3A_154, %dma_wait3A_165, %dma_wait3A_166] : memref<200x8x32x8x128xf32, #tpu.memory_space<hbm>> -> memref<1x1x1x8x128xf32, #tpu.memory_space<hbm>>
    %dma_wait3A_168 = tpu.memref_squeeze %dma_wait3A_167 : memref<1x1x1x8x128xf32, #tpu.memory_space<hbm>> -> memref<8x128xf32, #tpu.memory_space<hbm>>
    tpu.wait_dma2 semaphore(%arg12 : memref<!tpu.dma_semaphore, #tpu.memory_space<semaphore_mem>>) src(%dma_wait3A_168 : memref<8x128xf32, #tpu.memory_space<hbm>>) dst(%dma_wait3A_164 : memref<8x128xf32, #tpu.memory_space<vmem>>)
    %dma_wait3A_169 = arith.constant 0 : i32
    %dma_wait3A_170 = arith.constant 0 : i32
    %dma_wait3A_171 = arith.constant 0 : i32
    %dma_wait3A_172 = arith.constant 0 : i32
    %dma_wait3A_173 = arith.constant 0 : i32
    %dma_wait3A_174 = tpu.memref_slice %arg9[%dma_wait3A_172, %dma_wait3A_173] : memref<64x129xf32, #tpu.memory_space<vmem>> -> memref<8x128xf32, #tpu.memory_space<vmem>>
    %dma_wait3A_175 = arith.constant 0 : i32
    %dma_wait3A_176 = arith.constant 0 : i32
    %dma_wait3A_177 = tpu.memref_slice %arg4[%dma_wait3A_169, %dma_wait3A_170, %dma_wait3A_171, %dma_wait3A_175, %dma_wait3A_176] : memref<200x8x32x8x128xf32, #tpu.memory_space<hbm>> -> memref<1x1x1x8x128xf32, #tpu.memory_space<hbm>>
    %dma_wait3A_178 = tpu.memref_squeeze %dma_wait3A_177 : memref<1x1x1x8x128xf32, #tpu.memory_space<hbm>> -> memref<8x128xf32, #tpu.memory_space<hbm>>
    %dma_wait3A_179 = arith.constant 0 : i32
    %dma_wait3A_180 = arith.constant 0 : i32
    %dma_wait3A_181 = tpu.memref_slice %arg9[%dma_wait3A_179, %dma_wait3A_180] : memref<64x129xf32, #tpu.memory_space<vmem>> -> memref<8x128xf32, #tpu.memory_space<vmem>>
    %dma_wait3A_182 = arith.constant 0 : i32
    %dma_wait3A_183 = arith.constant 0 : i32
    %dma_wait3A_184 = tpu.memref_slice %arg4[%dma_wait3A_169, %dma_wait3A_170, %dma_wait3A_171, %dma_wait3A_182, %dma_wait3A_183] : memref<200x8x32x8x128xf32, #tpu.memory_space<hbm>> -> memref<1x1x1x8x128xf32, #tpu.memory_space<hbm>>
    %dma_wait3A_185 = tpu.memref_squeeze %dma_wait3A_184 : memref<1x1x1x8x128xf32, #tpu.memory_space<hbm>> -> memref<8x128xf32, #tpu.memory_space<hbm>>
    tpu.wait_dma2 semaphore(%arg13 : memref<!tpu.dma_semaphore, #tpu.memory_space<semaphore_mem>>) src(%dma_wait3A_185 : memref<8x128xf32, #tpu.memory_space<hbm>>) dst(%dma_wait3A_181 : memref<8x128xf32, #tpu.memory_space<vmem>>)
    %dma_wait3A_186 = arith.constant 0 : i32
    %dma_wait3A_187 = arith.constant 1 : i32
    %dma_wait3A_188 = arith.constant 0 : i32
    %dma_wait3A_189 = arith.constant 8 : i32
    %dma_wait3A_190 = arith.constant 0 : i32
    %dma_wait3A_191 = tpu.memref_slice %arg9[%dma_wait3A_189, %dma_wait3A_190] : memref<64x129xf32, #tpu.memory_space<vmem>> -> memref<8x128xf32, #tpu.memory_space<vmem>>
    %dma_wait3A_192 = arith.constant 0 : i32
    %dma_wait3A_193 = arith.constant 0 : i32
    %dma_wait3A_194 = tpu.memref_slice %arg4[%dma_wait3A_186, %dma_wait3A_187, %dma_wait3A_188, %dma_wait3A_192, %dma_wait3A_193] : memref<200x8x32x8x128xf32, #tpu.memory_space<hbm>> -> memref<1x1x1x8x128xf32, #tpu.memory_space<hbm>>
    %dma_wait3A_195 = tpu.memref_squeeze %dma_wait3A_194 : memref<1x1x1x8x128xf32, #tpu.memory_space<hbm>> -> memref<8x128xf32, #tpu.memory_space<hbm>>
    %dma_wait3A_196 = arith.constant 8 : i32
    %dma_wait3A_197 = arith.constant 0 : i32
    %dma_wait3A_198 = tpu.memref_slice %arg9[%dma_wait3A_196, %dma_wait3A_197] : memref<64x129xf32, #tpu.memory_space<vmem>> -> memref<8x128xf32, #tpu.memory_space<vmem>>
    %dma_wait3A_199 = arith.constant 0 : i32
    %dma_wait3A_200 = arith.constant 0 : i32
    %dma_wait3A_201 = tpu.memref_slice %arg4[%dma_wait3A_186, %dma_wait3A_187, %dma_wait3A_188, %dma_wait3A_199, %dma_wait3A_200] : memref<200x8x32x8x128xf32, #tpu.memory_space<hbm>> -> memref<1x1x1x8x128xf32, #tpu.memory_space<hbm>>
    %dma_wait3A_202 = tpu.memref_squeeze %dma_wait3A_201 : memref<1x1x1x8x128xf32, #tpu.memory_space<hbm>> -> memref<8x128xf32, #tpu.memory_space<hbm>>
    tpu.wait_dma2 semaphore(%arg13 : memref<!tpu.dma_semaphore, #tpu.memory_space<semaphore_mem>>) src(%dma_wait3A_202 : memref<8x128xf32, #tpu.memory_space<hbm>>) dst(%dma_wait3A_198 : memref<8x128xf32, #tpu.memory_space<vmem>>)
    %dma_wait3A_203 = arith.constant 0 : i32
    %dma_wait3A_204 = arith.constant 2 : i32
    %dma_wait3A_205 = arith.constant 0 : i32
    %dma_wait3A_206 = arith.constant 16 : i32
    %dma_wait3A_207 = arith.constant 0 : i32
    %dma_wait3A_208 = tpu.memref_slice %arg9[%dma_wait3A_206, %dma_wait3A_207] : memref<64x129xf32, #tpu.memory_space<vmem>> -> memref<8x128xf32, #tpu.memory_space<vmem>>
    %dma_wait3A_209 = arith.constant 0 : i32
    %dma_wait3A_210 = arith.constant 0 : i32
    %dma_wait3A_211 = tpu.memref_slice %arg4[%dma_wait3A_203, %dma_wait3A_204, %dma_wait3A_205, %dma_wait3A_209, %dma_wait3A_210] : memref<200x8x32x8x128xf32, #tpu.memory_space<hbm>> -> memref<1x1x1x8x128xf32, #tpu.memory_space<hbm>>
    %dma_wait3A_212 = tpu.memref_squeeze %dma_wait3A_211 : memref<1x1x1x8x128xf32, #tpu.memory_space<hbm>> -> memref<8x128xf32, #tpu.memory_space<hbm>>
    %dma_wait3A_213 = arith.constant 16 : i32
    %dma_wait3A_214 = arith.constant 0 : i32
    %dma_wait3A_215 = tpu.memref_slice %arg9[%dma_wait3A_213, %dma_wait3A_214] : memref<64x129xf32, #tpu.memory_space<vmem>> -> memref<8x128xf32, #tpu.memory_space<vmem>>
    %dma_wait3A_216 = arith.constant 0 : i32
    %dma_wait3A_217 = arith.constant 0 : i32
    %dma_wait3A_218 = tpu.memref_slice %arg4[%dma_wait3A_203, %dma_wait3A_204, %dma_wait3A_205, %dma_wait3A_216, %dma_wait3A_217] : memref<200x8x32x8x128xf32, #tpu.memory_space<hbm>> -> memref<1x1x1x8x128xf32, #tpu.memory_space<hbm>>
    %dma_wait3A_219 = tpu.memref_squeeze %dma_wait3A_218 : memref<1x1x1x8x128xf32, #tpu.memory_space<hbm>> -> memref<8x128xf32, #tpu.memory_space<hbm>>
    tpu.wait_dma2 semaphore(%arg13 : memref<!tpu.dma_semaphore, #tpu.memory_space<semaphore_mem>>) src(%dma_wait3A_219 : memref<8x128xf32, #tpu.memory_space<hbm>>) dst(%dma_wait3A_215 : memref<8x128xf32, #tpu.memory_space<vmem>>)
    %dma_wait3A_220 = arith.constant 0 : i32
    %dma_wait3A_221 = arith.constant 3 : i32
    %dma_wait3A_222 = arith.constant 0 : i32
    %dma_wait3A_223 = arith.constant 24 : i32
    %dma_wait3A_224 = arith.constant 0 : i32
    %dma_wait3A_225 = tpu.memref_slice %arg9[%dma_wait3A_223, %dma_wait3A_224] : memref<64x129xf32, #tpu.memory_space<vmem>> -> memref<8x128xf32, #tpu.memory_space<vmem>>
    %dma_wait3A_226 = arith.constant 0 : i32
    %dma_wait3A_227 = arith.constant 0 : i32
    %dma_wait3A_228 = tpu.memref_slice %arg4[%dma_wait3A_220, %dma_wait3A_221, %dma_wait3A_222, %dma_wait3A_226, %dma_wait3A_227] : memref<200x8x32x8x128xf32, #tpu.memory_space<hbm>> -> memref<1x1x1x8x128xf32, #tpu.memory_space<hbm>>
    %dma_wait3A_229 = tpu.memref_squeeze %dma_wait3A_228 : memref<1x1x1x8x128xf32, #tpu.memory_space<hbm>> -> memref<8x128xf32, #tpu.memory_space<hbm>>
    %dma_wait3A_230 = arith.constant 24 : i32
    %dma_wait3A_231 = arith.constant 0 : i32
    %dma_wait3A_232 = tpu.memref_slice %arg9[%dma_wait3A_230, %dma_wait3A_231] : memref<64x129xf32, #tpu.memory_space<vmem>> -> memref<8x128xf32, #tpu.memory_space<vmem>>
    %dma_wait3A_233 = arith.constant 0 : i32
    %dma_wait3A_234 = arith.constant 0 : i32
    %dma_wait3A_235 = tpu.memref_slice %arg4[%dma_wait3A_220, %dma_wait3A_221, %dma_wait3A_222, %dma_wait3A_233, %dma_wait3A_234] : memref<200x8x32x8x128xf32, #tpu.memory_space<hbm>> -> memref<1x1x1x8x128xf32, #tpu.memory_space<hbm>>
    %dma_wait3A_236 = tpu.memref_squeeze %dma_wait3A_235 : memref<1x1x1x8x128xf32, #tpu.memory_space<hbm>> -> memref<8x128xf32, #tpu.memory_space<hbm>>
    tpu.wait_dma2 semaphore(%arg13 : memref<!tpu.dma_semaphore, #tpu.memory_space<semaphore_mem>>) src(%dma_wait3A_236 : memref<8x128xf32, #tpu.memory_space<hbm>>) dst(%dma_wait3A_232 : memref<8x128xf32, #tpu.memory_space<vmem>>)
    %dma_wait3A_237 = arith.constant 0 : i32
    %dma_wait3A_238 = arith.constant 4 : i32
    %dma_wait3A_239 = arith.constant 0 : i32
    %dma_wait3A_240 = arith.constant 32 : i32
    %dma_wait3A_241 = arith.constant 0 : i32
    %dma_wait3A_242 = tpu.memref_slice %arg9[%dma_wait3A_240, %dma_wait3A_241] : memref<64x129xf32, #tpu.memory_space<vmem>> -> memref<8x128xf32, #tpu.memory_space<vmem>>
    %dma_wait3A_243 = arith.constant 0 : i32
    %dma_wait3A_244 = arith.constant 0 : i32
    %dma_wait3A_245 = tpu.memref_slice %arg4[%dma_wait3A_237, %dma_wait3A_238, %dma_wait3A_239, %dma_wait3A_243, %dma_wait3A_244] : memref<200x8x32x8x128xf32, #tpu.memory_space<hbm>> -> memref<1x1x1x8x128xf32, #tpu.memory_space<hbm>>
    %dma_wait3A_246 = tpu.memref_squeeze %dma_wait3A_245 : memref<1x1x1x8x128xf32, #tpu.memory_space<hbm>> -> memref<8x128xf32, #tpu.memory_space<hbm>>
    %dma_wait3A_247 = arith.constant 32 : i32
    %dma_wait3A_248 = arith.constant 0 : i32
    %dma_wait3A_249 = tpu.memref_slice %arg9[%dma_wait3A_247, %dma_wait3A_248] : memref<64x129xf32, #tpu.memory_space<vmem>> -> memref<8x128xf32, #tpu.memory_space<vmem>>
    %dma_wait3A_250 = arith.constant 0 : i32
    %dma_wait3A_251 = arith.constant 0 : i32
    %dma_wait3A_252 = tpu.memref_slice %arg4[%dma_wait3A_237, %dma_wait3A_238, %dma_wait3A_239, %dma_wait3A_250, %dma_wait3A_251] : memref<200x8x32x8x128xf32, #tpu.memory_space<hbm>> -> memref<1x1x1x8x128xf32, #tpu.memory_space<hbm>>
    %dma_wait3A_253 = tpu.memref_squeeze %dma_wait3A_252 : memref<1x1x1x8x128xf32, #tpu.memory_space<hbm>> -> memref<8x128xf32, #tpu.memory_space<hbm>>
    tpu.wait_dma2 semaphore(%arg13 : memref<!tpu.dma_semaphore, #tpu.memory_space<semaphore_mem>>) src(%dma_wait3A_253 : memref<8x128xf32, #tpu.memory_space<hbm>>) dst(%dma_wait3A_249 : memref<8x128xf32, #tpu.memory_space<vmem>>)
    %dma_wait3A_254 = arith.constant 0 : i32
    %dma_wait3A_255 = arith.constant 5 : i32
    %dma_wait3A_256 = arith.constant 0 : i32
    %dma_wait3A_257 = arith.constant 40 : i32
    %dma_wait3A_258 = arith.constant 0 : i32
    %dma_wait3A_259 = tpu.memref_slice %arg9[%dma_wait3A_257, %dma_wait3A_258] : memref<64x129xf32, #tpu.memory_space<vmem>> -> memref<8x128xf32, #tpu.memory_space<vmem>>
    %dma_wait3A_260 = arith.constant 0 : i32
    %dma_wait3A_261 = arith.constant 0 : i32
    %dma_wait3A_262 = tpu.memref_slice %arg4[%dma_wait3A_254, %dma_wait3A_255, %dma_wait3A_256, %dma_wait3A_260, %dma_wait3A_261] : memref<200x8x32x8x128xf32, #tpu.memory_space<hbm>> -> memref<1x1x1x8x128xf32, #tpu.memory_space<hbm>>
    %dma_wait3A_263 = tpu.memref_squeeze %dma_wait3A_262 : memref<1x1x1x8x128xf32, #tpu.memory_space<hbm>> -> memref<8x128xf32, #tpu.memory_space<hbm>>
    %dma_wait3A_264 = arith.constant 40 : i32
    %dma_wait3A_265 = arith.constant 0 : i32
    %dma_wait3A_266 = tpu.memref_slice %arg9[%dma_wait3A_264, %dma_wait3A_265] : memref<64x129xf32, #tpu.memory_space<vmem>> -> memref<8x128xf32, #tpu.memory_space<vmem>>
    %dma_wait3A_267 = arith.constant 0 : i32
    %dma_wait3A_268 = arith.constant 0 : i32
    %dma_wait3A_269 = tpu.memref_slice %arg4[%dma_wait3A_254, %dma_wait3A_255, %dma_wait3A_256, %dma_wait3A_267, %dma_wait3A_268] : memref<200x8x32x8x128xf32, #tpu.memory_space<hbm>> -> memref<1x1x1x8x128xf32, #tpu.memory_space<hbm>>
    %dma_wait3A_270 = tpu.memref_squeeze %dma_wait3A_269 : memref<1x1x1x8x128xf32, #tpu.memory_space<hbm>> -> memref<8x128xf32, #tpu.memory_space<hbm>>
    tpu.wait_dma2 semaphore(%arg13 : memref<!tpu.dma_semaphore, #tpu.memory_space<semaphore_mem>>) src(%dma_wait3A_270 : memref<8x128xf32, #tpu.memory_space<hbm>>) dst(%dma_wait3A_266 : memref<8x128xf32, #tpu.memory_space<vmem>>)
    %dma_wait3A_271 = arith.constant 0 : i32
    %dma_wait3A_272 = arith.constant 6 : i32
    %dma_wait3A_273 = arith.constant 0 : i32
    %dma_wait3A_274 = arith.constant 48 : i32
    %dma_wait3A_275 = arith.constant 0 : i32
    %dma_wait3A_276 = tpu.memref_slice %arg9[%dma_wait3A_274, %dma_wait3A_275] : memref<64x129xf32, #tpu.memory_space<vmem>> -> memref<8x128xf32, #tpu.memory_space<vmem>>
    %dma_wait3A_277 = arith.constant 0 : i32
    %dma_wait3A_278 = arith.constant 0 : i32
    %dma_wait3A_279 = tpu.memref_slice %arg4[%dma_wait3A_271, %dma_wait3A_272, %dma_wait3A_273, %dma_wait3A_277, %dma_wait3A_278] : memref<200x8x32x8x128xf32, #tpu.memory_space<hbm>> -> memref<1x1x1x8x128xf32, #tpu.memory_space<hbm>>
    %dma_wait3A_280 = tpu.memref_squeeze %dma_wait3A_279 : memref<1x1x1x8x128xf32, #tpu.memory_space<hbm>> -> memref<8x128xf32, #tpu.memory_space<hbm>>
    %dma_wait3A_281 = arith.constant 48 : i32
    %dma_wait3A_282 = arith.constant 0 : i32
    %dma_wait3A_283 = tpu.memref_slice %arg9[%dma_wait3A_281, %dma_wait3A_282] : memref<64x129xf32, #tpu.memory_space<vmem>> -> memref<8x128xf32, #tpu.memory_space<vmem>>
    %dma_wait3A_284 = arith.constant 0 : i32
    %dma_wait3A_285 = arith.constant 0 : i32
    %dma_wait3A_286 = tpu.memref_slice %arg4[%dma_wait3A_271, %dma_wait3A_272, %dma_wait3A_273, %dma_wait3A_284, %dma_wait3A_285] : memref<200x8x32x8x128xf32, #tpu.memory_space<hbm>> -> memref<1x1x1x8x128xf32, #tpu.memory_space<hbm>>
    %dma_wait3A_287 = tpu.memref_squeeze %dma_wait3A_286 : memref<1x1x1x8x128xf32, #tpu.memory_space<hbm>> -> memref<8x128xf32, #tpu.memory_space<hbm>>
    tpu.wait_dma2 semaphore(%arg13 : memref<!tpu.dma_semaphore, #tpu.memory_space<semaphore_mem>>) src(%dma_wait3A_287 : memref<8x128xf32, #tpu.memory_space<hbm>>) dst(%dma_wait3A_283 : memref<8x128xf32, #tpu.memory_space<vmem>>)
    %dma_wait3A_288 = arith.constant 0 : i32
    %dma_wait3A_289 = arith.constant 7 : i32
    %dma_wait3A_290 = arith.constant 0 : i32
    %dma_wait3A_291 = arith.constant 56 : i32
    %dma_wait3A_292 = arith.constant 0 : i32
    %dma_wait3A_293 = tpu.memref_slice %arg9[%dma_wait3A_291, %dma_wait3A_292] : memref<64x129xf32, #tpu.memory_space<vmem>> -> memref<8x128xf32, #tpu.memory_space<vmem>>
    %dma_wait3A_294 = arith.constant 0 : i32
    %dma_wait3A_295 = arith.constant 0 : i32
    %dma_wait3A_296 = tpu.memref_slice %arg4[%dma_wait3A_288, %dma_wait3A_289, %dma_wait3A_290, %dma_wait3A_294, %dma_wait3A_295] : memref<200x8x32x8x128xf32, #tpu.memory_space<hbm>> -> memref<1x1x1x8x128xf32, #tpu.memory_space<hbm>>
    %dma_wait3A_297 = tpu.memref_squeeze %dma_wait3A_296 : memref<1x1x1x8x128xf32, #tpu.memory_space<hbm>> -> memref<8x128xf32, #tpu.memory_space<hbm>>
    %dma_wait3A_298 = arith.constant 56 : i32
    %dma_wait3A_299 = arith.constant 0 : i32
    %dma_wait3A_300 = tpu.memref_slice %arg9[%dma_wait3A_298, %dma_wait3A_299] : memref<64x129xf32, #tpu.memory_space<vmem>> -> memref<8x128xf32, #tpu.memory_space<vmem>>
    %dma_wait3A_301 = arith.constant 0 : i32
    %dma_wait3A_302 = arith.constant 0 : i32
    %dma_wait3A_303 = tpu.memref_slice %arg4[%dma_wait3A_288, %dma_wait3A_289, %dma_wait3A_290, %dma_wait3A_301, %dma_wait3A_302] : memref<200x8x32x8x128xf32, #tpu.memory_space<hbm>> -> memref<1x1x1x8x128xf32, #tpu.memory_space<hbm>>
    %dma_wait3A_304 = tpu.memref_squeeze %dma_wait3A_303 : memref<1x1x1x8x128xf32, #tpu.memory_space<hbm>> -> memref<8x128xf32, #tpu.memory_space<hbm>>
    tpu.wait_dma2 semaphore(%arg13 : memref<!tpu.dma_semaphore, #tpu.memory_space<semaphore_mem>>) src(%dma_wait3A_304 : memref<8x128xf32, #tpu.memory_space<hbm>>) dst(%dma_wait3A_300 : memref<8x128xf32, #tpu.memory_space<vmem>>)
    return
  }
}

</mosaic_0001>

<sc_bundles>
// kernel: kernel.3.cloned.1.call-start
scs
__scs_entry_jumppad:
0x0: {  	(pc) =	sbr.rel $0x88, $3  }
0x1: {  	(tag) =	ssettag $0x0;
	lr =	simm.s32 $0x1  }
0x2: {  	[smem:$0x3F9F] =	sst lr;
	_ =	strace $0xD0000000  }
0x3: {  	_ = 	snop  }
0x4: {  	_ = 	snop  }
0x5: {  	_ = 	snop  }
0x6: {  	_ = 	snop  }
0x7: {  	_ = 	snop  }
__scs_overlays_trampoline_lowered:
0x8: {  	[smem:$0x3FAE] =	sst s0  }
0x9: {  	[smem:$0x3FAF] =	sst s1  }
0xa: {  	[smem:$0x3FB0] =	sst s2  }
0xb: {  	[smem:$0x3FB1] =	sst s3  }
0xc: {  	[smem:$0x3FB2] =	sst s4  }
0xd: {  	[smem:$0x3FB3] =	sst s5  }
0xe: {  	[smem:$0x3FB4] =	sst s6  }
0xf: {  	[smem:$0x3FB5] =	sst s7  }
0x10: {  	[smem:$0x3FB6] =	sst s8  }
0x11: {  	[smem:$0x3FB7] =	sst s9;
	s0 =	simm.s32 @!p0 $0x0  }
0x12: {  	s1 =	sld [smem:$0x3F9D];
	s0 =	simm.s32 @p0 $0x1  }
0x13: {  	[smem:$0x3FB8] =	sst s0;
	s0 =	simm.s32 @!p1 $0x0  }
0x14: {  	s2 =	sld [smem:$0x3F9C];
	s0 =	simm.s32 @p1 $0x1  }
0x15: {  	[smem:$0x3FB9] =	sst s0;
	s0 =	simm.s32 @!p2 $0x0  }
0x16: {  	s3 =	sld [smem:$0x3FDB];
	s0 =	simm.s32 @p2 $0x1  }
0x17: {  	s4 =	simm.s32 $0x1BF5;
	[smem:$0x3FBB] =	sst s0  }
0x18: {  	s0 =	sld [smem:$0x3F9E];
	_ =	swait.ge [sflag:s4], $0x0  }
0x19: {  	s7 =	sld [smem:$0x3F9F]  }
0x1a: {  	s8 =	sadd.s32 $0xFFFFE003, lr  }
0x1b: {  	s9 =	sadd.s32 $0xFFFFFEF7, lr;
	s5 =	simm.s32 $0xFFFFFFFF;
	p2 =	slt.u32 s8, $0xFFFFF086  }
0x1c: {  	p1 =	slt.u32 s9, $0xF7A;
	s5 =	simm.s32 @!p2 $0x0  }
0x1d: {  	s5 =	simm.s32 @p1 $0x1;
	p0 =	seq.s32 s7, s2  }
0x1e: {  	s7 =	smul.u32 @!p0 $0xF7A, s2;
	p2 =	seq.s32 @!p0 s5, $0x0  }
0x1f: {  	s9 =	smul.u32 $0xF7A, s1;
	s8 =	simm.s32 @!p0 $0x1BF5;
	p2 =	por !p2, p0  }
0x20: {  	[sflag:s8] =	ssyncset.s32 @!p0 $0xFFFFF086;
	s6 =	sadd.s32 @!p0 s3, s7;
	s7 =	simm.s32 @!p0 $0x108  }
0x21: {  	s3 =	sadd.s32 s3, s9;
	s6 =	sadd.s32 @!p0 $0x88, s6;
	s7 =	simm.s32 @p2 $0x1082  }
0x22: {  	[simem:s7], [sflag:s8] =	dma.local @!p0 [hbm:s6], $0xF7A  }
0x23: {  	s9 =	sor.u32 $0xD0000000, s2;
	s6 =	simm.s32 $0x108;
	_ =	swait.ge @!p0 [sflag:s8], $0x0  }
0x24: {  	s3 =	sadd.s32 $0x88, s3;
	s6 =	simm.s32 @!p1 $0x1082;
	[sflag:s4] =	ssyncset.s32 $0xFFFFF086  }
0x25: {  	[simem:s6], [sflag:s4] =	dma.local [hbm:s3], $0xF7A  }
0x26: {  	[smem:$0x3F9F] =	sst s1;
	(tag) =	ssettag s2;
	_ =	strace s9  }
0x27: {  	s1 =	sld [smem:$0x3FAF]  }
0x28: {  	s2 =	sld [smem:$0x3FB0]  }
0x29: {  	s4 =	sld [smem:$0x3FB2]  }
0x2a: {  	p0 =	seq.s32 s5, $0x0;
	s5 =	sld [smem:$0x3FB3]  }
0x2b: {  	s6 =	sld [smem:$0x3FB4]  }
0x2c: {  	s7 =	sld [smem:$0x3FB5]  }
0x2d: {  	s3 =	simm.s32 $0x108;
	s8 =	sld [smem:$0x3FB6]  }
0x2e: {  	s3 =	simm.s32 @!p0 $0x1082;
	s9 =	sld [smem:$0x3FB7]  }
0x2f: {  	lr =	sadd.s32 s0, s3;
	s0 =	sld [smem:$0x3FAE]  }
0x30: {  	s3 =	sld [smem:$0x3FB1]  }
0x31: {  	[smem:$0x3FBA] =	sst s10  }
0x32: {  	s10 =	sld [smem:$0x3FB8];
	_ =	sdelay $0x3  }
0x33: {  	p0 =	seq.s32 s10, $0x1;
	s10 =	sld [smem:$0x3FBA];
	_ =	sdelay $0x3  }
0x34: {  	[smem:$0x3FBA] =	sst s10  }
0x35: {  	s10 =	sld [smem:$0x3FB9];
	_ =	sdelay $0x3  }
0x36: {  	p1 =	seq.s32 s10, $0x1;
	s10 =	sld [smem:$0x3FBA];
	_ =	sdelay $0x3  }
0x37: {  	[smem:$0x3FBA] =	sst s10  }
0x38: {  	s10 =	sld [smem:$0x3FBB]  }
0x39: {  	_ = 	snop;
	(pc) =	sbr.ind lr, $3  }
0x3a: {  	_ = 	snop  }
0x3b: {  	_ = 	snop  }
0x3c: {  	p2 =	seq.s32 s10, $0x1;
	s10 =	sld [smem:$0x3FBA]  }
0x3d: {  	_ =	shalt  }
0x3e: {  	_ =	shalt  }
0x3f: {  	_ =	shalt  }
0x40: {  	_ =	shalt  }
0x41: {  	_ =	shalt  }
0x42: {  	_ =	shalt  }
0x43: {  	_ =	shalt  }
0x44: {  	_ =	shalt  }
0x45: {  	_ =	shalt  }
0x46: {  	_ =	shalt  }
0x47: {  	_ =	shalt  }
0x48: {  	_ =	shalt  }
0x49: {  	_ =	shalt  }
0x4a: {  	_ =	shalt  }
0x4b: {  	_ =	shalt  }
0x4c: {  	_ =	shalt  }
0x4d: {  	_ =	shalt  }
0x4e: {  	_ =	shalt  }
0x4f: {  	_ =	shalt  }
0x50: {  	_ =	shalt  }
0x51: {  	_ =	shalt  }
0x52: {  	_ =	shalt  }
0x53: {  	_ =	shalt  }
0x54: {  	_ =	shalt  }
0x55: {  	_ =	shalt  }
0x56: {  	_ =	shalt  }
0x57: {  	_ =	shalt  }
0x58: {  	_ =	shalt  }
0x59: {  	_ =	shalt  }
0x5a: {  	_ =	shalt  }
0x5b: {  	_ =	shalt  }
0x5c: {  	_ =	shalt  }
0x5d: {  	_ =	shalt  }
0x5e: {  	_ =	shalt  }
0x5f: {  	_ =	shalt  }
0x60: {  	_ =	shalt  }
0x61: {  	_ =	shalt  }
0x62: {  	_ =	shalt  }
0x63: {  	_ =	shalt  }
0x64: {  	_ =	shalt  }
0x65: {  	_ =	shalt  }
0x66: {  	_ =	shalt  }
0x67: {  	_ =	shalt  }
0x68: {  	_ =	shalt  }
0x69: {  	_ =	shalt  }
0x6a: {  	_ =	shalt  }
0x6b: {  	_ =	shalt  }
0x6c: {  	_ =	shalt  }
0x6d: {  	_ =	shalt  }
0x6e: {  	_ =	shalt  }
0x6f: {  	_ =	shalt  }
0x70: {  	_ =	shalt  }
0x71: {  	_ =	shalt  }
0x72: {  	_ =	shalt  }
0x73: {  	_ =	shalt  }
0x74: {  	_ =	shalt  }
0x75: {  	_ =	shalt  }
0x76: {  	_ =	shalt  }
0x77: {  	_ =	shalt  }
0x78: {  	_ =	shalt  }
0x79: {  	_ =	shalt  }
0x7a: {  	_ =	shalt  }
0x7b: {  	_ =	shalt  }
0x7c: {  	_ =	shalt  }
0x7d: {  	_ =	shalt  }
0x7e: {  	_ =	shalt  }
0x7f: {  	_ =	shalt  }
0x80: {  	_ =	shalt  }
0x81: {  	_ =	shalt  }
0x82: {  	_ =	shalt  }
0x83: {  	_ =	shalt  }
0x84: {  	_ =	shalt  }
0x85: {  	_ =	shalt  }
0x86: {  	_ =	shalt  }
0x87: {  	_ =	shalt  }
.Lfunc_end0:
.L_simem_size_0:
called_computation_lowered:
.L_overlay_start_0:
0x88: {  	s2 =	sld [smem:$0x3FD9]  }
0x89: {  	s3 =	sld [smem:$0x3FFE];
	_ =	sdelay $0x1  }
0x8a: {  	s1 =	srdreg.scid  }
0x8b: {  	s0 =	sand.u32 $0x1, s1  }
0x8c: {  	s17 =	sshll.u32 s0, $0xA;
	s2 =	sadd.s32 s3, s2  }
0x8d: {  	s2 =	sadd.s32 s2, s17  }
0x8e: {  	[smem:$0x3FC6] =	sst s2  }
0x8f: {  	_ = 	snop  }
0x90: {  	s2 =	sld [smem:$0x3FD0];
	(tm) =	ssettm $0x1  }
0x91: {  	s18 =	sld [smem:$0x3FFB];
	_ =	sdelay $0x3  }
0x92: {  	_ =	strace s18  }
0x93: {  	s3 =	sld [smem:$0x3FFC];
	_ =	sdelay $0x3  }
0x94: {  	_ =	strace s3  }
0x95: {  	s3 =	sld [smem:$0x3FFD];
	_ =	sdelay $0x3  }
0x96: {  	_ =	strace s3  }
0x97: {  	_ =	strace $0x8FFFFFFF  }
0x98: {  	s19 =	sld [smem:$0x3FDB];
	_ =	sdelay $0x1  }
0x99: {  	s4 =	simm.s32 $_scs_section_size  }
0x9a: {  	s5 =	simm.s32 $_size__tile_overlayer_lowered;
	s6 =	simm.s32 $_tile_overlayer_lowered  }
0x9b: {  	s22 =	simm.s32 $0x1BFF;
	s21 =	sshll.u32 s6, $0x1;
	s3 =	sadd.s32 s4, s19  }
0x9c: {  	s7 =	simm.s32 $0x0;
	s20 =	sshll.u32 s5, $0x1;
	s5 =	sadd.s32 s21, s3  }
0x9d: {  	[timem:s7], [sflag:s22] =	dma.local [hbm:s5], s20  }
0x9e: {  	_ =	swait.ge [sflag:s22], s20  }
0x9f: {  	s4 =	ssub.s32 $0x0, s20;
	[sflag:s22] =	ssyncset.done $0x0  }
0xa0: {  	[sflag:s22] =	ssyncadd.s32 s4;
	_ =	sdelay $0x1  }
0xa1: {  	s23 =	simm.s32 $0x1B8B  }
0xa2: {  	_ =	swait.ge [sflag:s23], $0x1  }
0xa3: {  	[sflag:s23] =	ssyncset.done $0x0  }
0xa4: {  	s25 =	simm.s32 $0x1B8E;
	s24 =	sld [smem:$0x3FFE];
	[sflag:s23] =	ssyncadd.s32 $0xFFFFFFFF  }
0xa5: {  	s26 =	simm.s32 $execute0_lowered;
	[smem:$0x3FD2] =	sst s25  }
0xa6: {  	s5 =	sshll.u32 s26, $0x1;
	_ =	strace $0x80000046;
	[dreg:$0x1] =	wrdreg $0xFFFFFFFF  }
0xa7: {  	s28 =	simm.s32 $_size_execute0_lowered;
	s3 =	sadd.s32 s3, s5;
	[dreg:$0x0] =	wrdreg $0x0  }
0xa8: {  	s5 =	sshll.u32 s28, $0x1;
	[dreg:$0x2] =	wrdreg s3  }
0xa9: {  	[dreg:$0x3] =	wrdreg s5  }
0xaa: {  	[dreg:$0x4] =	wrdreg $0xC0  }
0xab: {  	_ =	task [dreg:s7], $0x5FFFF  }
0xac: {  	[dreg:$0x1] =	wrdreg $0xFFFFFFFF  }
0xad: {  	[dreg:$0x0] =	wrdreg $0x60  }
0xae: {  	[dreg:$0x2] =	wrdreg s24  }
0xaf: {  	[dreg:$0x3] =	wrdreg s2  }
0xb0: {  	[dreg:$0x4] =	wrdreg $0x9  }
0xb1: {  	_ =	task.clear_ibuf [dreg:s7], $0x5FFFF;
	_ =	strace $0x90000046  }
0xb2: {  	s29 =	simm.s32 $0x9;
	_ =	strace $0x80000048  }
0xb3: {  	_ =	swait.ge [sflag:s29], $0x1  }
0xb4: {  	[sflag:s29] =	ssyncadd.s32 $0xFFFFFFFF  }
0xb5: {  	_ =	strace $0x90000048  }
0xb6: {  	_ =	sfence  }
0xb7: {  	s30 =	sld [smem:$0x0];
	_ =	sdelay $0x2  }
0xb8: {  	s31 =	sshll.u32 s1, $0xD;
	s1 =	sshrl.u32 s1, $0x2  }
0xb9: {  	s3 =	sand.u32 $0x4000, s31;
	s1 =	sadd.s32 s1, s30  }
0xba: {  	s0 =	sor.u32 s3, s0;
	s1 =	sshll.u32 s1, $0x11  }
0xbb: {  	s0 =	sor.u32 s1, s0  }
0xbc: {  	s0 =	sadd.s32 $0x8F2B, s0  }
0xbd: {  	[sflag:s0] =	ssyncadd.remote.s32 $0x1  }
0xbe: {  	_ =	sfence.sel $0xFFFF  }
0xbf: {  	[dreg:$0x0] =	wrdreg $0xFFFFFFFF;
	(pc) =	sbr.abs _section_cstart, $3  }
0xc0: {  	[dreg:$0x1] =	wrdreg $0xFFFFFFFF  }
0xc1: {  	_ =	task.clear_ibuf [dreg:s7], $0x2FFFF;
	_ =	strace $0x9FFFFFFF  }
0xc2: {  	(tm) =	ssettm $0x7FFFFFFF  }
0xc3: {  	_ =	shalt  }
tec
execute0_lowered:
.L_overlay_start_1:
0x0: {  	(tag) =	ssettag $0x1  }
0x1: {  	v0 =	vlaneseq.u32  }
0x2: {  	v12 =	vmul.u32 $0x88, v0  }
0x3: {  	s0 =	rddreg [dreg:$0x0];
	s3 =	simm.s32 $0x0  }
0x4: {  	[smem:$0x7FF] =	sst s3;
	v15 =	vadd.s32 $0x1980, v12  }
0x5: {  	s21 =	rddreg [dreg:$0x1];
	_ =	strace $0x80000047;
	v2 =	vadd.s32 $0x1983, v12;
	[tilespmem:$0x1FEF0] =	vst v15  }
0x6: {  	v0 =	vadd.s32 $0x1984, v12;
	[tilespmem:$0x1FF00] =	vst v2  }
0x7: {  	v3 =	vadd.s32 $0x1985, v12;
	[tilespmem:$0x1FF10] =	vst v0  }
0x8: {  	v4 =	vor.u32 $0x6, v12;
	[tilespmem:$0x1FF20] =	vst v3  }
0x9: {  	s1 =	srdreg.scid;
	s2 =	stileid.u32;
	s23 =	simm.s32 $0x80;
	v5 =	vadd.s32 $0x886, v12;
	[tilespmem:$0x1FF30] =	vst v4  }
0xa: {  	s29 =	simm.s32 $0x1;
	s30 =	simm.s32 $0xA400;
	s24 =	simm.s32 $0x2;
	v6 =	vadd.s32 $0x1106, v12;
	[tilespmem:$0x1FF40] =	vst v5  }
0xb: {  	s22 =	simm.s32 $0xC600;
	s1 =	sand.u32 $0x1, s1;
	s2 =	sshll.u32 s2, $0x1;
	v7 =	vadd.s32 $0x1986, v12;
	[tilespmem:$0x1FF50] =	vst v6  }
0xc: {  	s7 =	sadd.s32 $0x1000, s21;
	s8 =	sadd.s32 $0x2000, s21;
	s9 =	sadd.s32 $0x3000, s21;
	v9 =	vadd.s32 $0x887, v12;
	[tilespmem:$0x1FF60] =	vst v7  }
0xd: {  	s10 =	sadd.s32 $0x4000, s21;
	s11 =	sadd.s32 $0x5000, s21;
	s12 =	sadd.s32 $0x6000, s21;
	v10 =	vadd.s32 $0x1107, v12;
	[tilespmem:$0x1FF70] =	vst v9  }
0xe: {  	v1 =	vimm.s32 $0x0;
	vm0 =	vcmask $0x300;
	s13 =	sadd.s32 $0x7000, s21;
	s14 =	sadd.s32 $0x8000, s21;
	s15 =	sadd.s32 $0x9000, s21;
	v11 =	vadd.s32 $0x1987, v12;
	[tilespmem:$0x1FF80] =	vst v10  }
0xf: {  	s16 =	sadd.s32 $0xA000, s21;
	s17 =	sadd.s32 $0xB000, s21;
	s18 =	sadd.s32 $0xC000, s21;
	v1 =	vsel vm0, $0x3, v1;
	v13 =	vadd.s32 $0x880, v12;
	v8 =	vor.u32 $0x7, v12;
	[tilespmem:$0x1FF90] =	vst v11  }
0x10: {  	s19 =	sadd.s32 $0xD000, s21;
	s20 =	sadd.s32 $0xE000, s21;
	s2 =	sor.u32 s1, s2;
	v14 =	vadd.s32 $0x1100, v12;
	v16 =	vor.u32 $0x1, v12;
	v32 =	vor.u32 $0x5, v12;
	[tilespmem:$0x1FFA0] =	vst v8  }
.Ltmp0:
0x11: {  	s1 =	ssub.s32 $0x2, s1;
	s4 =	sshll.u32 s2, $0x4;
	v17 =	vadd.s32 $0x881, v12;
	v18 =	vadd.s32 $0x1101, v12;
	v31 =	vadd.s32 $0x885, v12;
	[tilespmem:$0x1FFB0] =	vst v32;
	(pc) =	sbr.rel .LBB2_1-.Ltmp0, $4  }
0x12: {  	s21 =	sadd.s32 $0xF000, s21;
	s5 =	sshrl.u32 s1, $0x1;
	v19 =	vadd.s32 $0x1981, v12;
	v21 =	vadd.s32 $0x882, v12;
	v28 =	vor.u32 $0x4, v12;
	s6 =	sadd.s32 s4, s0;
	[tilespmem:$0x1FFC0] =	vst v31  }
0x13: {  	v20 =	vor.u32 $0x2, v12;
	v22 =	vadd.s32 $0x1102, v12;
	v30 =	vadd.s32 $0x1104, v12;
	s4 =	sadd.s32 $0xF42A00, s0;
	s28 =	ssub.s32 s1, s5;
	[tilespmem:$0x1FFD0] =	vst v28;
	s31 =	sadd.s32 $0x600, s6  }
0x14: {  	v23 =	vadd.s32 $0x1982, v12;
	v24 =	vor.u32 $0x3, v12;
	v29 =	vadd.s32 $0x884, v12;
	s5 =	simm.s32 $0x4;
	[tilespmem:$0x1FFE0] =	vst v30;
	s0 =	smax.u32 s28, $0x1;
	[dreg:$0x3] =	wrdreg s31  }
0x15: {  	v25 =	vadd.s32 $0x883, v12;
	v26 =	vadd.s32 $0x1103, v12;
	v27 =	vadd.s32 $0x1105, v12;
	s1 =	simm.s32 $0x0;
	[tilespmem:$0x1FFF0] =	vst v29;
	s6 =	sshll.u32 s2, $0x7;
	[dreg:$0x4] =	wrdreg s0  }
.LBB2_12:
0x16: {  	s0 =	simm.s32 $0x3  }
0x17: {  	_ =	swait.ge [sflag:s0], $0x400  }
0x18: {  	[sflag:s0] =	ssyncset.done $0x0  }
0x19: {  	[sflag:s0] =	ssyncadd.s32 $0xFFFFFC00  }
0x1a: {  	_ =	swait.ge [sflag:s0], $0x400  }
0x1b: {  	[sflag:s0] =	ssyncset.done $0x0  }
0x1c: {  	[sflag:s0] =	ssyncadd.s32 $0xFFFFFC00  }
0x1d: {  	_ =	swait.ge [sflag:s0], $0x400  }
0x1e: {  	[sflag:s0] =	ssyncset.done $0x0  }
0x1f: {  	[sflag:s0] =	ssyncadd.s32 $0xFFFFFC00  }
0x20: {  	_ =	swait.ge [sflag:s0], $0x400  }
0x21: {  	[sflag:s0] =	ssyncset.done $0x0  }
0x22: {  	[sflag:s0] =	ssyncadd.s32 $0xFFFFFC00  }
0x23: {  	_ =	swait.ge [sflag:s0], $0x400  }
0x24: {  	[sflag:s0] =	ssyncset.done $0x0  }
0x25: {  	[sflag:s0] =	ssyncadd.s32 $0xFFFFFC00  }
0x26: {  	_ =	swait.ge [sflag:s0], $0x400  }
0x27: {  	[sflag:s0] =	ssyncset.done $0x0  }
0x28: {  	[sflag:s0] =	ssyncadd.s32 $0xFFFFFC00  }
0x29: {  	_ =	swait.ge [sflag:s0], $0x400  }
0x2a: {  	[sflag:s0] =	ssyncset.done $0x0  }
0x2b: {  	[sflag:s0] =	ssyncadd.s32 $0xFFFFFC00  }
0x2c: {  	_ =	swait.ge [sflag:s0], $0x400  }
0x2d: {  	[sflag:s0] =	ssyncset.done $0x0  }
0x2e: {  	[sflag:s0] =	ssyncadd.s32 $0xFFFFFC00  }
0x2f: {  	_ =	swait.ge [sflag:s5], $0x400  }
0x30: {  	[sflag:s5] =	ssyncset.done $0x0  }
0x31: {  	[sflag:s5] =	ssyncadd.s32 $0xFFFFFC00  }
0x32: {  	_ =	swait.ge [sflag:s5], $0x400  }
0x33: {  	[sflag:s5] =	ssyncset.done $0x0  }
0x34: {  	[sflag:s5] =	ssyncadd.s32 $0xFFFFFC00  }
0x35: {  	_ =	swait.ge [sflag:s5], $0x400  }
0x36: {  	[sflag:s5] =	ssyncset.done $0x0  }
0x37: {  	[sflag:s5] =	ssyncadd.s32 $0xFFFFFC00  }
0x38: {  	_ =	swait.ge [sflag:s5], $0x400  }
0x39: {  	[sflag:s5] =	ssyncset.done $0x0  }
0x3a: {  	[sflag:s5] =	ssyncadd.s32 $0xFFFFFC00  }
0x3b: {  	_ =	swait.ge [sflag:s5], $0x400  }
0x3c: {  	[sflag:s5] =	ssyncset.done $0x0  }
0x3d: {  	[sflag:s5] =	ssyncadd.s32 $0xFFFFFC00  }
0x3e: {  	_ =	swait.ge [sflag:s5], $0x400  }
0x3f: {  	[sflag:s5] =	ssyncset.done $0x0  }
0x40: {  	[sflag:s5] =	ssyncadd.s32 $0xFFFFFC00  }
0x41: {  	_ =	swait.ge [sflag:s5], $0x400  }
0x42: {  	[sflag:s5] =	ssyncset.done $0x0  }
0x43: {  	[sflag:s5] =	ssyncadd.s32 $0xFFFFFC00  }
0x44: {  	_ =	swait.ge [sflag:s5], $0x400  }
0x45: {  	s1 =	rddreg [dreg:$0x5]  }
0x46: {  	s31 =	rddreg [dreg:$0x4];
	s1 =	sadd.s32 $0x1, s1  }
0x47: {  	p0 =	sne.s32 s1, s31  }
.Ltmp1:
0x48: {  	_ = 	snop;
	(pc) =	sbr.rel @!p0 .LBB2_13-.Ltmp1, $3  }
0x49: {  	_ =	sdelay $0x1  }
0x4a: {  	[sflag:s5] =	ssyncset.done $0x0  }
0x4b: {  	[sflag:s5] =	ssyncadd.s32 $0xFFFFFC00  }
.LBB2_1:
0x4c: {  	[dreg:$0x5] =	wrdreg s1  }
0x4d: {  	s0 =	rddreg [dreg:$0x3];
	s25 =	simm.s32 $0x1000;
	s26 =	simm.s32 $0x5  }
0x4e: {  	[tilespmem:s3], [sflag:$0x5] =	stream.strided.gather [hbm4b:s0+s23], $0x6400, s25, s23, $0x38;
	[tilespmem:$0xE800] =	vst v63  }
0x4f: {  	_ =	swait.ge [sflag:s26], $0x6400  }
0x50: {  	[sflag:s26] =	ssyncset.done $0x0  }
0x51: {  	s28 =	simm.s32 $0x6400;
	[sflag:s26] =	ssyncadd.s32 $0xFFFF9C00  }
0x52: {  	[tilespmem:s28], [sflag:$0x1] =	stream.indirect.gather [hbm4b:s4+s23], $0x40, s3, s23, $0xb8;
	[tilespmem:$0xE800] =	vst v63  }
0x53: {  	s31 =	simm.s32 $0x8400;
	s25 =	simm.s32 $0x0  }
0x54: {  	[tilespmem:s31], [sflag:$0x2] =	stream.indirect.gather [hbm4b:s4+s23], $0x40, s23, s23, $0xb8;
	[tilespmem:$0xE800] =	vst v63  }
.LBB2_2:
0x55: {  	_ =	swait.ge [sflag:s29], $0x2000  }
0x56: {  	p0 =	seq.s32 s25, $0x0;
	[sflag:s29] =	ssyncset.done $0x0  }
0x57: {  	s2 =	simm.s32 @!p0 $0x3;
	[sflag:s29] =	ssyncadd.s32 $0xFFFFE000  }
0x58: {  	_ =	swait.ge @!p0 [sflag:s2], $0x400  }
0x59: {  	[sflag:s2] =	ssyncset.done @!p0 $0x0  }
0x5a: {  	[sflag:s2] =	ssyncadd.s32 @!p0 $0xFFFFFC00  }
0x5b: {  	_ =	swait.ge @!p0 [sflag:s2], $0x400  }
0x5c: {  	[sflag:s2] =	ssyncset.done @!p0 $0x0  }
0x5d: {  	[sflag:s2] =	ssyncadd.s32 @!p0 $0xFFFFFC00  }
0x5e: {  	_ =	swait.ge @!p0 [sflag:s2], $0x400  }
0x5f: {  	[sflag:s2] =	ssyncset.done @!p0 $0x0  }
0x60: {  	[sflag:s2] =	ssyncadd.s32 @!p0 $0xFFFFFC00  }
0x61: {  	_ =	swait.ge @!p0 [sflag:s2], $0x400  }
0x62: {  	[sflag:s2] =	ssyncset.done @!p0 $0x0  }
0x63: {  	[sflag:s2] =	ssyncadd.s32 @!p0 $0xFFFFFC00  }
0x64: {  	_ =	swait.ge @!p0 [sflag:s2], $0x400  }
0x65: {  	[sflag:s2] =	ssyncset.done @!p0 $0x0  }
0x66: {  	s1 =	simm.s32 $0x2;
	[sflag:s2] =	ssyncadd.s32 @!p0 $0xFFFFFC00  }
0x67: {  	v35 =	vmov s1;
	s1 =	simm.s32 $0x6;
	_ =	swait.ge @!p0 [sflag:s2], $0x400  }
0x68: {  	s0 =	simm.s32 $0x0;
	v39 =	vmov s1;
	s1 =	simm.s32 $0x9;
	[sflag:s2] =	ssyncset.done @!p0 $0x0  }
0x69: {  	s26 =	simm.s32 $0x1;
	v42 =	vmov s1;
	s1 =	simm.s32 $0xC;
	[sflag:s2] =	ssyncadd.s32 @!p0 $0xFFFFFC00  }
0x6a: {  	s28 =	simm.s32 $0x4;
	v33 =	vmov s0;
	v48 =	vmov s1;
	s1 =	simm.s32 $0xF;
	_ =	swait.ge @!p0 [sflag:s2], $0x400  }
0x6b: {  	v34 =	vmov s26;
	s26 =	simm.s32 $0x3;
	v37 =	vmov s28;
	v45 =	vmov s1;
	[sflag:s2] =	ssyncset.done @!p0 $0x0  }
0x6c: {  	s28 =	simm.s32 $0x7;
	v33 =	vshrl.u32 v33, $0x3;
	v36 =	vmov s26;
	v45 =	vshrl.u32 v45, $0x3;
	[sflag:s2] =	ssyncadd.s32 @!p0 $0xFFFFFC00  }
0x6d: {  	s26 =	simm.s32 $0x5;
	v40 =	vmov s28;
	v35 =	vshrl.u32 v35, $0x3;
	v6 =	vshll.u32 v45, v1;
	_ =	swait.ge @!p0 [sflag:s2], $0x400  }
0x6e: {  	s28 =	simm.s32 $0xA;
	v38 =	vmov s26;
	s26 =	simm.s32 $0x8;
	v33 =	vshll.u32 v33, v1;
	v55 =	vbroadcast v6, $0x0;
	[sflag:s2] =	ssyncset.done @!p0 $0x0  }
0x6f: {  	v43 =	vmov s28;
	v41 =	vmov s26;
	v33 =	vbroadcast v33, $0x0;
	[sflag:s2] =	ssyncadd.s32 @!p0 $0xFFFFFC00;
	s2 =	simm.s32 $0x6600  }
0x70: {  	v7 =	vshll.u32 v35, v1;
	v53 =	vshrl.u32 v41, $0x3;
	v41 =	vadd.s32 v8, v55;
	v35 =	vld [tilespmem:s2+$0x1C0]  }
0x71: {  	v54 =	vshrl.u32 v42, $0x3;
	v56 =	vshrl.u32 v43, $0x3;
	v43 =	vadd.s32 v12, v33;
	v42 =	vld [tilespmem:s2+$0xFFFFFE00]  }
0x72: {  	v34 =	vshrl.u32 v34, $0x3  }
0x73: {  	v34 =	vshll.u32 v34, v1  }
0x74: {  	v37 =	vshrl.u32 v37, $0x3;
	v47 =	vbroadcast v34, $0x0  }
0x75: {  	v36 =	vshrl.u32 v36, $0x3;
	v11 =	vshll.u32 v37, v1;
	v46 =	vbroadcast v7, $0x0;
	v10 =	vld [tilespmem:s2+$0xFFFFFE40];
	[tilespmem:v41+s30+$0x0] =	vst.idx.msk $0xffff, v35  }
0x76: {  	v9 =	vshll.u32 v36, v1;
	v57 =	vadd.s32 v16, v47;
	v37 =	vld [tilespmem:s2+$0xFFFFFE80];
	[tilespmem:v43+s30+$0x0] =	vst.idx.msk $0xffff, v42  }
0x77: {  	s26 =	simm.s32 $0xB;
	v38 =	vshrl.u32 v38, $0x3;
	v58 =	vadd.s32 v20, v46;
	v45 =	vbroadcast v9, $0x0;
	v0 =	vld [tilespmem:$0x1FF70]  }
0x78: {  	v44 =	vmov s26;
	v38 =	vshll.u32 v38, v1;
	v6 =	vbroadcast v11, $0x0  }
0x79: {  	v34 =	vshrl.u32 v44, $0x3;
	v7 =	vbroadcast v38, $0x0;
	v59 =	vadd.s32 v24, v45;
	v44 =	vld [tilespmem:s2+$0xFFFFFEC0]  }
0x7a: {  	v51 =	vshrl.u32 v39, $0x3;
	v61 =	vadd.s32 v28, v6;
	v60 =	vld [tilespmem:s2+$0xFFFFFF00]  }
0x7b: {  	v52 =	vshrl.u32 v40, $0x3;
	v40 =	vshll.u32 v51, v1;
	v4 =	vadd.s32 v32, v7;
	v43 =	vld [tilespmem:s2+$0xFFFFFF40];
	[tilespmem:v57+s30+$0x0] =	vst.idx.msk $0xffff, v10  }
0x7c: {  	v42 =	vshll.u32 v52, v1;
	v51 =	vld [tilespmem:s2+$0x1D0];
	[tilespmem:v58+s30+$0x0] =	vst.idx.msk $0xffff, v37;
	v52 =	vadd.s32 v0, v55  }
0x7d: {  	v2 =	vld [tilespmem:$0x1FF30]  }
0x7e: {  	[tilespmem:v59+s30+$0x0] =	vst.idx.msk $0xffff, v44  }
0x7f: {  	[tilespmem:v61+s30+$0x0] =	vst.idx.msk $0xffff, v60  }
0x80: {  	v5 =	vbroadcast v40, $0x0;
	[tilespmem:v4+s30+$0x0] =	vst.idx.msk $0xffff, v43  }
0x81: {  	v11 =	vshll.u32 v53, v1;
	v9 =	vbroadcast v42, $0x0;
	v37 =	vld [tilespmem:s2+$0xFFFFFF80];
	[tilespmem:v52+s30+$0x0] =	vst.idx.msk $0xffff, v51  }
0x82: {  	v39 =	vshll.u32 v54, v1;
	v10 =	vbroadcast v11, $0x0;
	v38 =	vadd.s32 v2, v5;
	v3 =	vld [tilespmem:$0x1FF80]  }
0x83: {  	v40 =	vshll.u32 v56, v1;
	v54 =	vld [tilespmem:s2+$0xFFFFFFC0];
	v58 =	vadd.s32 v8, v9;
	v8 =	vbroadcast v39, $0x0  }
0x84: {  	v11 =	vbroadcast v40, $0x0;
	v59 =	vld [tilespmem:s2+$0x0];
	v60 =	vadd.s32 v12, v10  }
0x85: {  	v41 =	vld [tilespmem:s2+$0x40];
	v42 =	vadd.s32 v16, v8  }
0x86: {  	v48 =	vshrl.u32 v48, $0x3;
	v44 =	vadd.s32 v20, v11;
	v52 =	vld [tilespmem:s2+$0x80]  }
0x87: {  	s26 =	simm.s32 $0xE;
	v43 =	vshll.u32 v48, v1;
	v48 =	vld [tilespmem:s2+$0x1E0];
	[tilespmem:v38+s30+$0x0] =	vst.idx.msk $0xffff, v37;
	v51 =	vadd.s32 v3, v55  }
0x88: {  	v50 =	vmov s26;
	[tilespmem:v58+s30+$0x0] =	vst.idx.msk $0xffff, v54  }
0x89: {  	s28 =	simm.s32 $0xD;
	v50 =	vshrl.u32 v50, $0x3;
	[tilespmem:v60+s30+$0x0] =	vst.idx.msk $0xffff, v59  }
0x8a: {  	v49 =	vmov s28;
	v34 =	vshll.u32 v34, v1;
	v63 =	vshll.u32 v50, v1;
	[tilespmem:v42+s30+$0x0] =	vst.idx.msk $0xffff, v41  }
0x8b: {  	v49 =	vshrl.u32 v49, $0x3;
	v34 =	vbroadcast v34, $0x0;
	v37 =	vbroadcast v63, $0x0;
	[tilespmem:v44+s30+$0x0] =	vst.idx.msk $0xffff, v52  }
0x8c: {  	v62 =	vshll.u32 v49, v1;
	v49 =	vld [tilespmem:s2+$0xC0];
	v35 =	vbroadcast v43, $0x0;
	[tilespmem:v51+s30+$0x0] =	vst.idx.msk $0xffff, v48  }
0x8d: {  	v36 =	vbroadcast v62, $0x0;
	v54 =	vadd.s32 v24, v34;
	v43 =	vadd.s32 v2, v37;
	v2 =	vld [tilespmem:$0x1FF90]  }
0x8e: {  	v50 =	vld [tilespmem:s2+$0x100];
	v4 =	vadd.s32 v28, v35  }
0x8f: {  	v40 =	vld [tilespmem:s2+$0x140];
	v41 =	vadd.s32 v32, v36  }
0x90: {  	v42 =	vld [tilespmem:s2+$0x180]  }
0x91: {  	v62 =	vadd.s32 v17, v47;
	v61 =	vld [tilespmem:s2+$0xFFFFFE50]  }
0x92: {  	v48 =	vld [tilespmem:s2+$0x1F0];
	[tilespmem:v54+s30+$0x0] =	vst.idx.msk $0xffff, v49;
	v44 =	vadd.s32 v2, v55  }
0x93: {  	v63 =	vld [tilespmem:s2+$0xFFFFFE90];
	[tilespmem:v4+s30+$0x0] =	vst.idx.msk $0xffff, v50  }
0x94: {  	v32 =	vadd.s32 v21, v46;
	v38 =	vld [tilespmem:s2+$0xFFFFFED0];
	[tilespmem:v41+s30+$0x0] =	vst.idx.msk $0xffff, v40  }
0x95: {  	v39 =	vadd.s32 v25, v45;
	v40 =	vld [tilespmem:s2+$0xFFFFFF10];
	[tilespmem:v43+s30+$0x0] =	vst.idx.msk $0xffff, v42  }
0x96: {  	v41 =	vadd.s32 v29, v6;
	v42 =	vld [tilespmem:s2+$0xFFFFFF50];
	[tilespmem:v62+s30+$0x0] =	vst.idx.msk $0xffff, v61  }
0x97: {  	v43 =	vadd.s32 v31, v7;
	v61 =	vld [tilespmem:s2+$0xFFFFFFD0];
	[tilespmem:v44+s30+$0x0] =	vst.idx.msk $0xffff, v48  }
0x98: {  	v62 =	vadd.s32 v0, v9;
	v4 =	vld [tilespmem:$0x1FF40]  }
0x99: {  	[tilespmem:v32+s30+$0x0] =	vst.idx.msk $0xffff, v63;
	v63 =	vld [tilespmem:s2+$0x10];
	v32 =	vadd.s32 v13, v10  }
0x9a: {  	[tilespmem:v39+s30+$0x0] =	vst.idx.msk $0xffff, v38;
	v38 =	vld [tilespmem:s2+$0x50];
	v39 =	vadd.s32 v17, v8  }
0x9b: {  	[tilespmem:v41+s30+$0x0] =	vst.idx.msk $0xffff, v40;
	v40 =	vld [tilespmem:s2+$0x90];
	v41 =	vadd.s32 v21, v11  }
0x9c: {  	[tilespmem:v43+s30+$0x0] =	vst.idx.msk $0xffff, v42;
	v42 =	vld [tilespmem:s2+$0xD0];
	v43 =	vadd.s32 v25, v34  }
0x9d: {  	v44 =	vld [tilespmem:s2+$0xFFFFFF90];
	[tilespmem:v62+s30+$0x0] =	vst.idx.msk $0xffff, v61;
	v60 =	vadd.s32 v4, v5  }
0x9e: {  	v61 =	vld [tilespmem:s2+$0x150];
	v62 =	vadd.s32 v31, v36;
	[tilespmem:v32+s30+$0x0] =	vst.idx.msk $0xffff, v63  }
0x9f: {  	[tilespmem:v39+s30+$0x0] =	vst.idx.msk $0xffff, v38;
	v63 =	vld [tilespmem:s2+$0x190];
	v4 =	vadd.s32 v4, v37  }
0xa0: {  	v32 =	vld [tilespmem:s2+$0xFFFFFE10];
	v38 =	vadd.s32 v13, v33;
	[tilespmem:v41+s30+$0x0] =	vst.idx.msk $0xffff, v40  }
0xa1: {  	v39 =	vld [tilespmem:s2+$0xFFFFFE60];
	v40 =	vadd.s32 v18, v47;
	[tilespmem:v43+s30+$0x0] =	vst.idx.msk $0xffff, v42  }
0xa2: {  	[tilespmem:v60+s30+$0x0] =	vst.idx.msk $0xffff, v44;
	v44 =	vld [tilespmem:s2+$0x110];
	v60 =	vadd.s32 v29, v35  }
0xa3: {  	[tilespmem:v62+s30+$0x0] =	vst.idx.msk $0xffff, v61  }
0xa4: {  	[tilespmem:v4+s30+$0x0] =	vst.idx.msk $0xffff, v63  }
0xa5: {  	[tilespmem:v38+s30+$0x0] =	vst.idx.msk $0xffff, v32  }
0xa6: {  	[tilespmem:v40+s30+$0x0] =	vst.idx.msk $0xffff, v39  }
0xa7: {  	v41 =	vld [tilespmem:s2+$0xFFFFFEA0];
	[tilespmem:v60+s30+$0x0] =	vst.idx.msk $0xffff, v44  }
0xa8: {  	v42 =	vadd.s32 v22, v46;
	v0 =	vld [tilespmem:$0x1FF50]  }
0xa9: {  	v62 =	vld [tilespmem:s2+$0xFFFFFF60];
	v63 =	vadd.s32 v27, v7  }
0xaa: {  	v38 =	vld [tilespmem:s2+$0xFFFFFFE0];
	v39 =	vadd.s32 v3, v9  }
0xab: {  	v43 =	vld [tilespmem:s2+$0xFFFFFEE0];
	v44 =	vadd.s32 v26, v45  }
0xac: {  	v61 =	vadd.s32 v30, v6;
	v60 =	vld [tilespmem:s2+$0xFFFFFF20]  }
0xad: {  	v4 =	vld [tilespmem:s2+$0xFFFFFFA0];
	[tilespmem:v42+s30+$0x0] =	vst.idx.msk $0xffff, v41;
	v32 =	vadd.s32 v0, v5  }
0xae: {  	v40 =	vld [tilespmem:s2+$0x20];
	v41 =	vadd.s32 v14, v10;
	[tilespmem:v63+s30+$0x0] =	vst.idx.msk $0xffff, v62  }
0xaf: {  	v51 =	vadd.s32 v30, v35;
	[tilespmem:v39+s30+$0x0] =	vst.idx.msk $0xffff, v38;
	v48 =	vld [tilespmem:s2+$0x120]  }
0xb0: {  	v42 =	vld [tilespmem:s2+$0x60];
	[tilespmem:v44+s30+$0x0] =	vst.idx.msk $0xffff, v43;
	v43 =	vadd.s32 v18, v8  }
0xb1: {  	v54 =	vld [tilespmem:s2+$0xA0];
	[tilespmem:v61+s30+$0x0] =	vst.idx.msk $0xffff, v60;
	v44 =	vadd.s32 v22, v11  }
0xb2: {  	v56 =	vld [tilespmem:s2+$0xE0];
	[tilespmem:v32+s30+$0x0] =	vst.idx.msk $0xffff, v4;
	v4 =	vadd.s32 v26, v34  }
0xb3: {  	[tilespmem:v41+s30+$0x0] =	vst.idx.msk $0xffff, v40  }
0xb4: {  	[tilespmem:v51+s30+$0x0] =	vst.idx.msk $0xffff, v48  }
0xb5: {  	v49 =	vld [tilespmem:s2+$0x160];
	[tilespmem:v43+s30+$0x0] =	vst.idx.msk $0xffff, v42  }
0xb6: {  	v50 =	vld [tilespmem:s2+$0x1A0];
	[tilespmem:v44+s30+$0x0] =	vst.idx.msk $0xffff, v54;
	v32 =	vadd.s32 v27, v36  }
0xb7: {  	v60 =	vld [tilespmem:s2+$0xFFFFFE20];
	v41 =	vadd.s32 v0, v37;
	[tilespmem:v4+s30+$0x0] =	vst.idx.msk $0xffff, v56  }
0xb8: {  	v39 =	vadd.s32 v14, v33;
	v29 =	vld [tilespmem:$0x1FF00];
	_ =	sdelay $0x1  }
0xb9: {  	v54 =	vld [tilespmem:s2+$0xFFFFFE70]  }
0xba: {  	v47 =	vadd.s32 v19, v47;
	v56 =	vld [tilespmem:s2+$0xFFFFFEB0];
	[tilespmem:v32+s30+$0x0] =	vst.idx.msk $0xffff, v49  }
0xbb: {  	s26 =	simm.s32 $0x10;
	v42 =	vadd.s32 v23, v46;
	v31 =	vld [tilespmem:$0x1FF10];
	[tilespmem:v41+s30+$0x0] =	vst.idx.msk $0xffff, v50  }
0xbc: {  	v63 =	vmov s26;
	s26 =	simm.s32 $0x12;
	v59 =	vld [tilespmem:s2+$0xFFFFFEF0];
	[tilespmem:v39+s30+$0x0] =	vst.idx.msk $0xffff, v60;
	v40 =	vadd.s32 v29, v45  }
0xbd: {  	v55 =	vmov s26;
	s26 =	simm.s32 $0x14;
	v32 =	vld [tilespmem:$0x1FF20]  }
0xbe: {  	s1 =	simm.s32 $0x11;
	v44 =	vmov s26;
	s26 =	simm.s32 $0x16  }
0xbf: {  	v62 =	vmov s1;
	s1 =	simm.s32 $0x13;
	v61 =	vshrl.u32 v63, $0x3;
	v63 =	vld [tilespmem:s2+$0xFFFFFF30];
	v43 =	vmov s26;
	s26 =	simm.s32 $0x18;
	[tilespmem:v47+s30+$0x0] =	vst.idx.msk $0xffff, v54  }
0xc0: {  	v55 =	vshrl.u32 v55, $0x3;
	v0 =	vmov s1;
	s1 =	simm.s32 $0x15;
	v53 =	vmov s26;
	s26 =	simm.s32 $0x1A;
	v28 =	vld [tilespmem:$0x1FF60];
	[tilespmem:v42+s30+$0x0] =	vst.idx.msk $0xffff, v56  }
0xc1: {  	v3 =	vmov s1;
	s1 =	simm.s32 $0x17;
	v46 =	vmov s26;
	s26 =	simm.s32 $0x1C;
	v4 =	vadd.s32 v31, v6;
	v6 =	vld [tilespmem:s2+$0xFFFFFF70];
	[tilespmem:v40+s30+$0x0] =	vst.idx.msk $0xffff, v59  }
0xc2: {  	v52 =	vmov s1;
	v51 =	vmov s26;
	s26 =	simm.s32 $0x1E;
	v7 =	vadd.s32 v32, v7;
	v15 =	vld [tilespmem:$0x1FEF0]  }
0xc3: {  	v58 =	vld [tilespmem:s2+$0xFFFFFFF0];
	s1 =	simm.s32 $0x19;
	v38 =	vshrl.u32 v44, $0x3;
	v44 =	vadd.s32 v23, v11;
	v49 =	vmov s26  }
0xc4: {  	v57 =	vld [tilespmem:s2+$0xFFFFFFB0];
	v41 =	vshrl.u32 v3, $0x3;
	v39 =	vshrl.u32 v43, $0x3;
	v45 =	vmov s1;
	s1 =	simm.s32 $0x1B  }
0xc5: {  	v43 =	vld [tilespmem:s2+$0xB0];
	v54 =	vshll.u32 v61, v1;
	v61 =	vadd.s32 v2, v9;
	v50 =	vmov s1;
	s1 =	simm.s32 $0x1D  }
0xc6: {  	v56 =	vshrl.u32 v62, $0x3;
	v42 =	vld [tilespmem:s2+$0x70];
	v48 =	vmov s1;
	v60 =	vadd.s32 v28, v5;
	[tilespmem:v4+s30+$0x0] =	vst.idx.msk $0xffff, v63  }
0xc7: {  	s31 =	simm.s32 $0x1F;
	s28 =	simm.s32 $0x20;
	s26 =	sshll.u32 s25, $0xA;
	v59 =	vld [tilespmem:s2+$0x30];
	v40 =	vshrl.u32 v0, $0x3;
	v63 =	vadd.s32 v19, v8;
	[tilespmem:v7+s30+$0x0] =	vst.idx.msk $0xffff, v6;
	v62 =	vadd.s32 v15, v10  }
.LBB2_3:
0xc8: {  	v9 =	vld [tilespmem:s2+$0xF0]  }
0xc9: {  	v11 =	vld [tilespmem:s2+$0x170]  }
0xca: {  	v4 =	vld [tilespmem:s2+$0x1B0]  }
0xcb: {  	v6 =	vld [tilespmem:s2+$0xFFFFFE30]  }
0xcc: {  	v0 =	vld [tilespmem:$0x1FFA0]  }
0xcd: {  	v2 =	vld [tilespmem:$0x1FF70]  }
0xce: {  	v34 =	vadd.s32 v29, v34;
	v3 =	vld [tilespmem:$0x1FF30]  }
0xcf: {  	v30 =	vld [tilespmem:$0x1FF90];
	[tilespmem:v60+s30+$0x0] =	vst.idx.msk $0xffff, v57  }
0xd0: {  	v36 =	vadd.s32 v32, v36;
	v5 =	vshll.u32 v56, v1;
	[tilespmem:v61+s30+$0x0] =	vst.idx.msk $0xffff, v58;
	v58 =	vld [tilespmem:s2+$0x130]  }
0xd1: {  	v37 =	vadd.s32 v28, v37;
	v60 =	vshrl.u32 v45, $0x3;
	[tilespmem:v62+s30+$0x0] =	vst.idx.msk $0xffff, v59;
	s2 =	sadd.s32 $0x400, s2;
	v45 =	vbroadcast v5, $0x0;
	v5 =	vld [tilespmem:$0x1FFD0]  }
0xd2: {  	v47 =	vshrl.u32 v52, $0x3;
	v8 =	vmov s31;
	v35 =	vadd.s32 v31, v35;
	[tilespmem:v44+s30+$0x0] =	vst.idx.msk $0xffff, v43;
	v44 =	vld [tilespmem:s2+$0x1C0]  }
0xd3: {  	v7 =	vadd.s32 v15, v33;
	v33 =	vbroadcast v54, $0x0;
	v40 =	vshll.u32 v40, v1;
	[tilespmem:v34+s30+$0x0] =	vst.idx.msk $0xffff, v9;
	v34 =	vld [tilespmem:s2+$0xFFFFFE00]  }
0xd4: {  	v52 =	vshrl.u32 v8, $0x3;
	v8 =	vshll.u32 v55, v1;
	v40 =	vbroadcast v40, $0x0;
	[tilespmem:v63+s30+$0x0] =	vst.idx.msk $0xffff, v42;
	v63 =	vld [tilespmem:s2+$0xFFFFFE40]  }
0xd5: {  	v10 =	vshll.u32 v52, v1;
	v9 =	vadd.s32 v12, v33;
	[tilespmem:v36+s30+$0x0] =	vst.idx.msk $0xffff, v11;
	v36 =	vld [tilespmem:s2+$0xFFFFFE80]  }
0xd6: {  	v59 =	vshrl.u32 v46, $0x3;
	v46 =	vbroadcast v8, $0x0;
	v57 =	vadd.s32 v24, v40;
	[tilespmem:v37+s30+$0x0] =	vst.idx.msk $0xffff, v4;
	v37 =	vld [tilespmem:s2+$0xFFFFFEC0]  }
0xd7: {  	v61 =	vbroadcast v10, $0x0;
	v56 =	vld [tilespmem:s2+$0xFFFFFF00];
	v10 =	vadd.s32 v16, v45  }
0xd8: {  	v53 =	vshrl.u32 v53, $0x3;
	[tilespmem:v7+s30+$0x0] =	vst.idx.msk $0xffff, v6;
	v4 =	vld [tilespmem:$0x1FFB0];
	v11 =	vadd.s32 v20, v46  }
0xd9: {  	v38 =	vshll.u32 v38, v1;
	v50 =	vshrl.u32 v50, $0x3;
	v7 =	vld [tilespmem:s2+$0x40];
	v54 =	vadd.s32 v0, v61;
	[tilespmem:v35+s30+$0x0] =	vst.idx.msk $0xffff, v58  }
0xda: {  	v41 =	vshll.u32 v41, v1;
	v39 =	vshll.u32 v39, v1;
	v38 =	vbroadcast v38, $0x0;
	v52 =	vld [tilespmem:s2+$0x80];
	[tilespmem:v9+s30+$0x0] =	vst.idx.msk $0xffff, v34  }
0xdb: {  	v48 =	vshrl.u32 v48, $0x3;
	v41 =	vbroadcast v41, $0x0;
	v60 =	vshll.u32 v60, v1;
	v35 =	vld [tilespmem:s2+$0xFFFFFF40];
	[tilespmem:v57+s30+$0x0] =	vst.idx.msk $0xffff, v37  }
0xdc: {  	v39 =	vbroadcast v39, $0x0;
	v8 =	vadd.s32 v5, v38;
	v9 =	vshll.u32 v47, v1;
	v37 =	vld [tilespmem:s2+$0xFFFFFFC0];
	[tilespmem:v10+s30+$0x0] =	vst.idx.msk $0xffff, v63  }
0xdd: {  	v62 =	vadd.s32 v4, v41;
	v42 =	vbroadcast v9, $0x0;
	v10 =	vshll.u32 v53, v1;
	[tilespmem:v11+s30+$0x0] =	vst.idx.msk $0xffff, v36;
	v36 =	vld [tilespmem:s2+$0xFFFFFF80]  }
0xde: {  	[tilespmem:v54+s30+$0x0] =	vst.idx.msk $0xffff, v44;
	v11 =	vadd.s32 v3, v39;
	v44 =	vbroadcast v60, $0x0;
	v60 =	vshll.u32 v48, v1;
	v48 =	vld [tilespmem:s2+$0xC0]  }
0xdf: {  	v51 =	vshrl.u32 v51, $0x3;
	v55 =	vadd.s32 v2, v61;
	v54 =	vld [tilespmem:s2+$0x1D0];
	v43 =	vbroadcast v10, $0x0  }
0xe0: {  	v6 =	vshll.u32 v59, v1;
	v9 =	vshll.u32 v50, v1;
	v53 =	vadd.s32 v0, v42;
	v0 =	vld [tilespmem:$0x1FF80]  }
0xe1: {  	v49 =	vshrl.u32 v49, $0x3;
	v10 =	vshll.u32 v51, v1;
	[tilespmem:v8+s30+$0x0] =	vst.idx.msk $0xffff, v56;
	v56 =	vld [tilespmem:s2+$0x0];
	v63 =	vadd.s32 v12, v43  }
0xe2: {  	v34 =	vbroadcast v9, $0x0;
	v9 =	vld [tilespmem:s2+$0x180];
	v8 =	vadd.s32 v16, v44;
	[tilespmem:v62+s30+$0x0] =	vst.idx.msk $0xffff, v35;
	v35 =	vbroadcast v10, $0x0  }
0xe3: {  	v47 =	vbroadcast v6, $0x0;
	v62 =	vshll.u32 v49, v1;
	v49 =	vld [tilespmem:s2+$0xFFFFFED0];
	[tilespmem:v11+s30+$0x0] =	vst.idx.msk $0xffff, v36  }
0xe4: {  	[tilespmem:v55+s30+$0x0] =	vst.idx.msk $0xffff, v54;
	v6 =	vadd.s32 v5, v35;
	v5 =	vld [tilespmem:$0x1FFF0]  }
0xe5: {  	v11 =	vadd.s32 v20, v47;
	v50 =	vld [tilespmem:s2+$0x1E0];
	[tilespmem:v53+s30+$0x0] =	vst.idx.msk $0xffff, v37  }
0xe6: {  	v51 =	vadd.s32 v0, v61;
	[tilespmem:v63+s30+$0x0] =	vst.idx.msk $0xffff, v56;
	v63 =	vld [tilespmem:s2+$0x100]  }
0xe7: {  	v36 =	vbroadcast v60, $0x0;
	v53 =	vadd.s32 v24, v34;
	[tilespmem:v8+s30+$0x0] =	vst.idx.msk $0xffff, v7;
	v7 =	vld [tilespmem:s2+$0x140]  }
0xe8: {  	v37 =	vbroadcast v62, $0x0;
	v56 =	vld [tilespmem:s2+$0xFFFFFF10]  }
0xe9: {  	v8 =	vadd.s32 v4, v36;
	v4 =	vld [tilespmem:$0x1FFC0]  }
0xea: {  	v10 =	vadd.s32 v3, v37;
	v3 =	vld [tilespmem:$0x1FF40];
	[tilespmem:v11+s30+$0x0] =	vst.idx.msk $0xffff, v52  }
0xeb: {  	v60 =	vadd.s32 v17, v45;
	v11 =	vld [tilespmem:s2+$0xFFFFFE50];
	[tilespmem:v51+s30+$0x0] =	vst.idx.msk $0xffff, v50  }
0xec: {  	v62 =	vadd.s32 v21, v46;
	v51 =	vadd.s32 v30, v61;
	[tilespmem:v53+s30+$0x0] =	vst.idx.msk $0xffff, v48;
	v61 =	vld [tilespmem:s2+$0xFFFFFE90]  }
0xed: {  	v50 =	vld [tilespmem:s2+$0x1F0];
	[tilespmem:v6+s30+$0x0] =	vst.idx.msk $0xffff, v63  }
0xee: {  	v63 =	vadd.s32 v25, v40;
	[tilespmem:v8+s30+$0x0] =	vst.idx.msk $0xffff, v7;
	v7 =	vld [tilespmem:s2+$0x50]  }
0xef: {  	v8 =	vadd.s32 v5, v38;
	[tilespmem:v10+s30+$0x0] =	vst.idx.msk $0xffff, v9;
	v9 =	vld [tilespmem:s2+$0xFFFFFF50]  }
0xf0: {  	v10 =	vadd.s32 v4, v41;
	[tilespmem:v60+s30+$0x0] =	vst.idx.msk $0xffff, v11;
	v11 =	vld [tilespmem:s2+$0xFFFFFF90]  }
0xf1: {  	v60 =	vadd.s32 v3, v39;
	v54 =	vld [tilespmem:s2+$0x190];
	[tilespmem:v62+s30+$0x0] =	vst.idx.msk $0xffff, v61  }
0xf2: {  	v61 =	vld [tilespmem:s2+$0xFFFFFFD0];
	v62 =	vadd.s32 v2, v42;
	[tilespmem:v51+s30+$0x0] =	vst.idx.msk $0xffff, v50  }
0xf3: {  	v6 =	vadd.s32 v13, v43;
	[tilespmem:v63+s30+$0x0] =	vst.idx.msk $0xffff, v49;
	v63 =	vld [tilespmem:s2+$0x10]  }
0xf4: {  	v2 =	vld [tilespmem:$0x1FF50];
	[tilespmem:v8+s30+$0x0] =	vst.idx.msk $0xffff, v56;
	v8 =	vadd.s32 v17, v44  }
0xf5: {  	[tilespmem:v10+s30+$0x0] =	vst.idx.msk $0xffff, v9;
	v9 =	vld [tilespmem:s2+$0x90];
	v10 =	vadd.s32 v21, v47  }
0xf6: {  	[tilespmem:v60+s30+$0x0] =	vst.idx.msk $0xffff, v11;
	v11 =	vld [tilespmem:s2+$0xD0];
	v60 =	vadd.s32 v25, v34  }
0xf7: {  	[tilespmem:v62+s30+$0x0] =	vst.idx.msk $0xffff, v61;
	v61 =	vld [tilespmem:s2+$0x110];
	v62 =	vadd.s32 v5, v35  }
0xf8: {  	v5 =	vadd.s32 v4, v36;
	[tilespmem:v6+s30+$0x0] =	vst.idx.msk $0xffff, v63;
	v63 =	vld [tilespmem:s2+$0x150]  }
0xf9: {  	[tilespmem:v8+s30+$0x0] =	vst.idx.msk $0xffff, v7;
	v6 =	vadd.s32 v3, v37;
	v3 =	vld [tilespmem:$0x1FFE0]  }
0xfa: {  	v7 =	vld [tilespmem:s2+$0xFFFFFE10];
	v8 =	vadd.s32 v13, v33;
	[tilespmem:v10+s30+$0x0] =	vst.idx.msk $0xffff, v9  }
0xfb: {  	v9 =	vld [tilespmem:s2+$0xFFFFFE60];
	v10 =	vadd.s32 v18, v45;
	[tilespmem:v60+s30+$0x0] =	vst.idx.msk $0xffff, v11  }
0xfc: {  	v11 =	vld [tilespmem:s2+$0xFFFFFEA0];
	v60 =	vadd.s32 v22, v46;
	[tilespmem:v62+s30+$0x0] =	vst.idx.msk $0xffff, v61  }
0xfd: {  	v61 =	vld [tilespmem:s2+$0xFFFFFEE0];
	v62 =	vadd.s32 v26, v40;
	[tilespmem:v5+s30+$0x0] =	vst.idx.msk $0xffff, v63  }
0xfe: {  	v63 =	vld [tilespmem:s2+$0xFFFFFF20];
	v4 =	vadd.s32 v3, v38;
	[tilespmem:v6+s30+$0x0] =	vst.idx.msk $0xffff, v54  }
0xff: {  	[tilespmem:v8+s30+$0x0] =	vst.idx.msk $0xffff, v7;
	v5 =	vld [tilespmem:s2+$0xFFFFFF60];
	v6 =	vadd.s32 v27, v41  }
0x100: {  	v7 =	vld [tilespmem:s2+$0xFFFFFFA0];
	v8 =	vadd.s32 v2, v39;
	[tilespmem:v10+s30+$0x0] =	vst.idx.msk $0xffff, v9  }
0x101: {  	v9 =	vld [tilespmem:s2+$0xFFFFFFE0];
	v10 =	vadd.s32 v0, v42;
	[tilespmem:v60+s30+$0x0] =	vst.idx.msk $0xffff, v11  }
0x102: {  	v59 =	vadd.s32 v2, v37;
	v49 =	vld [tilespmem:s2+$0x1A0];
	[tilespmem:v62+s30+$0x0] =	vst.idx.msk $0xffff, v61  }
0x103: {  	v11 =	vld [tilespmem:s2+$0x20];
	v60 =	vadd.s32 v14, v43;
	[tilespmem:v4+s30+$0x0] =	vst.idx.msk $0xffff, v63  }
0x104: {  	v2 =	vadd.s32 v19, v45;
	v54 =	vld [tilespmem:s2+$0xFFFFFE70];
	[tilespmem:v6+s30+$0x0] =	vst.idx.msk $0xffff, v5  }
0x105: {  	v61 =	vld [tilespmem:s2+$0x60];
	v62 =	vadd.s32 v18, v44;
	[tilespmem:v8+s30+$0x0] =	vst.idx.msk $0xffff, v7  }
0x106: {  	v4 =	vld [tilespmem:s2+$0xA0];
	v5 =	vadd.s32 v22, v47;
	[tilespmem:v10+s30+$0x0] =	vst.idx.msk $0xffff, v9  }
0x107: {  	s1 =	sadd.s32 $0x2, s28;
	v6 =	vld [tilespmem:s2+$0xE0];
	v7 =	vadd.s32 v26, v34;
	[tilespmem:v59+s30+$0x0] =	vst.idx.msk $0xffff, v49  }
0x108: {  	v55 =	vmov s1;
	v8 =	vld [tilespmem:s2+$0x120];
	v9 =	vadd.s32 v3, v35;
	[tilespmem:v60+s30+$0x0] =	vst.idx.msk $0xffff, v11  }
0x109: {  	v55 =	vshrl.u32 v55, $0x3;
	v63 =	vmov s28;
	v10 =	vld [tilespmem:s2+$0x160];
	v11 =	vadd.s32 v27, v36;
	[tilespmem:v2+s30+$0x0] =	vst.idx.msk $0xffff, v54  }
0x10a: {  	s31 =	sadd.s32 $0x3, s28;
	s1 =	sadd.s32 $0x4, s28;
	v40 =	vadd.s32 v29, v40;
	v60 =	vld [tilespmem:s2+$0xFFFFFE20];
	[tilespmem:v62+s30+$0x0] =	vst.idx.msk $0xffff, v61;
	v61 =	vshrl.u32 v63, $0x3;
	v63 =	vadd.s32 v14, v33  }
0x10b: {  	s0 =	sadd.s32 $0x1, s28;
	v0 =	vmov s31;
	s31 =	sadd.s32 $0x5, s28;
	v56 =	vld [tilespmem:s2+$0xFFFFFEB0];
	v3 =	vmov s1;
	[tilespmem:v5+s30+$0x0] =	vst.idx.msk $0xffff, v4;
	v5 =	vadd.s32 v23, v46  }
0x10c: {  	s1 =	sadd.s32 $0x6, s28;
	v62 =	vmov s0;
	[tilespmem:v7+s30+$0x0] =	vst.idx.msk $0xffff, v6;
	v4 =	vmov s31;
	v7 =	vld [tilespmem:s2+$0xFFFFFEF0];
	v54 =	vshll.u32 v61, v1  }
0x10d: {  	s31 =	sadd.s32 $0x7, s28;
	v6 =	vmov s1;
	s1 =	sadd.s32 $0x8, s28;
	v61 =	vadd.s32 v30, v42;
	[tilespmem:v9+s30+$0x0] =	vst.idx.msk $0xffff, v8;
	v8 =	vld [tilespmem:s2+$0xFFFFFF30];
	v9 =	vadd.s32 v31, v38  }
0x10e: {  	p1 =	slt.u32 s28, $0x70;
	v52 =	vmov s31;
	s31 =	sadd.s32 $0x9, s28;
	v53 =	vmov s1;
	s1 =	sadd.s32 $0xA, s28;
	[tilespmem:v11+s30+$0x0] =	vst.idx.msk $0xffff, v10;
	v10 =	vld [tilespmem:s2+$0xFFFFFF70];
	v11 =	vadd.s32 v32, v41  }
.Ltmp2:
0x10f: {  	v57 =	vld [tilespmem:s2+$0xFFFFFFB0];
	v38 =	vshrl.u32 v3, $0x3;
	v45 =	vmov s31;
	s31 =	sadd.s32 $0xB, s28;
	v46 =	vmov s1;
	s1 =	sadd.s32 $0xC, s28;
	[tilespmem:v63+s30+$0x0] =	vst.idx.msk $0xffff, v60;
	(pc) =	sbr.rel @p1 .LBB2_3-.Ltmp2, $4  }
0x110: {  	v58 =	vld [tilespmem:s2+$0xFFFFFFF0];
	v41 =	vshrl.u32 v4, $0x3;
	v50 =	vmov s31;
	s31 =	sadd.s32 $0xD, s28;
	v51 =	vmov s1;
	s1 =	sadd.s32 $0xE, s28;
	[tilespmem:v5+s30+$0x0] =	vst.idx.msk $0xffff, v56  }
0x111: {  	v59 =	vld [tilespmem:s2+$0x30];
	v48 =	vmov s31;
	v60 =	vadd.s32 v28, v39;
	v49 =	vmov s1;
	[tilespmem:v40+s30+$0x0] =	vst.idx.msk $0xffff, v7  }
0x112: {  	v42 =	vld [tilespmem:s2+$0x70];
	v63 =	vadd.s32 v19, v44;
	v39 =	vshrl.u32 v6, $0x3;
	v44 =	vadd.s32 v23, v47;
	[tilespmem:v9+s30+$0x0] =	vst.idx.msk $0xffff, v8  }
0x113: {  	s31 =	sadd.s32 $0xF, s28;
	s28 =	sadd.s32 $0x10, s28;
	v56 =	vshrl.u32 v62, $0x3;
	v62 =	vadd.s32 v15, v43;
	v40 =	vshrl.u32 v0, $0x3;
	v43 =	vld [tilespmem:s2+$0xB0];
	[tilespmem:v11+s30+$0x0] =	vst.idx.msk $0xffff, v10  }
0x114: {  	_ =	sdelay $0x3  }
0x115: {  	[tilespmem:v60+s30+$0x0] =	vst.idx.msk $0xffff, v57  }
0x116: {  	[tilespmem:v61+s30+$0x0] =	vst.idx.msk $0xffff, v58  }
0x117: {  	[tilespmem:v62+s30+$0x0] =	vst.idx.msk $0xffff, v59  }
0x118: {  	v3 =	vld [tilespmem:s2+$0xF0];
	[tilespmem:v63+s30+$0x0] =	vst.idx.msk $0xffff, v42  }
0x119: {  	v0 =	vshrl.u32 v52, $0x3;
	v4 =	vadd.s32 v29, v34;
	v6 =	vld [tilespmem:s2+$0x130];
	[tilespmem:v44+s30+$0x0] =	vst.idx.msk $0xffff, v43  }
0x11a: {  	v2 =	vmov s31;
	v7 =	vadd.s32 v31, v35;
	v8 =	vshrl.u32 v45, $0x3;
	v58 =	vld [tilespmem:$0x1FFA0]  }
0x11b: {  	v9 =	vld [tilespmem:s2+$0x170];
	v10 =	vadd.s32 v32, v36;
	v11 =	vshrl.u32 v46, $0x3;
	v2 =	vshrl.u32 v2, $0x3  }
0x11c: {  	v34 =	vbroadcast v54, $0x0;
	v46 =	vld [tilespmem:s2+$0xFFFFFE30];
	v47 =	vadd.s32 v15, v33;
	v2 =	vshll.u32 v2, v1  }
0x11d: {  	v45 =	vadd.s32 v28, v37;
	v52 =	vshll.u32 v56, v1;
	s28 =	sadd.s32 $0x400, s2;
	v2 =	vbroadcast v2, $0x0;
	v42 =	vld [tilespmem:s2+$0x1B0]  }
0x11e: {  	v33 =	vbroadcast v52, $0x0;
	v60 =	vadd.s32 v12, v34;
	[tilespmem:v4+s30+$0x0] =	vst.idx.msk $0xffff, v3;
	v3 =	vld [tilespmem:s28+$0xFFFFFE00]  }
0x11f: {  	v54 =	vld [tilespmem:s28+$0x1C0];
	[tilespmem:v7+s30+$0x0] =	vst.idx.msk $0xffff, v6;
	v59 =	vadd.s32 v58, v2  }
0x120: {  	v62 =	vld [tilespmem:s28+$0xFFFFFE40];
	v63 =	vadd.s32 v16, v33;
	[tilespmem:v10+s30+$0x0] =	vst.idx.msk $0xffff, v9  }
0x121: {  	[tilespmem:v47+s30+$0x0] =	vst.idx.msk $0xffff, v46  }
0x122: {  	v5 =	vshrl.u32 v53, $0x3;
	v53 =	vshll.u32 v55, v1;
	[tilespmem:v45+s30+$0x0] =	vst.idx.msk $0xffff, v42  }
0x123: {  	v35 =	vbroadcast v53, $0x0;
	v30 =	vld [tilespmem:$0x1FFD0];
	[tilespmem:v60+s30+$0x0] =	vst.idx.msk $0xffff, v3  }
0x124: {  	v55 =	vshll.u32 v38, v1;
	v56 =	vshll.u32 v41, v1;
	v9 =	vld [tilespmem:s28+$0xFFFFFE80];
	[tilespmem:v59+s30+$0x0] =	vst.idx.msk $0xffff, v54  }
0x125: {  	v61 =	vshll.u32 v40, v1;
	v38 =	vbroadcast v56, $0x0;
	v10 =	vadd.s32 v20, v35;
	v56 =	vld [tilespmem:$0x1FF70];
	[tilespmem:v63+s30+$0x0] =	vst.idx.msk $0xffff, v62  }
0x126: {  	v36 =	vbroadcast v61, $0x0;
	v63 =	vld [tilespmem:$0x1FFB0]  }
0x127: {  	v37 =	vbroadcast v55, $0x0;
	v57 =	vld [tilespmem:s28+$0xFFFFFF40]  }
0x128: {  	v42 =	vld [tilespmem:s28+$0xFFFFFEC0];
	v45 =	vadd.s32 v24, v36  }
0x129: {  	v46 =	vld [tilespmem:s28+$0xFFFFFF00];
	v47 =	vadd.s32 v30, v37  }
0x12a: {  	v3 =	vld [tilespmem:s28+$0x1D0];
	[tilespmem:v10+s30+$0x0] =	vst.idx.msk $0xffff, v9;
	v4 =	vadd.s32 v56, v2  }
0x12b: {  	v54 =	vld [tilespmem:$0x1FF30];
	v60 =	vadd.s32 v63, v38;
	_ =	sdelay $0x1  }
0x12c: {  	v39 =	vshll.u32 v39, v1;
	[tilespmem:v45+s30+$0x0] =	vst.idx.msk $0xffff, v42  }
0x12d: {  	v39 =	vbroadcast v39, $0x0;
	v0 =	vshll.u32 v0, v1;
	[tilespmem:v47+s30+$0x0] =	vst.idx.msk $0xffff, v46  }
0x12e: {  	v50 =	vshrl.u32 v50, $0x3;
	v40 =	vbroadcast v0, $0x0;
	v0 =	vshll.u32 v5, v1;
	[tilespmem:v4+s30+$0x0] =	vst.idx.msk $0xffff, v3  }
0x12f: {  	v61 =	vld [tilespmem:s28+$0xFFFFFF80];
	v59 =	vshll.u32 v50, v1;
	v62 =	vadd.s32 v54, v39;
	[tilespmem:v60+s30+$0x0] =	vst.idx.msk $0xffff, v57  }
0x130: {  	v41 =	vbroadcast v0, $0x0;
	v0 =	vshll.u32 v8, v1;
	v44 =	vbroadcast v59, $0x0;
	v59 =	vld [tilespmem:$0x1FF80]  }
0x131: {  	v11 =	vshll.u32 v11, v1;
	v8 =	vld [tilespmem:s28+$0xFFFFFFC0];
	v10 =	vadd.s32 v58, v40;
	v42 =	vbroadcast v0, $0x0  }
0x132: {  	v43 =	vbroadcast v11, $0x0;
	v0 =	vshrl.u32 v48, $0x3;
	v48 =	vadd.s32 v12, v41;
	v47 =	vld [tilespmem:s28+$0x0]  }
0x133: {  	v52 =	vld [tilespmem:s28+$0x40];
	v53 =	vadd.s32 v16, v42  }
0x134: {  	[tilespmem:v62+s30+$0x0] =	vst.idx.msk $0xffff, v61;
	v61 =	vld [tilespmem:s28+$0x80];
	v62 =	vadd.s32 v20, v43  }
0x135: {  	v4 =	vld [tilespmem:s28+$0x1E0];
	v60 =	vadd.s32 v59, v2  }
0x136: {  	[tilespmem:v10+s30+$0x0] =	vst.idx.msk $0xffff, v8  }
0x137: {  	v51 =	vshrl.u32 v51, $0x3;
	[tilespmem:v48+s30+$0x0] =	vst.idx.msk $0xffff, v47  }
0x138: {  	v3 =	vshll.u32 v51, v1;
	[tilespmem:v53+s30+$0x0] =	vst.idx.msk $0xffff, v52  }
0x139: {  	v9 =	vld [tilespmem:s28+$0x100];
	v0 =	vshll.u32 v0, v1;
	v45 =	vbroadcast v3, $0x0;
	[tilespmem:v62+s30+$0x0] =	vst.idx.msk $0xffff, v61  }
0x13a: {  	v49 =	vshrl.u32 v49, $0x3;
	v46 =	vbroadcast v0, $0x0;
	v3 =	vld [tilespmem:s28+$0xC0];
	v8 =	vadd.s32 v24, v44;
	[tilespmem:v60+s30+$0x0] =	vst.idx.msk $0xffff, v4  }
0x13b: {  	v0 =	vshll.u32 v49, v1;
	v10 =	vadd.s32 v30, v45;
	v61 =	vld [tilespmem:$0x1FF90]  }
0x13c: {  	v47 =	vbroadcast v0, $0x0;
	v0 =	vld [tilespmem:s28+$0x140];
	v53 =	vadd.s32 v63, v46;
	_ =	sdelay $0x1  }
0x13d: {  	v55 =	vld [tilespmem:s28+$0x180];
	v57 =	vadd.s32 v54, v47  }
0x13e: {  	v6 =	vadd.s32 v17, v33;
	v5 =	vld [tilespmem:s28+$0xFFFFFE50];
	[tilespmem:v8+s30+$0x0] =	vst.idx.msk $0xffff, v3  }
0x13f: {  	v4 =	vld [tilespmem:s28+$0x1F0];
	[tilespmem:v10+s30+$0x0] =	vst.idx.msk $0xffff, v9;
	v2 =	vadd.s32 v61, v2  }
0x140: {  	[tilespmem:v53+s30+$0x0] =	vst.idx.msk $0xffff, v0  }
0x141: {  	v51 =	vld [tilespmem:$0x1FFF0]  }
0x142: {  	v3 =	vld [tilespmem:s28+$0xFFFFFE90];
	[tilespmem:v57+s30+$0x0] =	vst.idx.msk $0xffff, v55  }
0x143: {  	v62 =	vld [tilespmem:$0x1FFC0];
	[tilespmem:v6+s30+$0x0] =	vst.idx.msk $0xffff, v5  }
0x144: {  	v7 =	vadd.s32 v21, v35;
	v8 =	vld [tilespmem:s28+$0xFFFFFED0];
	[tilespmem:v2+s30+$0x0] =	vst.idx.msk $0xffff, v4  }
0x145: {  	v9 =	vadd.s32 v25, v36;
	v49 =	vld [tilespmem:$0x1FF40]  }
0x146: {  	v0 =	vld [tilespmem:s28+$0xFFFFFF10];
	v53 =	vadd.s32 v51, v37  }
0x147: {  	v52 =	vadd.s32 v13, v41;
	v50 =	vld [tilespmem:s28+$0x10]  }
0x148: {  	v55 =	vld [tilespmem:s28+$0xFFFFFF50];
	v57 =	vadd.s32 v62, v38  }
0x149: {  	v5 =	vadd.s32 v56, v40;
	[tilespmem:v7+s30+$0x0] =	vst.idx.msk $0xffff, v3;
	v3 =	vld [tilespmem:s28+$0xFFFFFFD0]  }
0x14a: {  	v2 =	vld [tilespmem:s28+$0xFFFFFF90];
	[tilespmem:v9+s30+$0x0] =	vst.idx.msk $0xffff, v8;
	v60 =	vadd.s32 v49, v39  }
0x14b: {  	[tilespmem:v53+s30+$0x0] =	vst.idx.msk $0xffff, v0;
	v0 =	vld [tilespmem:s28+$0x50];
	v53 =	vadd.s32 v17, v42  }
0x14c: {  	v6 =	vld [tilespmem:s28+$0x150];
	[tilespmem:v52+s30+$0x0] =	vst.idx.msk $0xffff, v50;
	v7 =	vadd.s32 v62, v46  }
0x14d: {  	[tilespmem:v57+s30+$0x0] =	vst.idx.msk $0xffff, v55;
	v55 =	vld [tilespmem:s28+$0x90];
	v57 =	vadd.s32 v21, v43  }
0x14e: {  	[tilespmem:v5+s30+$0x0] =	vst.idx.msk $0xffff, v3;
	v3 =	vld [tilespmem:s28+$0x110];
	v5 =	vadd.s32 v51, v45  }
0x14f: {  	[tilespmem:v60+s30+$0x0] =	vst.idx.msk $0xffff, v2;
	v2 =	vld [tilespmem:s28+$0xD0];
	v60 =	vadd.s32 v25, v44  }
0x150: {  	[tilespmem:v53+s30+$0x0] =	vst.idx.msk $0xffff, v0;
	v0 =	vld [tilespmem:s28+$0x190];
	v8 =	vadd.s32 v49, v47  }
0x151: {  	v52 =	vld [tilespmem:s28+$0xFFFFFE10];
	v53 =	vadd.s32 v13, v34;
	[tilespmem:v7+s30+$0x0] =	vst.idx.msk $0xffff, v6  }
0x152: {  	[tilespmem:v57+s30+$0x0] =	vst.idx.msk $0xffff, v55;
	v55 =	vld [tilespmem:s28+$0xFFFFFE60];
	v57 =	vadd.s32 v18, v33  }
0x153: {  	[tilespmem:v5+s30+$0x0] =	vst.idx.msk $0xffff, v3;
	v3 =	vld [tilespmem:s28+$0xFFFFFEE0]  }
0x154: {  	v5 =	vadd.s32 v26, v36;
	[tilespmem:v60+s30+$0x0] =	vst.idx.msk $0xffff, v2;
	v2 =	vld [tilespmem:s28+$0xFFFFFEA0]  }
0x155: {  	v60 =	vadd.s32 v22, v35;
	v50 =	vld [tilespmem:$0x1FFE0];
	[tilespmem:v8+s30+$0x0] =	vst.idx.msk $0xffff, v0  }
0x156: {  	[tilespmem:v53+s30+$0x0] =	vst.idx.msk $0xffff, v52  }
0x157: {  	v0 =	vld [tilespmem:s28+$0xFFFFFF60];
	v8 =	vadd.s32 v27, v38;
	[tilespmem:v57+s30+$0x0] =	vst.idx.msk $0xffff, v55  }
0x158: {  	v55 =	vld [tilespmem:$0x1FF50]  }
0x159: {  	[tilespmem:v5+s30+$0x0] =	vst.idx.msk $0xffff, v3;
	v3 =	vld [tilespmem:s28+$0x20];
	v5 =	vadd.s32 v14, v41  }
0x15a: {  	[tilespmem:v60+s30+$0x0] =	vst.idx.msk $0xffff, v2;
	v2 =	vld [tilespmem:s28+$0xFFFFFFE0];
	v60 =	vadd.s32 v59, v40  }
0x15b: {  	v6 =	vld [tilespmem:s28+$0xFFFFFF20];
	v7 =	vadd.s32 v50, v37  }
0x15c: {  	v52 =	vadd.s32 v22, v43;
	[tilespmem:v8+s30+$0x0] =	vst.idx.msk $0xffff, v0;
	v0 =	vld [tilespmem:s28+$0xA0]  }
0x15d: {  	v9 =	vld [tilespmem:s28+$0xFFFFFFA0];
	v57 =	vadd.s32 v55, v39  }
0x15e: {  	[tilespmem:v5+s30+$0x0] =	vst.idx.msk $0xffff, v3;
	v3 =	vld [tilespmem:s28+$0x160];
	v5 =	vadd.s32 v27, v46  }
0x15f: {  	[tilespmem:v60+s30+$0x0] =	vst.idx.msk $0xffff, v2;
	v2 =	vld [tilespmem:s28+$0x120];
	v60 =	vadd.s32 v50, v45  }
0x160: {  	v48 =	vadd.s32 v18, v42;
	[tilespmem:v7+s30+$0x0] =	vst.idx.msk $0xffff, v6;
	v6 =	vld [tilespmem:s28+$0x60]  }
0x161: {  	v43 =	vadd.s32 v23, v43;
	[tilespmem:v52+s30+$0x0] =	vst.idx.msk $0xffff, v0;
	v0 =	vld [tilespmem:s28+$0xFFFFFE70];
	v52 =	vadd.s32 v19, v33  }
0x162: {  	v53 =	vld [tilespmem:s28+$0xE0];
	v33 =	vadd.s32 v31, v37;
	[tilespmem:v57+s30+$0x0] =	vst.idx.msk $0xffff, v9;
	v57 =	vadd.s32 v26, v44  }
0x163: {  	v37 =	vadd.s32 v28, v39;
	v39 =	vadd.s32 v61, v40;
	[tilespmem:v5+s30+$0x0] =	vst.idx.msk $0xffff, v3;
	v3 =	vld [tilespmem:s28+$0xFFFFFF30]  }
0x164: {  	v40 =	vadd.s32 v15, v41;
	v41 =	vadd.s32 v19, v42;
	v42 =	vld [tilespmem:s28+$0xB0];
	[tilespmem:v60+s30+$0x0] =	vst.idx.msk $0xffff, v2  }
0x165: {  	v2 =	vld [tilespmem:s28+$0xFFFFFEF0];
	v60 =	vadd.s32 v29, v36;
	[tilespmem:v48+s30+$0x0] =	vst.idx.msk $0xffff, v6  }
0x166: {  	v36 =	vadd.s32 v32, v38;
	v38 =	vld [tilespmem:s28+$0xFFFFFFF0];
	[tilespmem:v52+s30+$0x0] =	vst.idx.msk $0xffff, v0  }
0x167: {  	v7 =	vadd.s32 v55, v47;
	v6 =	vld [tilespmem:s28+$0x1A0];
	[tilespmem:v57+s30+$0x0] =	vst.idx.msk $0xffff, v53  }
0x168: {  	v11 =	vld [tilespmem:s28+$0xFFFFFE20];
	v48 =	vadd.s32 v14, v34;
	[tilespmem:v33+s30+$0x0] =	vst.idx.msk $0xffff, v3  }
0x169: {  	v0 =	vld [tilespmem:s28+$0xFFFFFFB0];
	[tilespmem:v43+s30+$0x0] =	vst.idx.msk $0xffff, v42  }
0x16a: {  	v53 =	vld [tilespmem:s28+$0xFFFFFEB0];
	v57 =	vadd.s32 v23, v35;
	[tilespmem:v60+s30+$0x0] =	vst.idx.msk $0xffff, v2  }
0x16b: {  	v3 =	vld [tilespmem:s28+$0x70];
	[tilespmem:v39+s30+$0x0] =	vst.idx.msk $0xffff, v38  }
0x16c: {  	v35 =	vld [tilespmem:s28+$0xFFFFFF70];
	[tilespmem:v7+s30+$0x0] =	vst.idx.msk $0xffff, v6  }
0x16d: {  	v2 =	vld [tilespmem:s28+$0x30];
	[tilespmem:v48+s30+$0x0] =	vst.idx.msk $0xffff, v11  }
0x16e: {  	v44 =	vadd.s32 v29, v44;
	[tilespmem:v37+s30+$0x0] =	vst.idx.msk $0xffff, v0;
	v0 =	vld [tilespmem:s28+$0xF0]  }
0x16f: {  	v52 =	vadd.s32 v31, v45;
	v48 =	vld [tilespmem:s28+$0x130];
	[tilespmem:v57+s30+$0x0] =	vst.idx.msk $0xffff, v53  }
0x170: {  	[tilespmem:v41+s30+$0x0] =	vst.idx.msk $0xffff, v3;
	v3 =	vld [tilespmem:s28+$0x1B0];
	v57 =	vadd.s32 v28, v47  }
0x171: {  	v60 =	vadd.s32 v15, v34;
	[tilespmem:v36+s30+$0x0] =	vst.idx.msk $0xffff, v35;
	v11 =	vld [tilespmem:s28+$0xFFFFFE30]  }
0x172: {  	v53 =	vadd.s32 v32, v46;
	[tilespmem:v40+s30+$0x0] =	vst.idx.msk $0xffff, v2;
	v2 =	vld [tilespmem:s28+$0x170]  }
0x173: {  	[tilespmem:v44+s30+$0x0] =	vst.idx.msk $0xffff, v0  }
0x174: {  	[tilespmem:v52+s30+$0x0] =	vst.idx.msk $0xffff, v48  }
0x175: {  	s0 =	sshll.u32 s25, $0x10;
	[tilespmem:v57+s30+$0x0] =	vst.idx.msk $0xffff, v3  }
0x176: {  	s31 =	rddreg [dreg:$0x1];
	s2 =	sor.u32 s6, s0;
	[tilespmem:v60+s30+$0x0] =	vst.idx.msk $0xffff, v11  }
0x177: {  	s0 =	sadd.s32 s31, s2;
	[tilespmem:v53+s30+$0x0] =	vst.idx.msk $0xffff, v2  }
0x178: {  	[hbm4b:s0+s3] =	stream.linear.scatter [tilespmem:s30], [sflag:$0x3], $0x80, $0x38;
	[tilespmem:$0xE800] =	vst v63  }
0x179: {  	s1 =	simm.s32 $0xA488;
	s28 =	sadd.s32 $0x10, s0  }
0x17a: {  	[hbm4b:s28+s3] =	stream.linear.scatter [tilespmem:s1], [sflag:$0x3], $0x80, $0x38;
	[tilespmem:$0xE800] =	vst v63  }
0x17b: {  	s31 =	simm.s32 $0xA510;
	s1 =	sadd.s32 $0x20, s0  }
0x17c: {  	[hbm4b:s1+s3] =	stream.linear.scatter [tilespmem:s31], [sflag:$0x3], $0x80, $0x38;
	[tilespmem:$0xE800] =	vst v63  }
0x17d: {  	s1 =	sadd.s32 $0x30, s0;
	s31 =	simm.s32 $0xA598  }
0x17e: {  	[hbm4b:s1+s3] =	stream.linear.scatter [tilespmem:s31], [sflag:$0x3], $0x80, $0x38;
	[tilespmem:$0xE800] =	vst v63  }
0x17f: {  	s1 =	sadd.s32 $0x40, s0;
	s31 =	simm.s32 $0xA620  }
0x180: {  	[hbm4b:s1+s3] =	stream.linear.scatter [tilespmem:s31], [sflag:$0x3], $0x80, $0x38;
	[tilespmem:$0xE800] =	vst v63  }
0x181: {  	s1 =	sadd.s32 $0x50, s0;
	s31 =	simm.s32 $0xA6A8  }
0x182: {  	[hbm4b:s1+s3] =	stream.linear.scatter [tilespmem:s31], [sflag:$0x3], $0x80, $0x38;
	[tilespmem:$0xE800] =	vst v63  }
0x183: {  	s1 =	sadd.s32 $0x60, s0;
	s31 =	simm.s32 $0xA730  }
0x184: {  	[hbm4b:s1+s3] =	stream.linear.scatter [tilespmem:s31], [sflag:$0x3], $0x80, $0x38;
	[tilespmem:$0xE800] =	vst v63  }
0x185: {  	s28 =	simm.s32 $0xA7B8;
	s0 =	sadd.s32 $0x70, s0  }
0x186: {  	[hbm4b:s0+s3] =	stream.linear.scatter [tilespmem:s28], [sflag:$0x3], $0x80, $0x38;
	[tilespmem:$0xE800] =	vst v63  }
0x187: {  	s31 =	simm.s32 $0xA840;
	s0 =	sadd.s32 s2, s7  }
0x188: {  	[hbm4b:s0+s3] =	stream.linear.scatter [tilespmem:s31], [sflag:$0x3], $0x80, $0x38;
	[tilespmem:$0xE800] =	vst v63  }
0x189: {  	s1 =	sadd.s32 $0x10, s0;
	s31 =	simm.s32 $0xA8C8  }
0x18a: {  	[hbm4b:s1+s3] =	stream.linear.scatter [tilespmem:s31], [sflag:$0x3], $0x80, $0x38;
	[tilespmem:$0xE800] =	vst v63  }
0x18b: {  	s1 =	sadd.s32 $0x20, s0;
	s31 =	simm.s32 $0xA950  }
0x18c: {  	[hbm4b:s1+s3] =	stream.linear.scatter [tilespmem:s31], [sflag:$0x3], $0x80, $0x38;
	[tilespmem:$0xE800] =	vst v63  }
0x18d: {  	s1 =	sadd.s32 $0x30, s0;
	s31 =	simm.s32 $0xA9D8  }
0x18e: {  	[hbm4b:s1+s3] =	stream.linear.scatter [tilespmem:s31], [sflag:$0x3], $0x80, $0x38;
	[tilespmem:$0xE800] =	vst v63  }
0x18f: {  	s1 =	sadd.s32 $0x40, s0;
	s31 =	simm.s32 $0xAA60  }
0x190: {  	[hbm4b:s1+s3] =	stream.linear.scatter [tilespmem:s31], [sflag:$0x3], $0x80, $0x38;
	[tilespmem:$0xE800] =	vst v63  }
0x191: {  	s1 =	sadd.s32 $0x50, s0;
	s31 =	simm.s32 $0xAAE8  }
0x192: {  	[hbm4b:s1+s3] =	stream.linear.scatter [tilespmem:s31], [sflag:$0x3], $0x80, $0x38;
	[tilespmem:$0xE800] =	vst v63  }
0x193: {  	s1 =	sadd.s32 $0x60, s0;
	s31 =	simm.s32 $0xAB70  }
0x194: {  	[hbm4b:s1+s3] =	stream.linear.scatter [tilespmem:s31], [sflag:$0x3], $0x80, $0x38;
	[tilespmem:$0xE800] =	vst v63  }
0x195: {  	s28 =	simm.s32 $0xABF8;
	s0 =	sadd.s32 $0x70, s0  }
0x196: {  	[hbm4b:s0+s3] =	stream.linear.scatter [tilespmem:s28], [sflag:$0x3], $0x80, $0x38;
	[tilespmem:$0xE800] =	vst v63  }
0x197: {  	s31 =	simm.s32 $0xAC80;
	s0 =	sadd.s32 s2, s8  }
0x198: {  	[hbm4b:s0+s3] =	stream.linear.scatter [tilespmem:s31], [sflag:$0x3], $0x80, $0x38;
	[tilespmem:$0xE800] =	vst v63  }
0x199: {  	s1 =	sadd.s32 $0x10, s0;
	s31 =	simm.s32 $0xAD08  }
0x19a: {  	[hbm4b:s1+s3] =	stream.linear.scatter [tilespmem:s31], [sflag:$0x3], $0x80, $0x38;
	[tilespmem:$0xE800] =	vst v63  }
0x19b: {  	s1 =	sadd.s32 $0x20, s0;
	s31 =	simm.s32 $0xAD90  }
0x19c: {  	[hbm4b:s1+s3] =	stream.linear.scatter [tilespmem:s31], [sflag:$0x3], $0x80, $0x38;
	[tilespmem:$0xE800] =	vst v63  }
0x19d: {  	s1 =	sadd.s32 $0x30, s0;
	s31 =	simm.s32 $0xAE18  }
0x19e: {  	[hbm4b:s1+s3] =	stream.linear.scatter [tilespmem:s31], [sflag:$0x3], $0x80, $0x38;
	[tilespmem:$0xE800] =	vst v63  }
0x19f: {  	s1 =	sadd.s32 $0x40, s0;
	s31 =	simm.s32 $0xAEA0  }
0x1a0: {  	[hbm4b:s1+s3] =	stream.linear.scatter [tilespmem:s31], [sflag:$0x3], $0x80, $0x38;
	[tilespmem:$0xE800] =	vst v63  }
0x1a1: {  	s1 =	sadd.s32 $0x50, s0;
	s31 =	simm.s32 $0xAF28  }
0x1a2: {  	[hbm4b:s1+s3] =	stream.linear.scatter [tilespmem:s31], [sflag:$0x3], $0x80, $0x38;
	[tilespmem:$0xE800] =	vst v63  }
0x1a3: {  	s1 =	sadd.s32 $0x60, s0;
	s31 =	simm.s32 $0xAFB0  }
0x1a4: {  	[hbm4b:s1+s3] =	stream.linear.scatter [tilespmem:s31], [sflag:$0x3], $0x80, $0x38;
	[tilespmem:$0xE800] =	vst v63  }
0x1a5: {  	s28 =	simm.s32 $0xB038;
	s0 =	sadd.s32 $0x70, s0  }
0x1a6: {  	[hbm4b:s0+s3] =	stream.linear.scatter [tilespmem:s28], [sflag:$0x3], $0x80, $0x38;
	[tilespmem:$0xE800] =	vst v63  }
0x1a7: {  	s31 =	simm.s32 $0xB0C0;
	s0 =	sadd.s32 s2, s9  }
0x1a8: {  	[hbm4b:s0+s3] =	stream.linear.scatter [tilespmem:s31], [sflag:$0x3], $0x80, $0x38;
	[tilespmem:$0xE800] =	vst v63  }
0x1a9: {  	s1 =	sadd.s32 $0x10, s0;
	s31 =	simm.s32 $0xB148  }
0x1aa: {  	[hbm4b:s1+s3] =	stream.linear.scatter [tilespmem:s31], [sflag:$0x3], $0x80, $0x38;
	[tilespmem:$0xE800] =	vst v63  }
0x1ab: {  	s1 =	sadd.s32 $0x20, s0;
	s31 =	simm.s32 $0xB1D0  }
0x1ac: {  	[hbm4b:s1+s3] =	stream.linear.scatter [tilespmem:s31], [sflag:$0x3], $0x80, $0x38;
	[tilespmem:$0xE800] =	vst v63  }
0x1ad: {  	s1 =	sadd.s32 $0x30, s0;
	s31 =	simm.s32 $0xB258  }
0x1ae: {  	[hbm4b:s1+s3] =	stream.linear.scatter [tilespmem:s31], [sflag:$0x3], $0x80, $0x38;
	[tilespmem:$0xE800] =	vst v63  }
0x1af: {  	s1 =	sadd.s32 $0x40, s0;
	s31 =	simm.s32 $0xB2E0  }
0x1b0: {  	[hbm4b:s1+s3] =	stream.linear.scatter [tilespmem:s31], [sflag:$0x3], $0x80, $0x38;
	[tilespmem:$0xE800] =	vst v63  }
0x1b1: {  	s1 =	sadd.s32 $0x50, s0;
	s31 =	simm.s32 $0xB368  }
0x1b2: {  	[hbm4b:s1+s3] =	stream.linear.scatter [tilespmem:s31], [sflag:$0x3], $0x80, $0x38;
	[tilespmem:$0xE800] =	vst v63  }
0x1b3: {  	s1 =	sadd.s32 $0x60, s0;
	s31 =	simm.s32 $0xB3F0  }
0x1b4: {  	[hbm4b:s1+s3] =	stream.linear.scatter [tilespmem:s31], [sflag:$0x3], $0x80, $0x38;
	[tilespmem:$0xE800] =	vst v63  }
0x1b5: {  	s28 =	simm.s32 $0xB478;
	s0 =	sadd.s32 $0x70, s0  }
0x1b6: {  	[hbm4b:s0+s3] =	stream.linear.scatter [tilespmem:s28], [sflag:$0x3], $0x80, $0x38;
	[tilespmem:$0xE800] =	vst v63  }
0x1b7: {  	s31 =	simm.s32 $0xB500;
	s0 =	sadd.s32 s2, s10  }
0x1b8: {  	[hbm4b:s0+s3] =	stream.linear.scatter [tilespmem:s31], [sflag:$0x3], $0x80, $0x38;
	[tilespmem:$0xE800] =	vst v63  }
0x1b9: {  	s1 =	sadd.s32 $0x10, s0;
	s31 =	simm.s32 $0xB588  }
0x1ba: {  	[hbm4b:s1+s3] =	stream.linear.scatter [tilespmem:s31], [sflag:$0x3], $0x80, $0x38;
	[tilespmem:$0xE800] =	vst v63  }
0x1bb: {  	s1 =	sadd.s32 $0x20, s0;
	s31 =	simm.s32 $0xB610  }
0x1bc: {  	[hbm4b:s1+s3] =	stream.linear.scatter [tilespmem:s31], [sflag:$0x3], $0x80, $0x38;
	[tilespmem:$0xE800] =	vst v63  }
0x1bd: {  	s1 =	sadd.s32 $0x30, s0;
	s31 =	simm.s32 $0xB698  }
0x1be: {  	[hbm4b:s1+s3] =	stream.linear.scatter [tilespmem:s31], [sflag:$0x3], $0x80, $0x38;
	[tilespmem:$0xE800] =	vst v63  }
0x1bf: {  	s1 =	sadd.s32 $0x40, s0;
	s31 =	simm.s32 $0xB720  }
0x1c0: {  	[hbm4b:s1+s3] =	stream.linear.scatter [tilespmem:s31], [sflag:$0x3], $0x80, $0x38;
	[tilespmem:$0xE800] =	vst v63  }
0x1c1: {  	s1 =	sadd.s32 $0x50, s0;
	s31 =	simm.s32 $0xB7A8  }
0x1c2: {  	[hbm4b:s1+s3] =	stream.linear.scatter [tilespmem:s31], [sflag:$0x3], $0x80, $0x38;
	[tilespmem:$0xE800] =	vst v63  }
0x1c3: {  	s1 =	sadd.s32 $0x60, s0;
	s31 =	simm.s32 $0xB830  }
0x1c4: {  	[hbm4b:s1+s3] =	stream.linear.scatter [tilespmem:s31], [sflag:$0x3], $0x80, $0x38;
	[tilespmem:$0xE800] =	vst v63  }
0x1c5: {  	s28 =	simm.s32 $0xB8B8;
	s0 =	sadd.s32 $0x70, s0  }
0x1c6: {  	[hbm4b:s0+s3] =	stream.linear.scatter [tilespmem:s28], [sflag:$0x3], $0x80, $0x38;
	[tilespmem:$0xE800] =	vst v63  }
0x1c7: {  	s31 =	simm.s32 $0xB940;
	s0 =	sadd.s32 s2, s11  }
0x1c8: {  	[hbm4b:s0+s3] =	stream.linear.scatter [tilespmem:s31], [sflag:$0x3], $0x80, $0x38;
	[tilespmem:$0xE800] =	vst v63  }
0x1c9: {  	s1 =	sadd.s32 $0x10, s0;
	s31 =	simm.s32 $0xB9C8  }
0x1ca: {  	[hbm4b:s1+s3] =	stream.linear.scatter [tilespmem:s31], [sflag:$0x3], $0x80, $0x38;
	[tilespmem:$0xE800] =	vst v63  }
0x1cb: {  	s1 =	sadd.s32 $0x20, s0;
	s31 =	simm.s32 $0xBA50  }
0x1cc: {  	[hbm4b:s1+s3] =	stream.linear.scatter [tilespmem:s31], [sflag:$0x3], $0x80, $0x38;
	[tilespmem:$0xE800] =	vst v63  }
0x1cd: {  	s1 =	sadd.s32 $0x30, s0;
	s31 =	simm.s32 $0xBAD8  }
0x1ce: {  	[hbm4b:s1+s3] =	stream.linear.scatter [tilespmem:s31], [sflag:$0x3], $0x80, $0x38;
	[tilespmem:$0xE800] =	vst v63  }
0x1cf: {  	s1 =	sadd.s32 $0x40, s0;
	s31 =	simm.s32 $0xBB60  }
0x1d0: {  	[hbm4b:s1+s3] =	stream.linear.scatter [tilespmem:s31], [sflag:$0x3], $0x80, $0x38;
	[tilespmem:$0xE800] =	vst v63  }
0x1d1: {  	s1 =	sadd.s32 $0x50, s0;
	s31 =	simm.s32 $0xBBE8  }
0x1d2: {  	[hbm4b:s1+s3] =	stream.linear.scatter [tilespmem:s31], [sflag:$0x3], $0x80, $0x38;
	[tilespmem:$0xE800] =	vst v63  }
0x1d3: {  	s1 =	sadd.s32 $0x60, s0;
	s31 =	simm.s32 $0xBC70  }
0x1d4: {  	[hbm4b:s1+s3] =	stream.linear.scatter [tilespmem:s31], [sflag:$0x3], $0x80, $0x38;
	[tilespmem:$0xE800] =	vst v63  }
0x1d5: {  	s28 =	simm.s32 $0xBCF8;
	s0 =	sadd.s32 $0x70, s0  }
0x1d6: {  	[hbm4b:s0+s3] =	stream.linear.scatter [tilespmem:s28], [sflag:$0x3], $0x80, $0x38;
	[tilespmem:$0xE800] =	vst v63  }
0x1d7: {  	s31 =	simm.s32 $0xBD80;
	s0 =	sadd.s32 s2, s12  }
0x1d8: {  	[hbm4b:s0+s3] =	stream.linear.scatter [tilespmem:s31], [sflag:$0x3], $0x80, $0x38;
	[tilespmem:$0xE800] =	vst v63  }
0x1d9: {  	s1 =	sadd.s32 $0x10, s0;
	s31 =	simm.s32 $0xBE08  }
0x1da: {  	[hbm4b:s1+s3] =	stream.linear.scatter [tilespmem:s31], [sflag:$0x3], $0x80, $0x38;
	[tilespmem:$0xE800] =	vst v63  }
0x1db: {  	s1 =	sadd.s32 $0x20, s0;
	s31 =	simm.s32 $0xBE90  }
0x1dc: {  	[hbm4b:s1+s3] =	stream.linear.scatter [tilespmem:s31], [sflag:$0x3], $0x80, $0x38;
	[tilespmem:$0xE800] =	vst v63  }
0x1dd: {  	s1 =	sadd.s32 $0x30, s0;
	s31 =	simm.s32 $0xBF18  }
0x1de: {  	[hbm4b:s1+s3] =	stream.linear.scatter [tilespmem:s31], [sflag:$0x3], $0x80, $0x38;
	[tilespmem:$0xE800] =	vst v63  }
0x1df: {  	s1 =	sadd.s32 $0x40, s0;
	s31 =	simm.s32 $0xBFA0  }
0x1e0: {  	[hbm4b:s1+s3] =	stream.linear.scatter [tilespmem:s31], [sflag:$0x3], $0x80, $0x38;
	[tilespmem:$0xE800] =	vst v63  }
0x1e1: {  	s1 =	sadd.s32 $0x50, s0;
	s31 =	simm.s32 $0xC028  }
0x1e2: {  	[hbm4b:s1+s3] =	stream.linear.scatter [tilespmem:s31], [sflag:$0x3], $0x80, $0x38;
	[tilespmem:$0xE800] =	vst v63  }
0x1e3: {  	s1 =	sadd.s32 $0x60, s0;
	s31 =	simm.s32 $0xC0B0  }
0x1e4: {  	[hbm4b:s1+s3] =	stream.linear.scatter [tilespmem:s31], [sflag:$0x3], $0x80, $0x38;
	[tilespmem:$0xE800] =	vst v63  }
0x1e5: {  	s28 =	simm.s32 $0xC138;
	s0 =	sadd.s32 $0x70, s0  }
0x1e6: {  	[hbm4b:s0+s3] =	stream.linear.scatter [tilespmem:s28], [sflag:$0x3], $0x80, $0x38;
	[tilespmem:$0xE800] =	vst v63  }
0x1e7: {  	s31 =	simm.s32 $0xC1C0;
	s0 =	sadd.s32 s2, s13  }
0x1e8: {  	[hbm4b:s0+s3] =	stream.linear.scatter [tilespmem:s31], [sflag:$0x3], $0x80, $0x38;
	[tilespmem:$0xE800] =	vst v63  }
0x1e9: {  	s1 =	sadd.s32 $0x10, s0;
	s31 =	simm.s32 $0xC248  }
0x1ea: {  	[hbm4b:s1+s3] =	stream.linear.scatter [tilespmem:s31], [sflag:$0x3], $0x80, $0x38;
	[tilespmem:$0xE800] =	vst v63  }
0x1eb: {  	s1 =	sadd.s32 $0x20, s0;
	s31 =	simm.s32 $0xC2D0  }
0x1ec: {  	[hbm4b:s1+s3] =	stream.linear.scatter [tilespmem:s31], [sflag:$0x3], $0x80, $0x38;
	[tilespmem:$0xE800] =	vst v63  }
0x1ed: {  	s1 =	sadd.s32 $0x30, s0;
	s31 =	simm.s32 $0xC358  }
0x1ee: {  	[hbm4b:s1+s3] =	stream.linear.scatter [tilespmem:s31], [sflag:$0x3], $0x80, $0x38;
	[tilespmem:$0xE800] =	vst v63  }
0x1ef: {  	s1 =	sadd.s32 $0x40, s0;
	s31 =	simm.s32 $0xC3E0  }
0x1f0: {  	[hbm4b:s1+s3] =	stream.linear.scatter [tilespmem:s31], [sflag:$0x3], $0x80, $0x38;
	[tilespmem:$0xE800] =	vst v63  }
0x1f1: {  	p1 =	sne.s32 s25, $0x63;
	s1 =	sadd.s32 $0x50, s0;
	s31 =	simm.s32 $0xC468  }
0x1f2: {  	[hbm4b:s1+s3] =	stream.linear.scatter [tilespmem:s31], [sflag:$0x3], $0x80, $0x38;
	[tilespmem:$0xE800] =	vst v63  }
.Ltmp3:
0x1f3: {  	_ = 	snop;
	(pc) =	sbr.rel @p1 .LBB2_6-.Ltmp3, $4  }
0x1f4: {  	s1 =	sadd.s32 $0x60, s0;
	s31 =	simm.s32 $0xC4F0  }
0x1f5: {  	[hbm4b:s1+s3] =	stream.linear.scatter [tilespmem:s31], [sflag:$0x3], $0x80, $0x38;
	[tilespmem:$0xE800] =	vst v63  }
0x1f6: {  	v60 =	vmov v19;
	v57 =	vmov v29;
	s0 =	sadd.s32 $0x70, s0;
	s31 =	simm.s32 $0xC578  }
0x1f7: {  	v19 =	vmovc v30;
	v29 =	vmovc v51;
	v30 =	vmov v50;
	v53 =	vmov v54;
	v54 =	vmov v49;
	[hbm4b:s0+s3] =	stream.linear.scatter [tilespmem:s31], [sflag:$0x3], $0x80, $0x38;
	[tilespmem:$0xE800] =	vst v63  }
.Ltmp4:
0x1f8: {  	(pc) =	sbr.rel .LBB2_7-.Ltmp4, $4  }
0x1f9: {  	_ = 	snop  }
0x1fa: {  	_ =	swait.ge [sflag:s24], $0x2000  }
0x1fb: {  	[sflag:s24] =	ssyncset.done $0x0  }
0x1fc: {  	[sflag:s24] =	ssyncadd.s32 $0xFFFFE000  }
.LBB2_6:
0x1fd: {  	s0 =	sshrl.u32 s26, $0x2  }
.Ltmp5:
0x1fe: {  	s1 =	simm.s32 $0x6400;
	s0 =	sadd.s32 $0x100, s0;
	(pc) =	sbr.rel @p0 .LBB2_8-.Ltmp5, $4  }
0x1ff: {  	[tilespmem:s1], [sflag:$0x1] =	stream.indirect.gather [hbm4b:s4+s23], $0x40, s0, s23, $0xb8;
	[tilespmem:$0xE800] =	vst v63  }
0x200: {  	_ =	swait.ge [sflag:s24], $0x2000  }
0x201: {  	[sflag:s24] =	ssyncset.done $0x0  }
0x202: {  	[sflag:s24] =	ssyncadd.s32 $0xFFFFE000  }
.LBB2_7:
0x203: {  	_ =	swait.ge [sflag:s5], $0x400  }
0x204: {  	[sflag:s5] =	ssyncset.done $0x0  }
0x205: {  	[sflag:s5] =	ssyncadd.s32 $0xFFFFFC00  }
0x206: {  	_ =	swait.ge [sflag:s5], $0x400  }
0x207: {  	[sflag:s5] =	ssyncset.done $0x0  }
0x208: {  	[sflag:s5] =	ssyncadd.s32 $0xFFFFFC00  }
0x209: {  	_ =	swait.ge [sflag:s5], $0x400  }
0x20a: {  	[sflag:s5] =	ssyncset.done $0x0  }
0x20b: {  	[sflag:s5] =	ssyncadd.s32 $0xFFFFFC00  }
0x20c: {  	_ =	swait.ge [sflag:s5], $0x400  }
0x20d: {  	[sflag:s5] =	ssyncset.done $0x0  }
0x20e: {  	[sflag:s5] =	ssyncadd.s32 $0xFFFFFC00  }
0x20f: {  	_ =	swait.ge [sflag:s5], $0x400  }
0x210: {  	[sflag:s5] =	ssyncset.done $0x0  }
0x211: {  	[sflag:s5] =	ssyncadd.s32 $0xFFFFFC00  }
0x212: {  	_ =	swait.ge [sflag:s5], $0x400  }
0x213: {  	[sflag:s5] =	ssyncset.done $0x0  }
0x214: {  	[sflag:s5] =	ssyncadd.s32 $0xFFFFFC00  }
0x215: {  	_ =	swait.ge [sflag:s5], $0x400  }
0x216: {  	[sflag:s5] =	ssyncset.done $0x0  }
0x217: {  	[sflag:s5] =	ssyncadd.s32 $0xFFFFFC00  }
0x218: {  	_ =	swait.ge [sflag:s5], $0x400  }
0x219: {  	[sflag:s5] =	ssyncset.done $0x0  }
0x21a: {  	[sflag:s5] =	ssyncadd.s32 $0xFFFFFC00  }
.LBB2_8:
0x21b: {  	s0 =	simm.s32 $0x0;
	s1 =	simm.s32 $0x1;
	s28 =	simm.s32 $0x3  }
0x21c: {  	s31 =	simm.s32 $0x4;
	v0 =	vmov s0;
	v2 =	vmov s1;
	s1 =	simm.s32 $0x2;
	v4 =	vmov s28  }
0x21d: {  	v5 =	vmov s31;
	s28 =	simm.s32 $0x6;
	s31 =	simm.s32 $0x7;
	v0 =	vshrl.u32 v0, $0x3;
	v3 =	vmov s1;
	s1 =	simm.s32 $0x5  }
0x21e: {  	v7 =	vmov s28;
	v8 =	vmov s31;
	v6 =	vmov s1;
	s1 =	simm.s32 $0x8  }
0x21f: {  	s28 =	simm.s32 $0x9;
	v2 =	vshrl.u32 v2, $0x3;
	v4 =	vshrl.u32 v4, $0x3;
	v9 =	vmov s1;
	s1 =	simm.s32 $0xB  }
0x220: {  	s31 =	simm.s32 $0xA;
	v5 =	vshrl.u32 v5, $0x3;
	v10 =	vmov s28;
	v34 =	vmov s1;
	s1 =	simm.s32 $0xE  }
0x221: {  	v11 =	vmov s31;
	v0 =	vshll.u32 v0, v1;
	v37 =	vmov s1;
	s1 =	simm.s32 $0xF  }
0x222: {  	s28 =	simm.s32 $0xC;
	v3 =	vshrl.u32 v3, $0x3;
	v7 =	vshrl.u32 v7, $0x3;
	v33 =	vmov s1  }
0x223: {  	s31 =	simm.s32 $0xD;
	v8 =	vshrl.u32 v8, $0x3;
	v35 =	vmov s28;
	v33 =	vshrl.u32 v33, $0x3  }
0x224: {  	v36 =	vmov s31;
	v6 =	vshrl.u32 v6, $0x3;
	v33 =	vshll.u32 v33, v1  }
0x225: {  	v10 =	vshrl.u32 v10, $0x3;
	v11 =	vshrl.u32 v11, $0x3;
	v48 =	vbroadcast v33, $0x0  }
0x226: {  	s28 =	simm.s32 $0x8600;
	v52 =	vshll.u32 v7, v1;
	v33 =	vbroadcast v0, $0x0;
	v0 =	vshll.u32 v2, v1  }
0x227: {  	v2 =	vld [tilespmem:s28+$0x1C0];
	v47 =	vbroadcast v0, $0x0;
	v0 =	vshll.u32 v3, v1;
	v3 =	vadd.s32 v58, v48  }
0x228: {  	v9 =	vshrl.u32 v9, $0x3;
	v38 =	vld [tilespmem:s28+$0xFFFFFE00];
	v6 =	vshll.u32 v6, v1;
	v41 =	vadd.s32 v12, v33  }
0x229: {  	v40 =	vbroadcast v6, $0x0;
	v46 =	vbroadcast v0, $0x0;
	v0 =	vshll.u32 v4, v1  }
0x22a: {  	v4 =	vld [tilespmem:s28+$0xFFFFFE40];
	v42 =	vadd.s32 v16, v47;
	v45 =	vbroadcast v0, $0x0;
	v0 =	vshll.u32 v5, v1  }
0x22b: {  	v11 =	vshll.u32 v11, v1;
	v5 =	vld [tilespmem:s28+$0xFFFFFE80];
	v43 =	vadd.s32 v20, v46;
	v39 =	vbroadcast v0, $0x0  }
0x22c: {  	v7 =	vadd.s32 v63, v40;
	v0 =	vshrl.u32 v34, $0x3;
	v34 =	vld [tilespmem:s28+$0xFFFFFEC0];
	v44 =	vadd.s32 v24, v45;
	[tilespmem:v3+s22+$0x0] =	vst.idx.msk $0xffff, v2  }
0x22d: {  	v49 =	vld [tilespmem:s28+$0xFFFFFF00];
	v50 =	vadd.s32 v19, v39;
	[tilespmem:v41+s22+$0x0] =	vst.idx.msk $0xffff, v38;
	v38 =	vbroadcast v52, $0x0;
	v2 =	vshll.u32 v8, v1  }
0x22e: {  	v6 =	vadd.s32 v56, v48;
	v0 =	vshll.u32 v0, v1;
	v3 =	vld [tilespmem:s28+$0x1D0];
	v41 =	vbroadcast v2, $0x0  }
0x22f: {  	v35 =	vshrl.u32 v35, $0x3;
	[tilespmem:v42+s22+$0x0] =	vst.idx.msk $0xffff, v4;
	v4 =	vld [tilespmem:s28+$0xFFFFFF40];
	v2 =	vshll.u32 v9, v1;
	v8 =	vadd.s32 v53, v38  }
0x230: {  	[tilespmem:v43+s22+$0x0] =	vst.idx.msk $0xffff, v5;
	v5 =	vld [tilespmem:s28+$0xFFFFFF80];
	v42 =	vbroadcast v2, $0x0;
	v2 =	vshll.u32 v10, v1;
	v58 =	vadd.s32 v58, v41  }
0x231: {  	v9 =	vld [tilespmem:s28+$0xFFFFFFC0];
	[tilespmem:v44+s22+$0x0] =	vst.idx.msk $0xffff, v34;
	v43 =	vbroadcast v2, $0x0;
	v2 =	vshrl.u32 v36, $0x3;
	v44 =	vbroadcast v11, $0x0  }
0x232: {  	v34 =	vbroadcast v0, $0x0;
	v0 =	vshll.u32 v35, v1;
	[tilespmem:v50+s22+$0x0] =	vst.idx.msk $0xffff, v49;
	v49 =	vld [tilespmem:s28+$0x0];
	v50 =	vadd.s32 v12, v42  }
0x233: {  	v51 =	vld [tilespmem:s28+$0x40];
	v35 =	vbroadcast v0, $0x0;
	v0 =	vshll.u32 v2, v1;
	v52 =	vadd.s32 v16, v43;
	[tilespmem:v6+s22+$0x0] =	vst.idx.msk $0xffff, v3  }
0x234: {  	v37 =	vshrl.u32 v37, $0x3;
	v36 =	vbroadcast v0, $0x0;
	[tilespmem:v7+s22+$0x0] =	vst.idx.msk $0xffff, v4;
	v4 =	vadd.s32 v59, v48;
	v3 =	vld [tilespmem:s28+$0x1E0]  }
0x235: {  	v0 =	vshll.u32 v37, v1;
	v6 =	vadd.s32 v20, v44;
	[tilespmem:v8+s22+$0x0] =	vst.idx.msk $0xffff, v5;
	v5 =	vld [tilespmem:s28+$0x80]  }
0x236: {  	v37 =	vbroadcast v0, $0x0;
	v0 =	vld [tilespmem:s28+$0x140];
	v10 =	vadd.s32 v63, v36;
	[tilespmem:v58+s22+$0x0] =	vst.idx.msk $0xffff, v9  }
0x237: {  	v2 =	vld [tilespmem:s28+$0xC0];
	v58 =	vadd.s32 v24, v34;
	[tilespmem:v50+s22+$0x0] =	vst.idx.msk $0xffff, v49  }
0x238: {  	v8 =	vld [tilespmem:s28+$0x100];
	v9 =	vadd.s32 v19, v35;
	[tilespmem:v52+s22+$0x0] =	vst.idx.msk $0xffff, v51  }
0x239: {  	v11 =	vld [tilespmem:s28+$0x180];
	v52 =	vadd.s32 v53, v37;
	[tilespmem:v4+s22+$0x0] =	vst.idx.msk $0xffff, v3  }
0x23a: {  	v53 =	vadd.s32 v17, v47;
	[tilespmem:v6+s22+$0x0] =	vst.idx.msk $0xffff, v5;
	v5 =	vld [tilespmem:s28+$0xFFFFFE50]  }
0x23b: {  	[tilespmem:v10+s22+$0x0] =	vst.idx.msk $0xffff, v0;
	v0 =	vld [tilespmem:s28+$0xFFFFFF10];
	v10 =	vadd.s32 v29, v39  }
0x23c: {  	v4 =	vadd.s32 v61, v48;
	v3 =	vld [tilespmem:s28+$0x1F0];
	[tilespmem:v58+s22+$0x0] =	vst.idx.msk $0xffff, v2  }
0x23d: {  	v2 =	vld [tilespmem:s28+$0xFFFFFE90];
	v58 =	vadd.s32 v21, v46;
	[tilespmem:v9+s22+$0x0] =	vst.idx.msk $0xffff, v8  }
0x23e: {  	v8 =	vld [tilespmem:s28+$0xFFFFFED0];
	v9 =	vadd.s32 v25, v45;
	[tilespmem:v52+s22+$0x0] =	vst.idx.msk $0xffff, v11  }
0x23f: {  	v11 =	vld [tilespmem:s28+$0xFFFFFF50];
	v52 =	vadd.s32 v62, v40;
	[tilespmem:v53+s22+$0x0] =	vst.idx.msk $0xffff, v5  }
0x240: {  	v50 =	vadd.s32 v13, v42;
	v49 =	vld [tilespmem:s28+$0x10];
	[tilespmem:v10+s22+$0x0] =	vst.idx.msk $0xffff, v0  }
0x241: {  	v51 =	vadd.s32 v17, v43;
	v0 =	vld [tilespmem:s28+$0x50];
	[tilespmem:v4+s22+$0x0] =	vst.idx.msk $0xffff, v3  }
0x242: {  	v53 =	vadd.s32 v54, v38;
	v3 =	vld [tilespmem:s28+$0xFFFFFF90];
	[tilespmem:v58+s22+$0x0] =	vst.idx.msk $0xffff, v2  }
0x243: {  	v2 =	vld [tilespmem:s28+$0xFFFFFFD0];
	v58 =	vadd.s32 v56, v41;
	[tilespmem:v9+s22+$0x0] =	vst.idx.msk $0xffff, v8  }
0x244: {  	v9 =	vld [tilespmem:s28+$0x90];
	[tilespmem:v52+s22+$0x0] =	vst.idx.msk $0xffff, v11;
	v52 =	vadd.s32 v21, v44  }
0x245: {  	v48 =	vadd.s32 v13, v33;
	[tilespmem:v50+s22+$0x0] =	vst.idx.msk $0xffff, v49;
	v11 =	vld [tilespmem:s28+$0xFFFFFE10]  }
0x246: {  	v8 =	vadd.s32 v54, v37;
	[tilespmem:v51+s22+$0x0] =	vst.idx.msk $0xffff, v0;
	v0 =	vld [tilespmem:s28+$0x190]  }
0x247: {  	[tilespmem:v53+s22+$0x0] =	vst.idx.msk $0xffff, v3;
	v3 =	vld [tilespmem:s28+$0xD0];
	v53 =	vadd.s32 v25, v34  }
0x248: {  	v5 =	vadd.s32 v29, v35;
	[tilespmem:v58+s22+$0x0] =	vst.idx.msk $0xffff, v2;
	v2 =	vld [tilespmem:s28+$0x110]  }
0x249: {  	v56 =	vld [tilespmem:s28+$0x150];
	v58 =	vadd.s32 v62, v36;
	[tilespmem:v52+s22+$0x0] =	vst.idx.msk $0xffff, v9  }
0x24a: {  	v51 =	vld [tilespmem:s28+$0xFFFFFE60];
	v52 =	vadd.s32 v18, v47;
	[tilespmem:v48+s22+$0x0] =	vst.idx.msk $0xffff, v11  }
0x24b: {  	v49 =	vadd.s32 v27, v40;
	[tilespmem:v8+s22+$0x0] =	vst.idx.msk $0xffff, v0;
	v0 =	vld [tilespmem:s28+$0xFFFFFF60]  }
0x24c: {  	[tilespmem:v53+s22+$0x0] =	vst.idx.msk $0xffff, v3;
	v3 =	vld [tilespmem:s28+$0xFFFFFEA0];
	v53 =	vadd.s32 v22, v46  }
0x24d: {  	v54 =	vadd.s32 v26, v45;
	[tilespmem:v5+s22+$0x0] =	vst.idx.msk $0xffff, v2;
	v2 =	vld [tilespmem:s28+$0xFFFFFEE0]  }
0x24e: {  	[tilespmem:v58+s22+$0x0] =	vst.idx.msk $0xffff, v56;
	v56 =	vld [tilespmem:s28+$0xFFFFFF20];
	v58 =	vadd.s32 v30, v39  }
0x24f: {  	v7 =	vadd.s32 v55, v37;
	v6 =	vld [tilespmem:s28+$0x1A0];
	[tilespmem:v52+s22+$0x0] =	vst.idx.msk $0xffff, v51  }
0x250: {  	v50 =	vld [tilespmem:s28+$0xFFFFFFA0];
	v51 =	vadd.s32 v55, v38;
	[tilespmem:v49+s22+$0x0] =	vst.idx.msk $0xffff, v0  }
0x251: {  	v8 =	vadd.s32 v22, v44;
	v0 =	vld [tilespmem:s28+$0xA0];
	[tilespmem:v53+s22+$0x0] =	vst.idx.msk $0xffff, v3  }
0x252: {  	v52 =	vadd.s32 v59, v41;
	v3 =	vld [tilespmem:s28+$0xFFFFFFE0];
	[tilespmem:v54+s22+$0x0] =	vst.idx.msk $0xffff, v2  }
0x253: {  	v2 =	vld [tilespmem:s28+$0x20];
	v53 =	vadd.s32 v14, v42;
	[tilespmem:v58+s22+$0x0] =	vst.idx.msk $0xffff, v56  }
0x254: {  	v54 =	vld [tilespmem:s28+$0x60];
	v56 =	vadd.s32 v18, v43;
	[tilespmem:v7+s22+$0x0] =	vst.idx.msk $0xffff, v6  }
0x255: {  	v9 =	vld [tilespmem:s28+$0xE0];
	v58 =	vadd.s32 v26, v34;
	[tilespmem:v51+s22+$0x0] =	vst.idx.msk $0xffff, v50  }
0x256: {  	v48 =	vld [tilespmem:s28+$0xFFFFFE20];
	v49 =	vadd.s32 v14, v33;
	[tilespmem:v8+s22+$0x0] =	vst.idx.msk $0xffff, v0  }
0x257: {  	s1 =	simm.s32 $0x10;
	v61 =	vadd.s32 v61, v41;
	v4 =	vadd.s32 v30, v35;
	[tilespmem:v52+s22+$0x0] =	vst.idx.msk $0xffff, v3;
	v3 =	vld [tilespmem:s28+$0x120]  }
0x258: {  	s31 =	simm.s32 $0x13;
	v47 =	vadd.s32 v60, v47;
	v5 =	vadd.s32 v27, v36;
	v59 =	vmov s1;
	[tilespmem:v53+s22+$0x0] =	vst.idx.msk $0xffff, v2;
	v2 =	vld [tilespmem:s28+$0x160]  }
0x259: {  	v44 =	vadd.s32 v23, v44;
	s1 =	simm.s32 $0x11;
	v11 =	vshrl.u32 v59, $0x3;
	v8 =	vmov s31;
	s31 =	simm.s32 $0x15;
	[tilespmem:v56+s22+$0x0] =	vst.idx.msk $0xffff, v54;
	v54 =	vld [tilespmem:s28+$0xFFFFFE70]  }
0x25a: {  	v55 =	vmov s1;
	s1 =	simm.s32 $0x12;
	[tilespmem:v58+s22+$0x0] =	vst.idx.msk $0xffff, v9;
	v10 =	vmov s31;
	s31 =	simm.s32 $0x17;
	v56 =	vld [tilespmem:s28+$0xFFFFFEB0];
	v58 =	vadd.s32 v23, v46  }
0x25b: {  	v6 =	vld [tilespmem:s28+$0xFFFFFF70];
	v7 =	vadd.s32 v32, v40;
	v0 =	vmov s1;
	s1 =	simm.s32 $0x14;
	[tilespmem:v49+s22+$0x0] =	vst.idx.msk $0xffff, v48;
	v52 =	vmov s31;
	s31 =	simm.s32 $0x19  }
0x25c: {  	v59 =	vadd.s32 v57, v45;
	v9 =	vmov s1;
	v45 =	vmov s31;
	s31 =	simm.s32 $0x1B;
	[tilespmem:v4+s22+$0x0] =	vst.idx.msk $0xffff, v3;
	v4 =	vld [tilespmem:s28+$0xFFFFFEF0]  }
0x25d: {  	s1 =	simm.s32 $0x16;
	v40 =	vshrl.u32 v8, $0x3;
	v50 =	vmov s31;
	s31 =	simm.s32 $0x1D;
	[tilespmem:v5+s22+$0x0] =	vst.idx.msk $0xffff, v2;
	v2 =	vld [tilespmem:s28+$0xFFFFFF30];
	v5 =	vadd.s32 v31, v39  }
0x25e: {  	v57 =	vld [tilespmem:s28+$0xFFFFFFB0];
	v41 =	vshrl.u32 v10, $0x3;
	v48 =	vmov s31;
	v3 =	vmov s1;
	s1 =	simm.s32 $0x18;
	[tilespmem:v47+s22+$0x0] =	vst.idx.msk $0xffff, v54  }
0x25f: {  	v47 =	vmovc v60;
	v60 =	vadd.s32 v28, v38;
	v54 =	vshll.u32 v11, v1;
	[tilespmem:v58+s22+$0x0] =	vst.idx.msk $0xffff, v56;
	v58 =	vld [tilespmem:s28+$0xFFFFFFF0];
	v53 =	vmov s1;
	s1 =	simm.s32 $0x1A  }
0x260: {  	[tilespmem:v7+s22+$0x0] =	vst.idx.msk $0xffff, v6;
	v56 =	vshrl.u32 v55, $0x3;
	v31 =	vmovc v62;
	v62 =	vadd.s32 v15, v42;
	v42 =	vld [tilespmem:s28+$0x70];
	v46 =	vmov s1;
	s1 =	simm.s32 $0x1C  }
0x261: {  	v32 =	vmovc v63;
	v55 =	vshrl.u32 v0, $0x3;
	v63 =	vadd.s32 v47, v43;
	v43 =	vld [tilespmem:s28+$0xB0];
	v51 =	vmov s1;
	s1 =	simm.s32 $0x1E;
	[tilespmem:v59+s22+$0x0] =	vst.idx.msk $0xffff, v4  }
0x262: {  	s0 =	simm.s32 $0x1F;
	s31 =	simm.s32 $0x20;
	v28 =	vmovc v19;
	v38 =	vshrl.u32 v9, $0x3;
	v19 =	vmovc v47;
	v39 =	vshrl.u32 v3, $0x3;
	v49 =	vmov s1;
	v59 =	vld [tilespmem:s28+$0x30];
	[tilespmem:v5+s22+$0x0] =	vst.idx.msk $0xffff, v2  }
.LBB2_9:
0x263: {  	v3 =	vld [tilespmem:s28+$0xF0]  }
0x264: {  	v6 =	vld [tilespmem:s28+$0x130]  }
0x265: {  	v9 =	vld [tilespmem:s28+$0x170]  }
0x266: {  	v0 =	vshrl.u32 v52, $0x3;
	v52 =	vld [tilespmem:$0x1FFA0]  }
0x267: {  	[tilespmem:v60+s22+$0x0] =	vst.idx.msk $0xffff, v57;
	v60 =	vld [tilespmem:$0x1FF00]  }
0x268: {  	[tilespmem:v61+s22+$0x0] =	vst.idx.msk $0xffff, v58;
	v61 =	vld [tilespmem:$0x1FF10]  }
0x269: {  	[tilespmem:v62+s22+$0x0] =	vst.idx.msk $0xffff, v59;
	v62 =	vld [tilespmem:$0x1FF60]  }
0x26a: {  	v57 =	vld [tilespmem:$0x1FF20]  }
0x26b: {  	v2 =	vmov s0;
	v5 =	vshrl.u32 v53, $0x3;
	v53 =	vld [tilespmem:$0x1FF30]  }
0x26c: {  	v2 =	vshrl.u32 v2, $0x3;
	[tilespmem:v63+s22+$0x0] =	vst.idx.msk $0xffff, v42;
	v42 =	vadd.s32 v15, v33;
	v33 =	vbroadcast v54, $0x0;
	v54 =	vld [tilespmem:$0x1FF70]  }
0x26d: {  	v8 =	vshrl.u32 v45, $0x3;
	v2 =	vshll.u32 v2, v1;
	v4 =	vadd.s32 v60, v34;
	v34 =	vld [tilespmem:s28+$0x1B0]  }
0x26e: {  	v59 =	vshll.u32 v56, v1;
	v7 =	vadd.s32 v61, v35;
	v35 =	vadd.s32 v62, v37;
	v37 =	vld [tilespmem:s28+$0xFFFFFE30];
	s28 =	sadd.s32 $0x400, s28  }
0x26f: {  	[tilespmem:v44+s22+$0x0] =	vst.idx.msk $0xffff, v43;
	v45 =	vbroadcast v59, $0x0;
	v59 =	vshll.u32 v38, v1;
	v10 =	vadd.s32 v57, v36;
	v43 =	vld [tilespmem:s28+$0x1C0]  }
0x270: {  	v11 =	vshrl.u32 v46, $0x3;
	v2 =	vbroadcast v2, $0x0;
	v38 =	vbroadcast v59, $0x0;
	v59 =	vld [tilespmem:s28+$0xFFFFFF00]  }
0x271: {  	v63 =	vshll.u32 v55, v1;
	v36 =	vshrl.u32 v50, $0x3;
	v50 =	vshrl.u32 v51, $0x3;
	v51 =	vld [tilespmem:s28+$0x40]  }
0x272: {  	v58 =	vshll.u32 v40, v1;
	v55 =	vadd.s32 v52, v2;
	v46 =	vbroadcast v63, $0x0;
	[tilespmem:v4+s22+$0x0] =	vst.idx.msk $0xffff, v3;
	v3 =	vld [tilespmem:s28+$0xFFFFFE00]  }
0x273: {  	v40 =	vbroadcast v58, $0x0;
	v56 =	vadd.s32 v12, v33;
	[tilespmem:v7+s22+$0x0] =	vst.idx.msk $0xffff, v6;
	v6 =	vld [tilespmem:s28+$0xFFFFFE40]  }
0x274: {  	v39 =	vshll.u32 v39, v1;
	v63 =	vadd.s32 v20, v46;
	[tilespmem:v10+s22+$0x0] =	vst.idx.msk $0xffff, v9;
	v9 =	vld [tilespmem:s28+$0xFFFFFE80]  }
0x275: {  	v0 =	vshll.u32 v0, v1;
	v58 =	vadd.s32 v24, v40;
	[tilespmem:v35+s22+$0x0] =	vst.idx.msk $0xffff, v34;
	v34 =	vld [tilespmem:s28+$0xFFFFFEC0]  }
0x276: {  	v47 =	vadd.s32 v28, v38;
	[tilespmem:v42+s22+$0x0] =	vst.idx.msk $0xffff, v37;
	v42 =	vbroadcast v0, $0x0;
	v0 =	vshll.u32 v5, v1;
	v5 =	vld [tilespmem:s28+$0xFFFFFF80]  }
0x277: {  	v41 =	vshll.u32 v41, v1;
	v39 =	vbroadcast v39, $0x0;
	v7 =	vadd.s32 v16, v45;
	v37 =	vld [tilespmem:s28+$0x0];
	[tilespmem:v55+s22+$0x0] =	vst.idx.msk $0xffff, v43  }
0x278: {  	v4 =	vadd.s32 v54, v2;
	v43 =	vbroadcast v0, $0x0;
	v0 =	vshll.u32 v8, v1;
	[tilespmem:v56+s22+$0x0] =	vst.idx.msk $0xffff, v3;
	v3 =	vld [tilespmem:s28+$0x1D0]  }
0x279: {  	v8 =	vld [tilespmem:s28+$0xFFFFFFC0];
	v44 =	vbroadcast v0, $0x0;
	v0 =	vshrl.u32 v48, $0x3;
	[tilespmem:v63+s22+$0x0] =	vst.idx.msk $0xffff, v9;
	v63 =	vadd.s32 v53, v39  }
0x27a: {  	v49 =	vshrl.u32 v49, $0x3;
	v48 =	vld [tilespmem:$0x1FF50];
	v0 =	vshll.u32 v0, v1;
	[tilespmem:v58+s22+$0x0] =	vst.idx.msk $0xffff, v34;
	v58 =	vadd.s32 v12, v43  }
0x27b: {  	[tilespmem:v47+s22+$0x0] =	vst.idx.msk $0xffff, v59;
	v59 =	vshll.u32 v36, v1;
	v36 =	vbroadcast v0, $0x0;
	v0 =	vshll.u32 v49, v1;
	v49 =	vld [tilespmem:$0x1FF40]  }
0x27c: {  	v41 =	vbroadcast v41, $0x0;
	v11 =	vshll.u32 v11, v1;
	[tilespmem:v7+s22+$0x0] =	vst.idx.msk $0xffff, v6;
	v6 =	vld [tilespmem:s28+$0xFFFFFF40];
	v56 =	vadd.s32 v52, v42  }
0x27d: {  	v47 =	vbroadcast v11, $0x0;
	v52 =	vadd.s32 v16, v44;
	[tilespmem:v4+s22+$0x0] =	vst.idx.msk $0xffff, v3;
	v3 =	vshll.u32 v50, v1;
	v50 =	vld [tilespmem:$0x1FF80]  }
0x27e: {  	v7 =	vadd.s32 v32, v41;
	[tilespmem:v63+s22+$0x0] =	vst.idx.msk $0xffff, v5;
	v63 =	vld [tilespmem:s28+$0x80]  }
0x27f: {  	v55 =	vadd.s32 v20, v47;
	v34 =	vbroadcast v59, $0x0;
	[tilespmem:v58+s22+$0x0] =	vst.idx.msk $0xffff, v37;
	v58 =	vld [tilespmem:s28+$0x100]  }
0x280: {  	v11 =	vadd.s32 v32, v36;
	v37 =	vbroadcast v0, $0x0;
	v0 =	vld [tilespmem:s28+$0x140]  }
0x281: {  	[tilespmem:v56+s22+$0x0] =	vst.idx.msk $0xffff, v8;
	v56 =	vadd.s32 v24, v34;
	v35 =	vbroadcast v3, $0x0;
	v3 =	vld [tilespmem:s28+$0xC0]  }
0x282: {  	[tilespmem:v52+s22+$0x0] =	vst.idx.msk $0xffff, v51;
	v52 =	vld [tilespmem:s28+$0x180];
	v53 =	vadd.s32 v53, v37  }
0x283: {  	[tilespmem:v7+s22+$0x0] =	vst.idx.msk $0xffff, v6;
	v5 =	vld [tilespmem:s28+$0xFFFFFE50];
	v59 =	vadd.s32 v28, v35  }
0x284: {  	v4 =	vld [tilespmem:s28+$0x1E0];
	v6 =	vadd.s32 v50, v2;
	[tilespmem:v55+s22+$0x0] =	vst.idx.msk $0xffff, v63  }
0x285: {  	v63 =	vld [tilespmem:$0x1FF90];
	v55 =	vadd.s32 v17, v45;
	[tilespmem:v11+s22+$0x0] =	vst.idx.msk $0xffff, v0  }
0x286: {  	v10 =	vadd.s32 v29, v38;
	v0 =	vld [tilespmem:s28+$0xFFFFFF10];
	[tilespmem:v56+s22+$0x0] =	vst.idx.msk $0xffff, v3  }
0x287: {  	v3 =	vld [tilespmem:s28+$0xFFFFFE90];
	v56 =	vadd.s32 v21, v46;
	[tilespmem:v53+s22+$0x0] =	vst.idx.msk $0xffff, v52  }
0x288: {  	v52 =	vld [tilespmem:s28+$0xFFFFFF50];
	v53 =	vadd.s32 v31, v41;
	[tilespmem:v59+s22+$0x0] =	vst.idx.msk $0xffff, v58  }
0x289: {  	v58 =	vld [tilespmem:s28+$0xFFFFFED0];
	v59 =	vadd.s32 v25, v40;
	[tilespmem:v6+s22+$0x0] =	vst.idx.msk $0xffff, v4  }
0x28a: {  	v2 =	vadd.s32 v63, v2;
	[tilespmem:v55+s22+$0x0] =	vst.idx.msk $0xffff, v5;
	v4 =	vld [tilespmem:s28+$0x1F0]  }
0x28b: {  	v51 =	vadd.s32 v17, v44;
	[tilespmem:v10+s22+$0x0] =	vst.idx.msk $0xffff, v0;
	v0 =	vld [tilespmem:s28+$0x50]  }
0x28c: {  	[tilespmem:v56+s22+$0x0] =	vst.idx.msk $0xffff, v3;
	v3 =	vld [tilespmem:s28+$0xFFFFFFD0];
	v56 =	vadd.s32 v54, v42  }
0x28d: {  	v9 =	vld [tilespmem:s28+$0x90];
	[tilespmem:v53+s22+$0x0] =	vst.idx.msk $0xffff, v52;
	v52 =	vadd.s32 v21, v47  }
0x28e: {  	[tilespmem:v59+s22+$0x0] =	vst.idx.msk $0xffff, v58;
	v58 =	vld [tilespmem:s28+$0x10];
	v59 =	vadd.s32 v13, v43  }
0x28f: {  	v55 =	vadd.s32 v49, v39;
	[tilespmem:v2+s22+$0x0] =	vst.idx.msk $0xffff, v4;
	v2 =	vld [tilespmem:s28+$0xFFFFFF90]  }
0x290: {  	v8 =	vadd.s32 v49, v37;
	[tilespmem:v51+s22+$0x0] =	vst.idx.msk $0xffff, v0;
	v0 =	vld [tilespmem:s28+$0x190]  }
0x291: {  	v54 =	vadd.s32 v29, v35;
	[tilespmem:v56+s22+$0x0] =	vst.idx.msk $0xffff, v3;
	v3 =	vld [tilespmem:s28+$0x110]  }
0x292: {  	v51 =	vld [tilespmem:s28+$0xFFFFFE60];
	[tilespmem:v52+s22+$0x0] =	vst.idx.msk $0xffff, v9;
	v52 =	vadd.s32 v18, v45  }
0x293: {  	[tilespmem:v59+s22+$0x0] =	vst.idx.msk $0xffff, v58;
	v58 =	vld [tilespmem:s28+$0xFFFFFE10];
	v59 =	vadd.s32 v13, v33  }
0x294: {  	v53 =	vadd.s32 v25, v34;
	[tilespmem:v55+s22+$0x0] =	vst.idx.msk $0xffff, v2;
	v2 =	vld [tilespmem:s28+$0xD0]  }
0x295: {  	v56 =	vadd.s32 v31, v36;
	[tilespmem:v8+s22+$0x0] =	vst.idx.msk $0xffff, v0;
	v55 =	vld [tilespmem:s28+$0x150]  }
0x296: {  	[tilespmem:v54+s22+$0x0] =	vst.idx.msk $0xffff, v3;
	v3 =	vld [tilespmem:s28+$0xFFFFFEE0];
	v54 =	vadd.s32 v26, v40  }
0x297: {  	v7 =	vadd.s32 v48, v37;
	v6 =	vld [tilespmem:s28+$0x1A0];
	[tilespmem:v52+s22+$0x0] =	vst.idx.msk $0xffff, v51  }
0x298: {  	v0 =	vld [tilespmem:s28+$0xFFFFFF60];
	[tilespmem:v59+s22+$0x0] =	vst.idx.msk $0xffff, v58;
	v58 =	vadd.s32 v27, v41  }
0x299: {  	[tilespmem:v53+s22+$0x0] =	vst.idx.msk $0xffff, v2;
	v2 =	vld [tilespmem:s28+$0xFFFFFEA0];
	v53 =	vadd.s32 v22, v46  }
0x29a: {  	v52 =	vadd.s32 v48, v39;
	v59 =	vld [tilespmem:s28+$0xFFFFFFA0];
	[tilespmem:v56+s22+$0x0] =	vst.idx.msk $0xffff, v55  }
0x29b: {  	v55 =	vld [tilespmem:s28+$0xFFFFFF20];
	v56 =	vadd.s32 v30, v38;
	[tilespmem:v54+s22+$0x0] =	vst.idx.msk $0xffff, v3  }
0x29c: {  	v49 =	vadd.s32 v14, v33;
	v48 =	vld [tilespmem:s28+$0xFFFFFE20];
	[tilespmem:v7+s22+$0x0] =	vst.idx.msk $0xffff, v6  }
0x29d: {  	v3 =	vld [tilespmem:s28+$0x20];
	v54 =	vadd.s32 v14, v43;
	[tilespmem:v58+s22+$0x0] =	vst.idx.msk $0xffff, v0  }
0x29e: {  	[tilespmem:v53+s22+$0x0] =	vst.idx.msk $0xffff, v2;
	v2 =	vld [tilespmem:s28+$0xFFFFFFE0];
	v53 =	vadd.s32 v50, v42  }
0x29f: {  	v0 =	vld [tilespmem:s28+$0xA0];
	v58 =	vadd.s32 v22, v47;
	[tilespmem:v52+s22+$0x0] =	vst.idx.msk $0xffff, v59  }
0x2a0: {  	[tilespmem:v56+s22+$0x0] =	vst.idx.msk $0xffff, v55;
	v55 =	vld [tilespmem:s28+$0x60];
	v56 =	vadd.s32 v18, v44  }
0x2a1: {  	v10 =	vadd.s32 v26, v34;
	v9 =	vld [tilespmem:s28+$0xE0];
	[tilespmem:v49+s22+$0x0] =	vst.idx.msk $0xffff, v48  }
0x2a2: {  	v5 =	vadd.s32 v27, v36;
	v4 =	vadd.s32 v30, v35;
	[tilespmem:v54+s22+$0x0] =	vst.idx.msk $0xffff, v3;
	v3 =	vld [tilespmem:s28+$0x160]  }
0x2a3: {  	v40 =	vadd.s32 v60, v40;
	v60 =	vadd.s32 v62, v39;
	v59 =	vmov s31;
	[tilespmem:v53+s22+$0x0] =	vst.idx.msk $0xffff, v2;
	v2 =	vld [tilespmem:s28+$0x120]  }
0x2a4: {  	s1 =	sadd.s32 $0x1, s31;
	s0 =	sadd.s32 $0x2, s31;
	v62 =	vadd.s32 v15, v43;
	v7 =	vadd.s32 v57, v41;
	v11 =	vshrl.u32 v59, $0x3;
	v6 =	vld [tilespmem:s28+$0xFFFFFF70];
	[tilespmem:v58+s22+$0x0] =	vst.idx.msk $0xffff, v0  }
0x2a5: {  	v54 =	vld [tilespmem:s28+$0xFFFFFE70];
	v0 =	vmov s0;
	s0 =	sadd.s32 $0x4, s31;
	[tilespmem:v56+s22+$0x0] =	vst.idx.msk $0xffff, v55;
	v55 =	vmov s1;
	s1 =	sadd.s32 $0x3, s31;
	v56 =	vadd.s32 v19, v45  }
0x2a6: {  	v59 =	vadd.s32 v23, v46;
	[tilespmem:v10+s22+$0x0] =	vst.idx.msk $0xffff, v9;
	v58 =	vld [tilespmem:s28+$0xFFFFFEB0];
	v9 =	vmov s0;
	v8 =	vmov s1;
	s1 =	sadd.s32 $0x5, s31  }
0x2a7: {  	[tilespmem:v5+s22+$0x0] =	vst.idx.msk $0xffff, v3;
	v3 =	vld [tilespmem:s28+$0xFFFFFF30];
	v5 =	vadd.s32 v61, v38;
	v61 =	vadd.s32 v63, v42;
	v10 =	vmov s1;
	s1 =	sadd.s32 $0x7, s31  }
0x2a8: {  	p0 =	slt.u32 s31, $0x70;
	v38 =	vshrl.u32 v9, $0x3;
	v63 =	vadd.s32 v19, v44;
	v52 =	vmov s1;
	s1 =	sadd.s32 $0x9, s31;
	[tilespmem:v4+s22+$0x0] =	vst.idx.msk $0xffff, v2;
	v4 =	vld [tilespmem:s28+$0xFFFFFEF0]  }
.Ltmp6:
0x2a9: {  	v57 =	vld [tilespmem:s28+$0xFFFFFFB0];
	s0 =	sadd.s32 $0x6, s31;
	[tilespmem:v7+s22+$0x0] =	vst.idx.msk $0xffff, v6;
	v44 =	vadd.s32 v23, v47;
	v41 =	vshrl.u32 v10, $0x3;
	v45 =	vmov s1;
	s1 =	sadd.s32 $0xB, s31;
	(pc) =	sbr.rel @p0 .LBB2_9-.Ltmp6, $4  }
0x2aa: {  	v43 =	vld [tilespmem:s28+$0xB0];
	v2 =	vmov s0;
	s0 =	sadd.s32 $0x8, s31;
	v50 =	vmov s1;
	[tilespmem:v56+s22+$0x0] =	vst.idx.msk $0xffff, v54;
	v54 =	vshll.u32 v11, v1  }
0x2ab: {  	v42 =	vld [tilespmem:s28+$0x70];
	[tilespmem:v59+s22+$0x0] =	vst.idx.msk $0xffff, v58;
	s1 =	sadd.s32 $0xD, s31;
	v56 =	vshrl.u32 v55, $0x3;
	v55 =	vshrl.u32 v0, $0x3;
	v53 =	vmov s0;
	s0 =	sadd.s32 $0xA, s31  }
0x2ac: {  	v58 =	vld [tilespmem:s28+$0xFFFFFFF0];
	[tilespmem:v5+s22+$0x0] =	vst.idx.msk $0xffff, v3;
	v48 =	vmov s1;
	s1 =	sadd.s32 $0xE, s31;
	v39 =	vshrl.u32 v2, $0x3;
	v46 =	vmov s0;
	s0 =	sadd.s32 $0xC, s31  }
0x2ad: {  	v59 =	vld [tilespmem:s28+$0x30];
	v49 =	vmov s1;
	v51 =	vmov s0;
	s0 =	sadd.s32 $0xF, s31;
	s31 =	sadd.s32 $0x10, s31;
	[tilespmem:v40+s22+$0x0] =	vst.idx.msk $0xffff, v4;
	v40 =	vshrl.u32 v8, $0x3  }
0x2ae: {  	_ =	sdelay $0x3  }
0x2af: {  	[tilespmem:v60+s22+$0x0] =	vst.idx.msk $0xffff, v57  }
0x2b0: {  	v4 =	vld [tilespmem:$0x1FF00]  }
0x2b1: {  	v3 =	vld [tilespmem:s28+$0xF0];
	[tilespmem:v61+s22+$0x0] =	vst.idx.msk $0xffff, v58  }
0x2b2: {  	v60 =	vld [tilespmem:$0x1FF10];
	[tilespmem:v62+s22+$0x0] =	vst.idx.msk $0xffff, v59  }
0x2b3: {  	v58 =	vld [tilespmem:$0x1FF20];
	[tilespmem:v63+s22+$0x0] =	vst.idx.msk $0xffff, v42  }
0x2b4: {  	v57 =	vld [tilespmem:$0x1FF60]  }
0x2b5: {  	v61 =	vld [tilespmem:s28+$0xFFFFFE30];
	v4 =	vadd.s32 v4, v34;
	[tilespmem:v44+s22+$0x0] =	vst.idx.msk $0xffff, v43  }
0x2b6: {  	v2 =	vmov s0;
	v47 =	vadd.s32 v15, v33;
	v59 =	vshll.u32 v56, v1;
	v56 =	vld [tilespmem:$0x1FFA0]  }
0x2b7: {  	v0 =	vshrl.u32 v52, $0x3;
	v6 =	vld [tilespmem:s28+$0x130];
	v2 =	vshrl.u32 v2, $0x3;
	v7 =	vadd.s32 v60, v35  }
0x2b8: {  	v9 =	vld [tilespmem:s28+$0x170];
	v2 =	vshll.u32 v2, v1;
	v34 =	vbroadcast v54, $0x0;
	v10 =	vadd.s32 v58, v36  }
0x2b9: {  	v5 =	vshrl.u32 v53, $0x3;
	v52 =	vld [tilespmem:s28+$0x1B0];
	s1 =	sadd.s32 $0x400, s28;
	v2 =	vbroadcast v2, $0x0;
	v53 =	vadd.s32 v57, v37  }
0x2ba: {  	v63 =	vadd.s32 v12, v34;
	[tilespmem:v4+s22+$0x0] =	vst.idx.msk $0xffff, v3;
	v3 =	vld [tilespmem:s1+$0xFFFFFE00]  }
0x2bb: {  	v43 =	vld [tilespmem:s1+$0x1C0];
	[tilespmem:v47+s22+$0x0] =	vst.idx.msk $0xffff, v61;
	v44 =	vadd.s32 v56, v2  }
0x2bc: {  	[tilespmem:v7+s22+$0x0] =	vst.idx.msk $0xffff, v6  }
0x2bd: {  	v62 =	vshll.u32 v55, v1;
	v33 =	vbroadcast v59, $0x0;
	[tilespmem:v10+s22+$0x0] =	vst.idx.msk $0xffff, v9  }
0x2be: {  	v35 =	vbroadcast v62, $0x0;
	[tilespmem:v53+s22+$0x0] =	vst.idx.msk $0xffff, v52  }
0x2bf: {  	v55 =	vshll.u32 v38, v1;
	v6 =	vld [tilespmem:s1+$0xFFFFFE40];
	v7 =	vadd.s32 v16, v33;
	[tilespmem:v63+s22+$0x0] =	vst.idx.msk $0xffff, v3  }
0x2c0: {  	v54 =	vshll.u32 v40, v1;
	v9 =	vld [tilespmem:s1+$0xFFFFFE80];
	v10 =	vadd.s32 v20, v35;
	[tilespmem:v44+s22+$0x0] =	vst.idx.msk $0xffff, v43  }
0x2c1: {  	v36 =	vbroadcast v54, $0x0;
	v37 =	vbroadcast v55, $0x0;
	v55 =	vld [tilespmem:$0x1FF70]  }
0x2c2: {  	v42 =	vld [tilespmem:s1+$0xFFFFFEC0];
	v59 =	vshll.u32 v41, v1  }
0x2c3: {  	v8 =	vshrl.u32 v45, $0x3;
	v38 =	vbroadcast v59, $0x0;
	v61 =	vld [tilespmem:s1+$0xFFFFFF00];
	v45 =	vadd.s32 v24, v36  }
0x2c4: {  	v62 =	vadd.s32 v28, v37;
	v3 =	vld [tilespmem:s1+$0x1D0];
	[tilespmem:v7+s22+$0x0] =	vst.idx.msk $0xffff, v6  }
0x2c5: {  	v6 =	vld [tilespmem:s1+$0xFFFFFF40];
	v7 =	vadd.s32 v32, v38;
	[tilespmem:v10+s22+$0x0] =	vst.idx.msk $0xffff, v9  }
0x2c6: {  	v54 =	vld [tilespmem:$0x1FF30];
	v4 =	vadd.s32 v55, v2;
	_ =	sdelay $0x1  }
0x2c7: {  	v39 =	vshll.u32 v39, v1;
	[tilespmem:v45+s22+$0x0] =	vst.idx.msk $0xffff, v42  }
0x2c8: {  	v39 =	vbroadcast v39, $0x0;
	[tilespmem:v62+s22+$0x0] =	vst.idx.msk $0xffff, v61  }
0x2c9: {  	v11 =	vshrl.u32 v46, $0x3;
	v51 =	vshrl.u32 v51, $0x3;
	v0 =	vshll.u32 v0, v1;
	[tilespmem:v7+s22+$0x0] =	vst.idx.msk $0xffff, v6  }
0x2ca: {  	v40 =	vbroadcast v0, $0x0;
	v0 =	vshll.u32 v5, v1;
	v63 =	vld [tilespmem:s1+$0xFFFFFF80];
	v9 =	vadd.s32 v54, v39;
	[tilespmem:v4+s22+$0x0] =	vst.idx.msk $0xffff, v3  }
0x2cb: {  	v41 =	vbroadcast v0, $0x0;
	v0 =	vshll.u32 v8, v1;
	v3 =	vshll.u32 v51, v1;
	v51 =	vld [tilespmem:$0x1FF80]  }
0x2cc: {  	v11 =	vshll.u32 v11, v1;
	v8 =	vld [tilespmem:s1+$0xFFFFFFC0];
	v10 =	vadd.s32 v56, v40;
	v42 =	vbroadcast v0, $0x0  }
0x2cd: {  	v47 =	vld [tilespmem:s1+$0x0];
	v59 =	vadd.s32 v12, v41;
	v43 =	vbroadcast v11, $0x0  }
0x2ce: {  	v61 =	vld [tilespmem:s1+$0x40];
	v62 =	vadd.s32 v16, v42  }
0x2cf: {  	v7 =	vadd.s32 v20, v43;
	[tilespmem:v9+s22+$0x0] =	vst.idx.msk $0xffff, v63;
	v63 =	vld [tilespmem:s1+$0x80]  }
0x2d0: {  	v4 =	vld [tilespmem:s1+$0x1E0];
	v6 =	vadd.s32 v51, v2  }
0x2d1: {  	[tilespmem:v10+s22+$0x0] =	vst.idx.msk $0xffff, v8  }
0x2d2: {  	v50 =	vshrl.u32 v50, $0x3;
	[tilespmem:v59+s22+$0x0] =	vst.idx.msk $0xffff, v47  }
0x2d3: {  	v11 =	vshll.u32 v50, v1;
	[tilespmem:v62+s22+$0x0] =	vst.idx.msk $0xffff, v61  }
0x2d4: {  	v44 =	vbroadcast v11, $0x0;
	v0 =	vshrl.u32 v48, $0x3;
	[tilespmem:v7+s22+$0x0] =	vst.idx.msk $0xffff, v63  }
0x2d5: {  	v49 =	vshrl.u32 v49, $0x3;
	v0 =	vshll.u32 v0, v1;
	v45 =	vbroadcast v3, $0x0;
	v3 =	vld [tilespmem:s1+$0xC0];
	[tilespmem:v6+s22+$0x0] =	vst.idx.msk $0xffff, v4  }
0x2d6: {  	v46 =	vbroadcast v0, $0x0;
	v0 =	vshll.u32 v49, v1;
	v8 =	vadd.s32 v24, v44;
	v52 =	vld [tilespmem:$0x1FF90]  }
0x2d7: {  	v47 =	vbroadcast v0, $0x0;
	v9 =	vld [tilespmem:s1+$0x100];
	v10 =	vadd.s32 v28, v45  }
0x2d8: {  	v11 =	vadd.s32 v32, v46;
	v0 =	vld [tilespmem:s1+$0x140]  }
0x2d9: {  	v59 =	vld [tilespmem:s1+$0x180];
	v61 =	vadd.s32 v54, v47  }
0x2da: {  	v62 =	vld [tilespmem:s1+$0xFFFFFE50];
	v6 =	vadd.s32 v17, v33  }
0x2db: {  	v4 =	vld [tilespmem:s1+$0x1F0];
	[tilespmem:v8+s22+$0x0] =	vst.idx.msk $0xffff, v3;
	v2 =	vadd.s32 v52, v2  }
0x2dc: {  	[tilespmem:v10+s22+$0x0] =	vst.idx.msk $0xffff, v9  }
0x2dd: {  	v7 =	vadd.s32 v21, v35;
	v3 =	vld [tilespmem:s1+$0xFFFFFE90];
	[tilespmem:v11+s22+$0x0] =	vst.idx.msk $0xffff, v0  }
0x2de: {  	v8 =	vld [tilespmem:s1+$0xFFFFFED0];
	v9 =	vadd.s32 v25, v36;
	[tilespmem:v61+s22+$0x0] =	vst.idx.msk $0xffff, v59  }
0x2df: {  	v0 =	vld [tilespmem:s1+$0xFFFFFF10];
	v10 =	vadd.s32 v29, v37;
	[tilespmem:v6+s22+$0x0] =	vst.idx.msk $0xffff, v62  }
0x2e0: {  	v11 =	vld [tilespmem:s1+$0xFFFFFF50];
	[tilespmem:v2+s22+$0x0] =	vst.idx.msk $0xffff, v4  }
0x2e1: {  	v63 =	vadd.s32 v31, v38;
	v53 =	vld [tilespmem:$0x1FF40]  }
0x2e2: {  	v59 =	vadd.s32 v55, v40;
	[tilespmem:v7+s22+$0x0] =	vst.idx.msk $0xffff, v3;
	v3 =	vld [tilespmem:s1+$0xFFFFFFD0]  }
0x2e3: {  	v6 =	vld [tilespmem:s1+$0x10];
	[tilespmem:v9+s22+$0x0] =	vst.idx.msk $0xffff, v8;
	v7 =	vadd.s32 v13, v41  }
0x2e4: {  	[tilespmem:v10+s22+$0x0] =	vst.idx.msk $0xffff, v0;
	v0 =	vld [tilespmem:s1+$0x50];
	v8 =	vadd.s32 v17, v42  }
0x2e5: {  	v9 =	vld [tilespmem:s1+$0x90];
	v10 =	vadd.s32 v21, v43  }
0x2e6: {  	[tilespmem:v63+s22+$0x0] =	vst.idx.msk $0xffff, v11;
	v11 =	vld [tilespmem:s1+$0xFFFFFE10];
	v63 =	vadd.s32 v13, v34  }
0x2e7: {  	v2 =	vld [tilespmem:s1+$0xFFFFFF90];
	v54 =	vadd.s32 v53, v39;
	[tilespmem:v59+s22+$0x0] =	vst.idx.msk $0xffff, v3  }
0x2e8: {  	v62 =	vadd.s32 v29, v45;
	v3 =	vld [tilespmem:s1+$0x110];
	[tilespmem:v7+s22+$0x0] =	vst.idx.msk $0xffff, v6  }
0x2e9: {  	v6 =	vld [tilespmem:s1+$0x150];
	v7 =	vadd.s32 v31, v46;
	[tilespmem:v8+s22+$0x0] =	vst.idx.msk $0xffff, v0  }
0x2ea: {  	v0 =	vld [tilespmem:s1+$0x190];
	v8 =	vadd.s32 v53, v47;
	[tilespmem:v10+s22+$0x0] =	vst.idx.msk $0xffff, v9  }
0x2eb: {  	v9 =	vld [tilespmem:s1+$0xFFFFFE60];
	v10 =	vadd.s32 v18, v33;
	[tilespmem:v63+s22+$0x0] =	vst.idx.msk $0xffff, v11  }
0x2ec: {  	v61 =	vadd.s32 v25, v44;
	[tilespmem:v54+s22+$0x0] =	vst.idx.msk $0xffff, v2;
	v2 =	vld [tilespmem:s1+$0xD0]  }
0x2ed: {  	[tilespmem:v62+s22+$0x0] =	vst.idx.msk $0xffff, v3  }
0x2ee: {  	[tilespmem:v7+s22+$0x0] =	vst.idx.msk $0xffff, v6  }
0x2ef: {  	[tilespmem:v8+s22+$0x0] =	vst.idx.msk $0xffff, v0  }
0x2f0: {  	[tilespmem:v10+s22+$0x0] =	vst.idx.msk $0xffff, v9  }
0x2f1: {  	v53 =	vadd.s32 v22, v35;
	[tilespmem:v61+s22+$0x0] =	vst.idx.msk $0xffff, v2;
	v2 =	vld [tilespmem:s1+$0xFFFFFEA0]  }
0x2f2: {  	v49 =	vld [tilespmem:$0x1FF50]  }
0x2f3: {  	v3 =	vld [tilespmem:s1+$0xFFFFFEE0];
	v54 =	vadd.s32 v26, v36  }
0x2f4: {  	v6 =	vld [tilespmem:s1+$0xFFFFFF20];
	v7 =	vadd.s32 v30, v37  }
0x2f5: {  	v0 =	vld [tilespmem:s1+$0xFFFFFF60];
	v8 =	vadd.s32 v27, v38  }
0x2f6: {  	v55 =	vadd.s32 v51, v40;
	[tilespmem:v53+s22+$0x0] =	vst.idx.msk $0xffff, v2;
	v2 =	vld [tilespmem:s1+$0xFFFFFFE0]  }
0x2f7: {  	v9 =	vld [tilespmem:s1+$0xFFFFFFA0];
	v10 =	vadd.s32 v49, v39  }
0x2f8: {  	v59 =	vadd.s32 v14, v41;
	[tilespmem:v54+s22+$0x0] =	vst.idx.msk $0xffff, v3;
	v3 =	vld [tilespmem:s1+$0x20]  }
0x2f9: {  	[tilespmem:v7+s22+$0x0] =	vst.idx.msk $0xffff, v6;
	v6 =	vld [tilespmem:s1+$0x60];
	v7 =	vadd.s32 v18, v42  }
0x2fa: {  	[tilespmem:v8+s22+$0x0] =	vst.idx.msk $0xffff, v0;
	v0 =	vld [tilespmem:s1+$0xA0];
	v8 =	vadd.s32 v22, v43  }
0x2fb: {  	v61 =	vadd.s32 v30, v45;
	[tilespmem:v55+s22+$0x0] =	vst.idx.msk $0xffff, v2;
	v2 =	vld [tilespmem:s1+$0x120]  }
0x2fc: {  	[tilespmem:v10+s22+$0x0] =	vst.idx.msk $0xffff, v9;
	v9 =	vld [tilespmem:s1+$0xE0];
	v10 =	vadd.s32 v26, v44  }
0x2fd: {  	[tilespmem:v59+s22+$0x0] =	vst.idx.msk $0xffff, v3  }
0x2fe: {  	[tilespmem:v7+s22+$0x0] =	vst.idx.msk $0xffff, v6  }
0x2ff: {  	v11 =	vld [tilespmem:s1+$0xFFFFFE20];
	[tilespmem:v8+s22+$0x0] =	vst.idx.msk $0xffff, v0  }
0x300: {  	v62 =	vadd.s32 v27, v46;
	v3 =	vld [tilespmem:s1+$0x160];
	[tilespmem:v61+s22+$0x0] =	vst.idx.msk $0xffff, v2  }
0x301: {  	v6 =	vld [tilespmem:s1+$0x1A0];
	v7 =	vadd.s32 v49, v47;
	[tilespmem:v10+s22+$0x0] =	vst.idx.msk $0xffff, v9  }
0x302: {  	v63 =	vadd.s32 v14, v34;
	v51 =	vld [tilespmem:$0x1FF00]  }
0x303: {  	v0 =	vld [tilespmem:s1+$0xFFFFFE70];
	v8 =	vadd.s32 v19, v33  }
0x304: {  	v9 =	vld [tilespmem:s1+$0xFFFFFEB0];
	v10 =	vadd.s32 v23, v35  }
0x305: {  	v54 =	vadd.s32 v60, v37;
	[tilespmem:v62+s22+$0x0] =	vst.idx.msk $0xffff, v3;
	v3 =	vld [tilespmem:s1+$0xFFFFFF30]  }
0x306: {  	[tilespmem:v7+s22+$0x0] =	vst.idx.msk $0xffff, v6;
	v6 =	vld [tilespmem:s1+$0xFFFFFF70];
	v7 =	vadd.s32 v58, v38  }
0x307: {  	v2 =	vld [tilespmem:s1+$0xFFFFFEF0];
	[tilespmem:v63+s22+$0x0] =	vst.idx.msk $0xffff, v11;
	v53 =	vadd.s32 v51, v36  }
0x308: {  	[tilespmem:v8+s22+$0x0] =	vst.idx.msk $0xffff, v0;
	v0 =	vld [tilespmem:s1+$0xFFFFFFB0];
	v8 =	vadd.s32 v57, v39  }
0x309: {  	v63 =	vadd.s32 v15, v34;
	v11 =	vld [tilespmem:s1+$0xFFFFFE30];
	[tilespmem:v10+s22+$0x0] =	vst.idx.msk $0xffff, v9  }
0x30a: {  	v9 =	vld [tilespmem:s1+$0xFFFFFFF0];
	v10 =	vadd.s32 v52, v40;
	[tilespmem:v54+s22+$0x0] =	vst.idx.msk $0xffff, v3  }
0x30b: {  	v59 =	vadd.s32 v19, v42;
	v3 =	vld [tilespmem:s1+$0x70];
	[tilespmem:v7+s22+$0x0] =	vst.idx.msk $0xffff, v6  }
0x30c: {  	v55 =	vadd.s32 v15, v41;
	[tilespmem:v53+s22+$0x0] =	vst.idx.msk $0xffff, v2;
	v2 =	vld [tilespmem:s1+$0x30]  }
0x30d: {  	v6 =	vld [tilespmem:s1+$0xB0];
	v7 =	vadd.s32 v23, v43;
	[tilespmem:v8+s22+$0x0] =	vst.idx.msk $0xffff, v0  }
0x30e: {  	v0 =	vld [tilespmem:s1+$0xF0];
	v8 =	vadd.s32 v51, v44;
	[tilespmem:v63+s22+$0x0] =	vst.idx.msk $0xffff, v11  }
0x30f: {  	[tilespmem:v10+s22+$0x0] =	vst.idx.msk $0xffff, v9;
	v9 =	vld [tilespmem:s1+$0x130];
	v10 =	vadd.s32 v60, v45  }
0x310: {  	v62 =	vadd.s32 v57, v47;
	[tilespmem:v59+s22+$0x0] =	vst.idx.msk $0xffff, v3;
	v3 =	vld [tilespmem:s1+$0x1B0]  }
0x311: {  	v61 =	vadd.s32 v58, v46;
	[tilespmem:v55+s22+$0x0] =	vst.idx.msk $0xffff, v2;
	v2 =	vld [tilespmem:s1+$0x170]  }
0x312: {  	[tilespmem:v7+s22+$0x0] =	vst.idx.msk $0xffff, v6  }
0x313: {  	[tilespmem:v8+s22+$0x0] =	vst.idx.msk $0xffff, v0  }
0x314: {  	[tilespmem:v10+s22+$0x0] =	vst.idx.msk $0xffff, v9  }
0x315: {  	[tilespmem:v62+s22+$0x0] =	vst.idx.msk $0xffff, v3  }
0x316: {  	s0 =	sadd.s32 s2, s14;
	[tilespmem:v61+s22+$0x0] =	vst.idx.msk $0xffff, v2  }
0x317: {  	[hbm4b:s0+s3] =	stream.linear.scatter [tilespmem:s22], [sflag:$0x4], $0x80, $0x38;
	[tilespmem:$0xE800] =	vst v63  }
0x318: {  	s31 =	simm.s32 $0xC688;
	s1 =	sadd.s32 $0x10, s0  }
0x319: {  	[hbm4b:s1+s3] =	stream.linear.scatter [tilespmem:s31], [sflag:$0x4], $0x80, $0x38;
	[tilespmem:$0xE800] =	vst v63  }
0x31a: {  	s1 =	sadd.s32 $0x20, s0;
	s31 =	simm.s32 $0xC710  }
0x31b: {  	[hbm4b:s1+s3] =	stream.linear.scatter [tilespmem:s31], [sflag:$0x4], $0x80, $0x38;
	[tilespmem:$0xE800] =	vst v63  }
0x31c: {  	s1 =	sadd.s32 $0x30, s0;
	s31 =	simm.s32 $0xC798  }
0x31d: {  	[hbm4b:s1+s3] =	stream.linear.scatter [tilespmem:s31], [sflag:$0x4], $0x80, $0x38;
	[tilespmem:$0xE800] =	vst v63  }
0x31e: {  	s1 =	sadd.s32 $0x40, s0;
	s31 =	simm.s32 $0xC820  }
0x31f: {  	[hbm4b:s1+s3] =	stream.linear.scatter [tilespmem:s31], [sflag:$0x4], $0x80, $0x38;
	[tilespmem:$0xE800] =	vst v63  }
0x320: {  	s1 =	sadd.s32 $0x50, s0;
	s31 =	simm.s32 $0xC8A8  }
0x321: {  	[hbm4b:s1+s3] =	stream.linear.scatter [tilespmem:s31], [sflag:$0x4], $0x80, $0x38;
	[tilespmem:$0xE800] =	vst v63  }
0x322: {  	s1 =	sadd.s32 $0x60, s0;
	s31 =	simm.s32 $0xC930  }
0x323: {  	[hbm4b:s1+s3] =	stream.linear.scatter [tilespmem:s31], [sflag:$0x4], $0x80, $0x38;
	[tilespmem:$0xE800] =	vst v63  }
0x324: {  	s0 =	sadd.s32 $0x70, s0;
	s31 =	simm.s32 $0xC9B8  }
0x325: {  	[hbm4b:s0+s3] =	stream.linear.scatter [tilespmem:s31], [sflag:$0x4], $0x80, $0x38;
	[tilespmem:$0xE800] =	vst v63  }
0x326: {  	s28 =	simm.s32 $0xCA40;
	s0 =	sadd.s32 s2, s15  }
0x327: {  	[hbm4b:s0+s3] =	stream.linear.scatter [tilespmem:s28], [sflag:$0x4], $0x80, $0x38;
	[tilespmem:$0xE800] =	vst v63  }
0x328: {  	s31 =	simm.s32 $0xCAC8;
	s1 =	sadd.s32 $0x10, s0  }
0x329: {  	[hbm4b:s1+s3] =	stream.linear.scatter [tilespmem:s31], [sflag:$0x4], $0x80, $0x38;
	[tilespmem:$0xE800] =	vst v63  }
0x32a: {  	s1 =	sadd.s32 $0x20, s0;
	s31 =	simm.s32 $0xCB50  }
0x32b: {  	[hbm4b:s1+s3] =	stream.linear.scatter [tilespmem:s31], [sflag:$0x4], $0x80, $0x38;
	[tilespmem:$0xE800] =	vst v63  }
0x32c: {  	s1 =	sadd.s32 $0x30, s0;
	s31 =	simm.s32 $0xCBD8  }
0x32d: {  	[hbm4b:s1+s3] =	stream.linear.scatter [tilespmem:s31], [sflag:$0x4], $0x80, $0x38;
	[tilespmem:$0xE800] =	vst v63  }
0x32e: {  	s1 =	sadd.s32 $0x40, s0;
	s31 =	simm.s32 $0xCC60  }
0x32f: {  	[hbm4b:s1+s3] =	stream.linear.scatter [tilespmem:s31], [sflag:$0x4], $0x80, $0x38;
	[tilespmem:$0xE800] =	vst v63  }
0x330: {  	s1 =	sadd.s32 $0x50, s0;
	s31 =	simm.s32 $0xCCE8  }
0x331: {  	[hbm4b:s1+s3] =	stream.linear.scatter [tilespmem:s31], [sflag:$0x4], $0x80, $0x38;
	[tilespmem:$0xE800] =	vst v63  }
0x332: {  	s1 =	sadd.s32 $0x60, s0;
	s31 =	simm.s32 $0xCD70  }
0x333: {  	[hbm4b:s1+s3] =	stream.linear.scatter [tilespmem:s31], [sflag:$0x4], $0x80, $0x38;
	[tilespmem:$0xE800] =	vst v63  }
0x334: {  	s0 =	sadd.s32 $0x70, s0;
	s31 =	simm.s32 $0xCDF8  }
0x335: {  	[hbm4b:s0+s3] =	stream.linear.scatter [tilespmem:s31], [sflag:$0x4], $0x80, $0x38;
	[tilespmem:$0xE800] =	vst v63  }
0x336: {  	s28 =	simm.s32 $0xCE80;
	s0 =	sadd.s32 s2, s16  }
0x337: {  	[hbm4b:s0+s3] =	stream.linear.scatter [tilespmem:s28], [sflag:$0x4], $0x80, $0x38;
	[tilespmem:$0xE800] =	vst v63  }
0x338: {  	s31 =	simm.s32 $0xCF08;
	s1 =	sadd.s32 $0x10, s0  }
0x339: {  	[hbm4b:s1+s3] =	stream.linear.scatter [tilespmem:s31], [sflag:$0x4], $0x80, $0x38;
	[tilespmem:$0xE800] =	vst v63  }
0x33a: {  	s1 =	sadd.s32 $0x20, s0;
	s31 =	simm.s32 $0xCF90  }
0x33b: {  	[hbm4b:s1+s3] =	stream.linear.scatter [tilespmem:s31], [sflag:$0x4], $0x80, $0x38;
	[tilespmem:$0xE800] =	vst v63  }
0x33c: {  	s1 =	sadd.s32 $0x30, s0;
	s31 =	simm.s32 $0xD018  }
0x33d: {  	[hbm4b:s1+s3] =	stream.linear.scatter [tilespmem:s31], [sflag:$0x4], $0x80, $0x38;
	[tilespmem:$0xE800] =	vst v63  }
0x33e: {  	s1 =	sadd.s32 $0x40, s0;
	s31 =	simm.s32 $0xD0A0  }
0x33f: {  	[hbm4b:s1+s3] =	stream.linear.scatter [tilespmem:s31], [sflag:$0x4], $0x80, $0x38;
	[tilespmem:$0xE800] =	vst v63  }
0x340: {  	s1 =	sadd.s32 $0x50, s0;
	s31 =	simm.s32 $0xD128  }
0x341: {  	[hbm4b:s1+s3] =	stream.linear.scatter [tilespmem:s31], [sflag:$0x4], $0x80, $0x38;
	[tilespmem:$0xE800] =	vst v63  }
0x342: {  	s1 =	sadd.s32 $0x60, s0;
	s31 =	simm.s32 $0xD1B0  }
0x343: {  	[hbm4b:s1+s3] =	stream.linear.scatter [tilespmem:s31], [sflag:$0x4], $0x80, $0x38;
	[tilespmem:$0xE800] =	vst v63  }
0x344: {  	s0 =	sadd.s32 $0x70, s0;
	s31 =	simm.s32 $0xD238  }
0x345: {  	[hbm4b:s0+s3] =	stream.linear.scatter [tilespmem:s31], [sflag:$0x4], $0x80, $0x38;
	[tilespmem:$0xE800] =	vst v63  }
0x346: {  	s28 =	simm.s32 $0xD2C0;
	s0 =	sadd.s32 s2, s17  }
0x347: {  	[hbm4b:s0+s3] =	stream.linear.scatter [tilespmem:s28], [sflag:$0x4], $0x80, $0x38;
	[tilespmem:$0xE800] =	vst v63  }
0x348: {  	s31 =	simm.s32 $0xD348;
	s1 =	sadd.s32 $0x10, s0  }
0x349: {  	[hbm4b:s1+s3] =	stream.linear.scatter [tilespmem:s31], [sflag:$0x4], $0x80, $0x38;
	[tilespmem:$0xE800] =	vst v63  }
0x34a: {  	s1 =	sadd.s32 $0x20, s0;
	s31 =	simm.s32 $0xD3D0  }
0x34b: {  	[hbm4b:s1+s3] =	stream.linear.scatter [tilespmem:s31], [sflag:$0x4], $0x80, $0x38;
	[tilespmem:$0xE800] =	vst v63  }
0x34c: {  	s1 =	sadd.s32 $0x30, s0;
	s31 =	simm.s32 $0xD458  }
0x34d: {  	[hbm4b:s1+s3] =	stream.linear.scatter [tilespmem:s31], [sflag:$0x4], $0x80, $0x38;
	[tilespmem:$0xE800] =	vst v63  }
0x34e: {  	s1 =	sadd.s32 $0x40, s0;
	s31 =	simm.s32 $0xD4E0  }
0x34f: {  	[hbm4b:s1+s3] =	stream.linear.scatter [tilespmem:s31], [sflag:$0x4], $0x80, $0x38;
	[tilespmem:$0xE800] =	vst v63  }
0x350: {  	s1 =	sadd.s32 $0x50, s0;
	s31 =	simm.s32 $0xD568  }
0x351: {  	[hbm4b:s1+s3] =	stream.linear.scatter [tilespmem:s31], [sflag:$0x4], $0x80, $0x38;
	[tilespmem:$0xE800] =	vst v63  }
0x352: {  	s1 =	sadd.s32 $0x60, s0;
	s31 =	simm.s32 $0xD5F0  }
0x353: {  	[hbm4b:s1+s3] =	stream.linear.scatter [tilespmem:s31], [sflag:$0x4], $0x80, $0x38;
	[tilespmem:$0xE800] =	vst v63  }
0x354: {  	s0 =	sadd.s32 $0x70, s0;
	s31 =	simm.s32 $0xD678  }
0x355: {  	[hbm4b:s0+s3] =	stream.linear.scatter [tilespmem:s31], [sflag:$0x4], $0x80, $0x38;
	[tilespmem:$0xE800] =	vst v63  }
0x356: {  	s28 =	simm.s32 $0xD700;
	s0 =	sadd.s32 s2, s18  }
0x357: {  	[hbm4b:s0+s3] =	stream.linear.scatter [tilespmem:s28], [sflag:$0x4], $0x80, $0x38;
	[tilespmem:$0xE800] =	vst v63  }
0x358: {  	s31 =	simm.s32 $0xD788;
	s1 =	sadd.s32 $0x10, s0  }
0x359: {  	[hbm4b:s1+s3] =	stream.linear.scatter [tilespmem:s31], [sflag:$0x4], $0x80, $0x38;
	[tilespmem:$0xE800] =	vst v63  }
0x35a: {  	s1 =	sadd.s32 $0x20, s0;
	s31 =	simm.s32 $0xD810  }
0x35b: {  	[hbm4b:s1+s3] =	stream.linear.scatter [tilespmem:s31], [sflag:$0x4], $0x80, $0x38;
	[tilespmem:$0xE800] =	vst v63  }
0x35c: {  	s1 =	sadd.s32 $0x30, s0;
	s31 =	simm.s32 $0xD898  }
0x35d: {  	[hbm4b:s1+s3] =	stream.linear.scatter [tilespmem:s31], [sflag:$0x4], $0x80, $0x38;
	[tilespmem:$0xE800] =	vst v63  }
0x35e: {  	s1 =	sadd.s32 $0x40, s0;
	s31 =	simm.s32 $0xD920  }
0x35f: {  	[hbm4b:s1+s3] =	stream.linear.scatter [tilespmem:s31], [sflag:$0x4], $0x80, $0x38;
	[tilespmem:$0xE800] =	vst v63  }
0x360: {  	s1 =	sadd.s32 $0x50, s0;
	s31 =	simm.s32 $0xD9A8  }
0x361: {  	[hbm4b:s1+s3] =	stream.linear.scatter [tilespmem:s31], [sflag:$0x4], $0x80, $0x38;
	[tilespmem:$0xE800] =	vst v63  }
0x362: {  	s1 =	sadd.s32 $0x60, s0;
	s31 =	simm.s32 $0xDA30  }
0x363: {  	[hbm4b:s1+s3] =	stream.linear.scatter [tilespmem:s31], [sflag:$0x4], $0x80, $0x38;
	[tilespmem:$0xE800] =	vst v63  }
0x364: {  	s0 =	sadd.s32 $0x70, s0;
	s31 =	simm.s32 $0xDAB8  }
0x365: {  	[hbm4b:s0+s3] =	stream.linear.scatter [tilespmem:s31], [sflag:$0x4], $0x80, $0x38;
	[tilespmem:$0xE800] =	vst v63  }
0x366: {  	s28 =	simm.s32 $0xDB40;
	s0 =	sadd.s32 s2, s19  }
0x367: {  	[hbm4b:s0+s3] =	stream.linear.scatter [tilespmem:s28], [sflag:$0x4], $0x80, $0x38;
	[tilespmem:$0xE800] =	vst v63  }
0x368: {  	s31 =	simm.s32 $0xDBC8;
	s1 =	sadd.s32 $0x10, s0  }
0x369: {  	[hbm4b:s1+s3] =	stream.linear.scatter [tilespmem:s31], [sflag:$0x4], $0x80, $0x38;
	[tilespmem:$0xE800] =	vst v63  }
0x36a: {  	s1 =	sadd.s32 $0x20, s0;
	s31 =	simm.s32 $0xDC50  }
0x36b: {  	[hbm4b:s1+s3] =	stream.linear.scatter [tilespmem:s31], [sflag:$0x4], $0x80, $0x38;
	[tilespmem:$0xE800] =	vst v63  }
0x36c: {  	s1 =	sadd.s32 $0x30, s0;
	s31 =	simm.s32 $0xDCD8  }
0x36d: {  	[hbm4b:s1+s3] =	stream.linear.scatter [tilespmem:s31], [sflag:$0x4], $0x80, $0x38;
	[tilespmem:$0xE800] =	vst v63  }
0x36e: {  	s1 =	sadd.s32 $0x40, s0;
	s31 =	simm.s32 $0xDD60  }
0x36f: {  	[hbm4b:s1+s3] =	stream.linear.scatter [tilespmem:s31], [sflag:$0x4], $0x80, $0x38;
	[tilespmem:$0xE800] =	vst v63  }
0x370: {  	s1 =	sadd.s32 $0x50, s0;
	s31 =	simm.s32 $0xDDE8  }
0x371: {  	[hbm4b:s1+s3] =	stream.linear.scatter [tilespmem:s31], [sflag:$0x4], $0x80, $0x38;
	[tilespmem:$0xE800] =	vst v63  }
0x372: {  	s1 =	sadd.s32 $0x60, s0;
	s31 =	simm.s32 $0xDE70  }
0x373: {  	[hbm4b:s1+s3] =	stream.linear.scatter [tilespmem:s31], [sflag:$0x4], $0x80, $0x38;
	[tilespmem:$0xE800] =	vst v63  }
0x374: {  	s0 =	sadd.s32 $0x70, s0;
	s31 =	simm.s32 $0xDEF8  }
0x375: {  	[hbm4b:s0+s3] =	stream.linear.scatter [tilespmem:s31], [sflag:$0x4], $0x80, $0x38;
	[tilespmem:$0xE800] =	vst v63  }
0x376: {  	s28 =	simm.s32 $0xDF80;
	s0 =	sadd.s32 s2, s20  }
0x377: {  	[hbm4b:s0+s3] =	stream.linear.scatter [tilespmem:s28], [sflag:$0x4], $0x80, $0x38;
	[tilespmem:$0xE800] =	vst v63  }
0x378: {  	s31 =	simm.s32 $0xE008;
	s1 =	sadd.s32 $0x10, s0  }
0x379: {  	[hbm4b:s1+s3] =	stream.linear.scatter [tilespmem:s31], [sflag:$0x4], $0x80, $0x38;
	[tilespmem:$0xE800] =	vst v63  }
0x37a: {  	s1 =	sadd.s32 $0x20, s0;
	s31 =	simm.s32 $0xE090  }
0x37b: {  	[hbm4b:s1+s3] =	stream.linear.scatter [tilespmem:s31], [sflag:$0x4], $0x80, $0x38;
	[tilespmem:$0xE800] =	vst v63  }
0x37c: {  	s1 =	sadd.s32 $0x30, s0;
	s31 =	simm.s32 $0xE118  }
0x37d: {  	[hbm4b:s1+s3] =	stream.linear.scatter [tilespmem:s31], [sflag:$0x4], $0x80, $0x38;
	[tilespmem:$0xE800] =	vst v63  }
0x37e: {  	s1 =	sadd.s32 $0x40, s0;
	s31 =	simm.s32 $0xE1A0  }
0x37f: {  	[hbm4b:s1+s3] =	stream.linear.scatter [tilespmem:s31], [sflag:$0x4], $0x80, $0x38;
	[tilespmem:$0xE800] =	vst v63  }
0x380: {  	s1 =	sadd.s32 $0x50, s0;
	s31 =	simm.s32 $0xE228  }
0x381: {  	[hbm4b:s1+s3] =	stream.linear.scatter [tilespmem:s31], [sflag:$0x4], $0x80, $0x38;
	[tilespmem:$0xE800] =	vst v63  }
0x382: {  	s1 =	sadd.s32 $0x60, s0;
	s31 =	simm.s32 $0xE2B0  }
0x383: {  	[hbm4b:s1+s3] =	stream.linear.scatter [tilespmem:s31], [sflag:$0x4], $0x80, $0x38;
	[tilespmem:$0xE800] =	vst v63  }
0x384: {  	s0 =	sadd.s32 $0x70, s0;
	s31 =	simm.s32 $0xE338  }
0x385: {  	[hbm4b:s0+s3] =	stream.linear.scatter [tilespmem:s31], [sflag:$0x4], $0x80, $0x38;
	[tilespmem:$0xE800] =	vst v63  }
0x386: {  	s0 =	sadd.s32 s2, s21;
	s2 =	simm.s32 $0xE3C0  }
0x387: {  	[hbm4b:s0+s3] =	stream.linear.scatter [tilespmem:s2], [sflag:$0x4], $0x80, $0x38;
	[tilespmem:$0xE800] =	vst v63  }
0x388: {  	s31 =	simm.s32 $0xE448;
	s28 =	sadd.s32 $0x10, s0  }
0x389: {  	[hbm4b:s28+s3] =	stream.linear.scatter [tilespmem:s31], [sflag:$0x4], $0x80, $0x38;
	[tilespmem:$0xE800] =	vst v63  }
0x38a: {  	s28 =	sadd.s32 $0x20, s0;
	s31 =	simm.s32 $0xE4D0  }
0x38b: {  	[hbm4b:s28+s3] =	stream.linear.scatter [tilespmem:s31], [sflag:$0x4], $0x80, $0x38;
	[tilespmem:$0xE800] =	vst v63  }
0x38c: {  	s28 =	sadd.s32 $0x30, s0;
	s31 =	simm.s32 $0xE558  }
0x38d: {  	[hbm4b:s28+s3] =	stream.linear.scatter [tilespmem:s31], [sflag:$0x4], $0x80, $0x38;
	[tilespmem:$0xE800] =	vst v63  }
0x38e: {  	s28 =	sadd.s32 $0x40, s0;
	s31 =	simm.s32 $0xE5E0  }
0x38f: {  	[hbm4b:s28+s3] =	stream.linear.scatter [tilespmem:s31], [sflag:$0x4], $0x80, $0x38;
	[tilespmem:$0xE800] =	vst v63  }
0x390: {  	p0 =	seq.s32 s25, $0x63;
	s28 =	sadd.s32 $0x50, s0;
	s31 =	simm.s32 $0xE668  }
0x391: {  	[hbm4b:s28+s3] =	stream.linear.scatter [tilespmem:s31], [sflag:$0x4], $0x80, $0x38;
	[tilespmem:$0xE800] =	vst v63  }
.Ltmp7:
0x392: {  	_ = 	snop;
	(pc) =	sbr.rel @p0 .LBB2_12-.Ltmp7, $4  }
0x393: {  	s2 =	sadd.s32 $0x60, s0;
	s28 =	simm.s32 $0xE6F0  }
0x394: {  	[hbm4b:s2+s3] =	stream.linear.scatter [tilespmem:s28], [sflag:$0x4], $0x80, $0x38;
	[tilespmem:$0xE800] =	vst v63  }
0x395: {  	s0 =	sadd.s32 $0x70, s0;
	s31 =	simm.s32 $0xE778  }
0x396: {  	v8 =	vmov v56;
	[hbm4b:s0+s3] =	stream.linear.scatter [tilespmem:s31], [sflag:$0x4], $0x80, $0x38;
	[tilespmem:$0xE800] =	vst v63  }
.Ltmp8:
0x397: {  	(pc) =	sbr.rel .LBB2_2-.Ltmp8, $4  }
0x398: {  	_ = 	snop  }
0x399: {  	s0 =	sshrl.u32 s26, $0x2  }
0x39a: {  	s1 =	simm.s32 $0x8400;
	s25 =	sadd.s32 $0x1, s25;
	s0 =	sadd.s32 $0x180, s0  }
0x39b: {  	[tilespmem:s1], [sflag:$0x2] =	stream.indirect.gather [hbm4b:s4+s23], $0x40, s0, s23, $0xb8;
	[tilespmem:$0xE800] =	vst v63  }
.LBB2_13:
0x39c: {  	_ =	sfence.sel $0x180000  }
0x39d: {  	[bflag:$0x0] =	sbarrier.arrive $0xFFFF  }
0x39e: {  	_ =	strace $0x90000047  }
0x39f: {  	s0 =	stileid.u32;
	[bflag:$0x2] =	sbarrier.arrive $0xFFFF  }
0x3a0: {  	p0 =	sne.s32 s0, $0x0;
	s0 =	rddreg [dreg:$0x2]  }
0x3a1: {  	s0 =	sadd.s32 @!p0 $0x100000, s0  }
0x3a2: {  	[sflag:s0] =	ssyncadd.tile.s32 @!p0 $0x1;
	_ =	shalt  }
.Lfunc_end2:
_tile_overlayer_lowered:
.L_overlay_start_2:
0x3a3: {  	(tag) =	ssettag $0x2  }
0x3a4: {  	s0 =	rddreg [dreg:$0x0];
	s2 =	stileid.u32  }
0x3a5: {  	s1 =	rddreg [dreg:$0x1];
	p0 =	sne.s32 s2, $0x0  }
0x3a6: {  	s3 =	rddreg [dreg:$0x2];
	[bflag:$0x3] =	sbarrier.arrive $0xFFFF;
	s2 =	simm.s32 @!p0 $0x1C05  }
0x3a7: {  	[timem:s3], [sflag:s2] =	dma.local @!p0 [hbm:s0], s1  }
0x3a8: {  	s0 =	simm.s32 @!p0 $0x5  }
0x3a9: {  	_ =	swait.ge @!p0 [sflag:s0], s1  }
0x3aa: {  	s1 =	ssub.s32 @!p0 $0x0, s1;
	[sflag:s0] =	ssyncset.done @!p0 $0x0  }
0x3ab: {  	[sflag:s0] =	ssyncadd.s32 @!p0 s1  }
0x3ac: {  	[bflag:$0x3] =	sbarrier.arrive $0xFFFF  }
0x3ad: {  	_ =	shalt  }

</sc_bundles>
